<compile_context>
chip_gen: v7x
topology: tpu7x:2x2x1
jax: 0.10.2.dev20260603
libtpu: 0.0.44.dev20260713+nightly
codegen_flags: <defaults>
</compile_context>

<pallas_src>
import functools

import jax
import jax.numpy as jnp
from jax import lax
from jax.experimental import pallas as pl
from jax.experimental.pallas import tpu as pltpu
from jax.experimental.pallas import tpu_sc as plsc

N = 10000
E = 320000
D_IN = 128
D_H = 128
D_OUT = 40
D_OUT_PAD = 64

NPAD = 10240
BLK = 512
CHUNK = 128
NW = 32
NCH = 80
HCH = NCH // 2
EPT = NCH * CHUNK
EPAD = NW * EPT
ZROWS = NPAD // 16
NBUF = 2



def _mm_body(x_ref, w_ref, o_ref):
    o_ref[...] = jnp.dot(x_ref[...], w_ref[...],
                         preferred_element_type=jnp.float32)


def _norms_scale_body(dsrc_ref, ddst_ref, mm_ref, ns_ref, nd_ref, hs_ref):
    ds = dsrc_ref[0, :, :1] + dsrc_ref[1, :, :1]
    dd = ddst_ref[0, :, :1] + ddst_ref[1, :, :1]
    ns = jnp.where(ds > 0, lax.rsqrt(jnp.maximum(ds, 1.0)), 0.0)
    nd = jnp.where(dd > 0, lax.rsqrt(jnp.maximum(dd, 1.0)), 0.0)
    ns_ref[...] = jnp.broadcast_to(ns, (BLK, 8))
    nd_ref[...] = jnp.broadcast_to(nd, (BLK, 8))
    hs_ref[...] = mm_ref[...] * ns


def _mid_body(p_ref, nd_ref, ns_ref, b_ref, w_ref, o_ref):
    agg = p_ref[0] + p_ref[1]
    h = jnp.maximum(agg * nd_ref[:, :1] + b_ref[...], 0.0)
    o_ref[...] = jnp.dot(h, w_ref[...],
                         preferred_element_type=jnp.float32) * ns_ref[:, :1]


def _pre_final_body(p_ref, nd_ref, ns_ref, b_ref, o_ref):
    agg = p_ref[0] + p_ref[1]
    h = jnp.maximum(agg * nd_ref[:, :1] + b_ref[...], 0.0)
    o_ref[...] = h * ns_ref[:, :1]


def _final_body(p_ref, nd_ref, b_ref, w_ref, o_ref):
    agg = p_ref[0] + p_ref[1]
    o_ref[...] = jnp.dot(agg * nd_ref[:, :1], w_ref[...],
                         preferred_element_type=jnp.float32) + b_ref[...]


_NORM8 = pl.BlockSpec((BLK, 8), lambda i: (i, 0))


def _mm(x, w):
    dw = w.shape[1]
    return pl.pallas_call(
        _mm_body,
        grid=(NPAD // BLK,),
        in_specs=[
            pl.BlockSpec((BLK, D_IN), lambda i: (i, 0)),
            pl.BlockSpec((D_IN, dw), lambda i: (0, 0)),
        ],
        out_specs=pl.BlockSpec((BLK, dw), lambda i: (i, 0)),
        out_shape=jax.ShapeDtypeStruct((NPAD, dw), jnp.float32),
    )(x, w)


def _norms_scale(dsrc, ddst, mm0):
    return pl.pallas_call(
        _norms_scale_body,
        grid=(NPAD // BLK,),
        in_specs=[
            pl.BlockSpec((2, BLK, D_H), lambda i: (0, i, 0)),
            pl.BlockSpec((2, BLK, D_H), lambda i: (0, i, 0)),
            pl.BlockSpec((BLK, D_H), lambda i: (i, 0)),
        ],
        out_specs=[_NORM8, _NORM8, pl.BlockSpec((BLK, D_H), lambda i: (i, 0))],
        out_shape=[
            jax.ShapeDtypeStruct((NPAD, 8), jnp.float32),
            jax.ShapeDtypeStruct((NPAD, 8), jnp.float32),
            jax.ShapeDtypeStruct((NPAD, D_H), jnp.float32),
        ],
    )(dsrc, ddst, mm0)


def _mid(parts, nd8, ns8, b2d, w):
    din, dw = w.shape
    return pl.pallas_call(
        _mid_body,
        grid=(NPAD // BLK,),
        in_specs=[
            pl.BlockSpec((2, BLK, din), lambda i: (0, i, 0)),
            _NORM8,
            _NORM8,
            pl.BlockSpec((1, din), lambda i: (0, 0)),
            pl.BlockSpec((din, dw), lambda i: (0, 0)),
        ],
        out_specs=pl.BlockSpec((BLK, dw), lambda i: (i, 0)),
        out_shape=jax.ShapeDtypeStruct((NPAD, dw), jnp.float32),
    )(parts, nd8, ns8, b2d, w)


def _pre_final(parts, nd8, ns8, b2d):
    return pl.pallas_call(
        _pre_final_body,
        grid=(NPAD // BLK,),
        in_specs=[
            pl.BlockSpec((2, BLK, D_H), lambda i: (0, i, 0)),
            _NORM8,
            _NORM8,
            pl.BlockSpec((1, D_H), lambda i: (0, 0)),
        ],
        out_specs=pl.BlockSpec((BLK, D_H), lambda i: (i, 0)),
        out_shape=jax.ShapeDtypeStruct((NPAD, D_H), jnp.float32),
    )(parts, nd8, ns8, b2d)


def _final(parts, nd8, b2d, w):
    din, dw = w.shape
    return pl.pallas_call(
        _final_body,
        grid=(NPAD // BLK,),
        in_specs=[
            pl.BlockSpec((2, BLK, din), lambda i: (0, i, 0)),
            _NORM8,
            pl.BlockSpec((1, dw), lambda i: (0, 0)),
            pl.BlockSpec((din, dw), lambda i: (0, 0)),
        ],
        out_specs=pl.BlockSpec((BLK, dw), lambda i: (i, 0)),
        out_shape=jax.ShapeDtypeStruct((NPAD, dw), jnp.float32),
    )(parts, nd8, b2d, w)



_MESH = plsc.VectorSubcoreMesh(core_axis_name="c", subcore_axis_name="s")


def _make_agg(dw):
    @functools.partial(
        pl.kernel,
        mesh=_MESH,
        out_type=jax.ShapeDtypeStruct((2, NPAD, dw), jnp.float32),
        scratch_types=[
            pltpu.VMEM((HCH, CHUNK), jnp.int32),
            pltpu.VMEM((HCH, CHUNK), jnp.int32),
            pltpu.VMEM((CHUNK, dw), jnp.float32),
            pltpu.VMEM((CHUNK, dw), jnp.float32),
            pltpu.VMEM_SHARED((NPAD, dw), jnp.float32),
            pltpu.SemaphoreType.DMA,
            pltpu.SemaphoreType.DMA,
        ],
    )
    def agg(hs, srcp3, dstp3, zeros_hbm, dum_hbm, out, sidx, didx, b0, b1,
            acc, s0, s1):
        del dum_hbm
        bufs = (b0, b1)
        sems = (s0, s1)
        cid = lax.axis_index("c")
        sid = lax.axis_index("s")
        wid = sid * 2 + cid

        zbase = pl.multiple_of(sid * ZROWS, 8)
        pltpu.sync_copy(zeros_hbm, acc.at[pl.ds(zbase, ZROWS)])
        plsc.subcore_barrier()

        for h in range(2):
            pltpu.sync_copy(srcp3.at[wid, pl.ds(h * HCH, HCH)], sidx)
            pltpu.sync_copy(dstp3.at[wid, pl.ds(h * HCH, HCH)], didx)
            for b in range(NBUF):
                pltpu.make_async_copy(hs.at[sidx.at[b]], bufs[b],
                                      sems[b]).start()

            def outer(o, _):
                for b in range(NBUF):
                    g = o * NBUF + b
                    pltpu.make_async_copy(hs.at[sidx.at[0]], bufs[b],
                                          sems[b]).wait()
                    pltpu.sync_copy(bufs[b], acc.at[didx.at[g]], add=True)
                    gn = jnp.minimum(g + NBUF, HCH - 1)
                    pltpu.make_async_copy(hs.at[sidx.at[gn]], bufs[b],
                                          sems[b]).start()
                return 0

            lax.fori_loop(0, HCH // NBUF, outer, 0)
            for b in range(NBUF):
                pltpu.make_async_copy(hs.at[sidx.at[0]], bufs[b],
                                      sems[b]).wait()
        plsc.subcore_barrier()

        pltpu.sync_copy(acc.at[pl.ds(zbase, ZROWS)],
                        out.at[cid, pl.ds(zbase, ZROWS)])

    return agg


_agg128 = _make_agg(D_H)


@functools.partial(
    pl.kernel,
    mesh=_MESH,
    out_type=(
        jax.ShapeDtypeStruct((2, NPAD, D_H), jnp.float32),
        jax.ShapeDtypeStruct((2, NPAD, D_H), jnp.float32),
    ),
    scratch_types=[
        pltpu.VMEM((HCH, CHUNK), jnp.int32),
        pltpu.VMEM((CHUNK, D_H), jnp.float32),
        pltpu.VMEM_SHARED((NPAD, D_H), jnp.float32),
    ],
)
def _deg(srcp3, dstp3, ones_hbm, zeros_hbm, dum_hbm, osrc, odst,
         idx, ones_v, acc):
    del dum_hbm
    cid = lax.axis_index("c")
    sid = lax.axis_index("s")
    wid = sid * 2 + cid

    pltpu.sync_copy(ones_hbm, ones_v)

    def hist(ep3, out):
        zbase = pl.multiple_of(sid * ZROWS, 8)
        pltpu.sync_copy(zeros_hbm, acc.at[pl.ds(zbase, ZROWS)])
        plsc.subcore_barrier()

        for h in range(2):
            pltpu.sync_copy(ep3.at[wid, pl.ds(h * HCH, HCH)], idx)

            def body(g, _):
                pltpu.sync_copy(ones_v, acc.at[idx.at[g]], add=True)
                return 0

            lax.fori_loop(0, HCH, body, 0)
        plsc.subcore_barrier()
        pltpu.sync_copy(acc.at[pl.ds(zbase, ZROWS)],
                        out.at[cid, pl.ds(zbase, ZROWS)])
        plsc.subcore_barrier()

    hist(srcp3, osrc)
    hist(dstp3, odst)



def kernel(features, edge_index, W0, b0, W1, b1, W2, b2):
    src = edge_index[0].astype(jnp.int32)
    dst = edge_index[1].astype(jnp.int32)
    pad = N + (jnp.arange(EPAD - E, dtype=jnp.int32) % (NPAD - N))
    srcp = jnp.concatenate([src, pad]).reshape(NW, NCH, CHUNK)
    dstp = jnp.concatenate([dst, pad]).reshape(NW, NCH, CHUNK)

    xpad = jnp.pad(features, ((0, NPAD - N), (0, 0)))
    w2p = jnp.pad(W2, ((0, 0), (0, D_OUT_PAD - D_OUT)))
    b0_2d = b0.reshape(1, D_H)
    b1_2d = b1.reshape(1, D_H)
    b2_2d = jnp.pad(b2, (0, D_OUT_PAD - D_OUT)).reshape(1, D_OUT_PAD)

    ones_tab = jnp.ones((CHUNK, D_H), jnp.float32)
    zeros_tab = jnp.zeros((ZROWS, D_H), jnp.float32)
    dum_tab = N + (jnp.arange(CHUNK, dtype=jnp.int32) % (NPAD - N))
    mm0 = _mm(xpad, W0)
    dsrc, ddst = _deg(srcp, dstp, ones_tab, zeros_tab, dum_tab)
    ns8, nd8, hs0 = _norms_scale(dsrc, ddst, mm0)

    p0 = _agg128(hs0, srcp, dstp, zeros_tab, dum_tab)
    hs1 = _mid(p0, nd8, ns8, b0_2d, W1)
    p1 = _agg128(hs1, srcp, dstp, zeros_tab, dum_tab)
    hs2 = _pre_final(p1, nd8, ns8, b1_2d)
    p2 = _agg128(hs2, srcp, dstp, zeros_tab, dum_tab)
    outp = _final(p2, nd8, b2_2d, w2p)
    return outp[:N, :D_OUT]

# --- scband reference (transcript-rebuilt; emitter-appended) ---
"""Pipeline reference for scband-gcn-944892805296 (READ-ONLY COPY).

The authoritative reference and input builder live on the scoring server;
editing this copy changes nothing except your own understanding.
"""

import jax, jax.numpy as jnp
import numpy as np

N = 10000
E = 320000
D_IN = 128
D_H = 128
D_OUT = 40


def setup_inputs(seed: int = 0) -> dict:
    key = jax.random.key(seed)
    ks = jax.random.split(key, 10)
    features = jax.random.normal(ks[0], (N, D_IN), dtype=jnp.float32)
    edge_index = jax.random.randint(ks[1], (2, E), 0, N, dtype=jnp.int32)
    W0 = jax.random.normal(ks[2], (D_IN, D_H), dtype=jnp.float32) * 0.05
    b0 = jnp.zeros((D_H,), dtype=jnp.float32)
    W1 = jax.random.normal(ks[3], (D_H, D_H), dtype=jnp.float32) * 0.05
    b1 = jnp.zeros((D_H,), dtype=jnp.float32)
    W2 = jax.random.normal(ks[4], (D_H, D_OUT), dtype=jnp.float32) * 0.05
    b2 = jnp.zeros((D_OUT,), dtype=jnp.float32)
    return {"features": features, "edge_index": edge_index, "W0": W0, "b0": b0,
            "W1": W1, "b1": b1, "W2": W2, "b2": b2}


def _graph_conv(x, src, dst, W, b, act):
    # DGL GraphConv with norm='both': D^{-1/2} A D^{-1/2} X W + b
    ones = jnp.ones((E,), dtype=jnp.float32)
    deg_out = jax.ops.segment_sum(ones, src, num_segments=N)
    deg_in = jax.ops.segment_sum(ones, dst, num_segments=N)
    norm_src = jnp.where(deg_out > 0, jax.lax.rsqrt(jnp.maximum(deg_out, 1.0)), 0.0)
    norm_dst = jnp.where(deg_in > 0, jax.lax.rsqrt(jnp.maximum(deg_in, 1.0)), 0.0)
    h = x @ W
    msg = h[src] * norm_src[src][:, None]
    agg = jax.ops.segment_sum(msg, dst, num_segments=N)
    out = agg * norm_dst[:, None] + b
    if act:
        out = jax.nn.relu(out)
    return out


def reference(features, edge_index, W0, b0, W1, b1, W2, b2):
    src = edge_index[0]
    dst = edge_index[1]
    h = _graph_conv(features, src, dst, W0, b0, True)   # layer 0 (in -> hidden, relu)
    # dropout between layers is identity in eval mode
    h = _graph_conv(h, src, dst, W1, b1, True)          # hidden layer (relu)
    h = _graph_conv(h, src, dst, W2, b2, False)         # output layer (no activation)
    return h

if __name__ == "__main__":
    import jax
    _d = setup_inputs()
    print(jax.jit(kernel)(*tuple(_d.values())))

</pallas_src>

<mosaic_0001>
#map = affine_map<(d0, d1) -> (0, 0)>
#map1 = affine_map<(d0, d1) -> (0, 0, 0)>
#map2 = affine_map<(d0, d1) -> (0)>
module attributes {stable_mosaic.version = 14 : i64} {
  func.func @agg(%arg0: i32, %arg1: i32, %arg2: memref<10240x128xf32, #tpu.memory_space<hbm>>, %arg3: memref<32x80x128xi32, #tpu.memory_space<hbm>>, %arg4: memref<32x80x128xi32, #tpu.memory_space<hbm>>, %arg5: memref<640x128xf32, #tpu.memory_space<hbm>>, %arg6: memref<128xi32, #tpu.memory_space<hbm>>, %arg7: memref<2x10240x128xf32, #tpu.memory_space<hbm>>, %arg8: memref<40x128xi32, #tpu.memory_space<vmem>>, %arg9: memref<40x128xi32, #tpu.memory_space<vmem>>, %arg10: memref<128x128xf32, #tpu.memory_space<vmem>>, %arg11: memref<128x128xf32, #tpu.memory_space<vmem>>, %arg12: memref<10240x128xf32, #tpu.memory_space<vmem_shared>>, %arg13: memref<!tpu.dma_semaphore, #tpu.memory_space<semaphore_mem>>, %arg14: memref<!tpu.dma_semaphore, #tpu.memory_space<semaphore_mem>>) attributes {dimension_semantics = [#tpu.dimension_semantics<core_parallel>, #tpu.dimension_semantics<subcore_parallel>], iteration_bounds = array<i64: 2, 16>, scalar_prefetch = 0 : i64, scratch_operands = 7 : i64, tpu.core_type = #tpu.core_type<sc_vector_subcore>, window_params = [{transform_indices = #map}, {transform_indices = #map1}, {transform_indices = #map1}, {transform_indices = #map}, {transform_indices = #map2}, {transform_indices = #map1}]} {
    %mul3A = arith.constant 2 : i32
    %mul3A_0 = arith.muli %arg1, %mul3A : i32
    %add3A = arith.addi %mul3A_0, %arg0 : i32
    %mul3A_1 = arith.constant 640 : i32
    %mul3A_2 = arith.muli %arg1, %mul3A_1 : i32
    %multiple_of3A = tpu.assume_multiple %mul3A_2, 8 : i32
    "tpu.region"() ({
      %run_scoped3A = tpu.sem_alloc : memref<!tpu.dma_semaphore, #tpu.memory_space<semaphore_mem>>
      %dma_start3A_71 = arith.constant 0 : i32
      %dma_start3A_72 = tpu.memref_slice %arg12[%multiple_of3A, %dma_start3A_71] : memref<10240x128xf32, #tpu.memory_space<vmem_shared>> -> memref<640x128xf32, #tpu.memory_space<vmem_shared>>
      tpu.enqueue_dma source(%arg5 : memref<640x128xf32, #tpu.memory_space<hbm>>) target(%dma_start3A_72 : memref<640x128xf32, #tpu.memory_space<vmem_shared>>) target_semaphore(%run_scoped3A : memref<!tpu.dma_semaphore, #tpu.memory_space<semaphore_mem>>)
      %dma_wait3A_73 = arith.constant 0 : i32
      %dma_wait3A_74 = tpu.memref_slice %arg12[%multiple_of3A, %dma_wait3A_73] : memref<10240x128xf32, #tpu.memory_space<vmem_shared>> -> memref<640x128xf32, #tpu.memory_space<vmem_shared>>
      tpu.wait_dma2 semaphore(%run_scoped3A : memref<!tpu.dma_semaphore, #tpu.memory_space<semaphore_mem>>) src(%arg5 : memref<640x128xf32, #tpu.memory_space<hbm>>) dst(%dma_wait3A_74 : memref<640x128xf32, #tpu.memory_space<vmem_shared>>)
      tpu.yield
    }) : () -> ()
    %barrier3A = arith.constant 0 : index
    tpu.barrier barrier_id(%barrier3A)
    "tpu.region"() ({
      %run_scoped3A = tpu.sem_alloc : memref<!tpu.dma_semaphore, #tpu.memory_space<semaphore_mem>>
      %dma_start3A_71 = arith.constant 0 : i32
      %dma_start3A_72 = arith.constant 0 : i32
      %dma_start3A_73 = tpu.memref_slice %arg3[%add3A, %dma_start3A_71, %dma_start3A_72] : memref<32x80x128xi32, #tpu.memory_space<hbm>> -> memref<1x40x128xi32, #tpu.memory_space<hbm>>
      %dma_start3A_74 = tpu.memref_squeeze %dma_start3A_73 : memref<1x40x128xi32, #tpu.memory_space<hbm>> -> memref<40x128xi32, #tpu.memory_space<hbm>>
      %dma_start3A_75 = arith.constant 0 : i32
      %dma_start3A_76 = arith.constant 0 : i32
      %dma_start3A_77 = tpu.memref_slice %arg3[%add3A, %dma_start3A_75, %dma_start3A_76] : memref<32x80x128xi32, #tpu.memory_space<hbm>> -> memref<1x40x128xi32, #tpu.memory_space<hbm>>
      %dma_start3A_78 = tpu.memref_squeeze %dma_start3A_77 : memref<1x40x128xi32, #tpu.memory_space<hbm>> -> memref<40x128xi32, #tpu.memory_space<hbm>>
      tpu.enqueue_dma source(%dma_start3A_78 : memref<40x128xi32, #tpu.memory_space<hbm>>) target(%arg8 : memref<40x128xi32, #tpu.memory_space<vmem>>) target_semaphore(%run_scoped3A : memref<!tpu.dma_semaphore, #tpu.memory_space<semaphore_mem>>)
      %dma_wait3A_79 = arith.constant 0 : i32
      %dma_wait3A_80 = arith.constant 0 : i32
      %dma_wait3A_81 = tpu.memref_slice %arg3[%add3A, %dma_wait3A_79, %dma_wait3A_80] : memref<32x80x128xi32, #tpu.memory_space<hbm>> -> memref<1x40x128xi32, #tpu.memory_space<hbm>>
      %dma_wait3A_82 = tpu.memref_squeeze %dma_wait3A_81 : memref<1x40x128xi32, #tpu.memory_space<hbm>> -> memref<40x128xi32, #tpu.memory_space<hbm>>
      %dma_wait3A_83 = arith.constant 0 : i32
      %dma_wait3A_84 = arith.constant 0 : i32
      %dma_wait3A_85 = tpu.memref_slice %arg3[%add3A, %dma_wait3A_83, %dma_wait3A_84] : memref<32x80x128xi32, #tpu.memory_space<hbm>> -> memref<1x40x128xi32, #tpu.memory_space<hbm>>
      %dma_wait3A_86 = tpu.memref_squeeze %dma_wait3A_85 : memref<1x40x128xi32, #tpu.memory_space<hbm>> -> memref<40x128xi32, #tpu.memory_space<hbm>>
      tpu.wait_dma2 semaphore(%run_scoped3A : memref<!tpu.dma_semaphore, #tpu.memory_space<semaphore_mem>>) src(%dma_wait3A_86 : memref<40x128xi32, #tpu.memory_space<hbm>>) dst(%arg8 : memref<40x128xi32, #tpu.memory_space<vmem>>)
      tpu.yield
    }) : () -> ()
    "tpu.region"() ({
      %run_scoped3A = tpu.sem_alloc : memref<!tpu.dma_semaphore, #tpu.memory_space<semaphore_mem>>
      %dma_start3A_71 = arith.constant 0 : i32
      %dma_start3A_72 = arith.constant 0 : i32
      %dma_start3A_73 = tpu.memref_slice %arg4[%add3A, %dma_start3A_71, %dma_start3A_72] : memref<32x80x128xi32, #tpu.memory_space<hbm>> -> memref<1x40x128xi32, #tpu.memory_space<hbm>>
      %dma_start3A_74 = tpu.memref_squeeze %dma_start3A_73 : memref<1x40x128xi32, #tpu.memory_space<hbm>> -> memref<40x128xi32, #tpu.memory_space<hbm>>
      %dma_start3A_75 = arith.constant 0 : i32
      %dma_start3A_76 = arith.constant 0 : i32
      %dma_start3A_77 = tpu.memref_slice %arg4[%add3A, %dma_start3A_75, %dma_start3A_76] : memref<32x80x128xi32, #tpu.memory_space<hbm>> -> memref<1x40x128xi32, #tpu.memory_space<hbm>>
      %dma_start3A_78 = tpu.memref_squeeze %dma_start3A_77 : memref<1x40x128xi32, #tpu.memory_space<hbm>> -> memref<40x128xi32, #tpu.memory_space<hbm>>
      tpu.enqueue_dma source(%dma_start3A_78 : memref<40x128xi32, #tpu.memory_space<hbm>>) target(%arg9 : memref<40x128xi32, #tpu.memory_space<vmem>>) target_semaphore(%run_scoped3A : memref<!tpu.dma_semaphore, #tpu.memory_space<semaphore_mem>>)
      %dma_wait3A_79 = arith.constant 0 : i32
      %dma_wait3A_80 = arith.constant 0 : i32
      %dma_wait3A_81 = tpu.memref_slice %arg4[%add3A, %dma_wait3A_79, %dma_wait3A_80] : memref<32x80x128xi32, #tpu.memory_space<hbm>> -> memref<1x40x128xi32, #tpu.memory_space<hbm>>
      %dma_wait3A_82 = tpu.memref_squeeze %dma_wait3A_81 : memref<1x40x128xi32, #tpu.memory_space<hbm>> -> memref<40x128xi32, #tpu.memory_space<hbm>>
      %dma_wait3A_83 = arith.constant 0 : i32
      %dma_wait3A_84 = arith.constant 0 : i32
      %dma_wait3A_85 = tpu.memref_slice %arg4[%add3A, %dma_wait3A_83, %dma_wait3A_84] : memref<32x80x128xi32, #tpu.memory_space<hbm>> -> memref<1x40x128xi32, #tpu.memory_space<hbm>>
      %dma_wait3A_86 = tpu.memref_squeeze %dma_wait3A_85 : memref<1x40x128xi32, #tpu.memory_space<hbm>> -> memref<40x128xi32, #tpu.memory_space<hbm>>
      tpu.wait_dma2 semaphore(%run_scoped3A : memref<!tpu.dma_semaphore, #tpu.memory_space<semaphore_mem>>) src(%dma_wait3A_86 : memref<40x128xi32, #tpu.memory_space<hbm>>) dst(%arg9 : memref<40x128xi32, #tpu.memory_space<vmem>>)
      tpu.yield
    }) : () -> ()
    %dma_start3A = arith.constant 0 : i32
    %dma_start3A_3 = arith.constant 0 : i32
    %dma_start3A_4 = tpu.memref_slice %arg8[%dma_start3A, %dma_start3A_3] : memref<40x128xi32, #tpu.memory_space<vmem>> -> memref<1x128xi32, #tpu.memory_space<vmem>>
    %dma_start3A_5 = tpu.memref_squeeze %dma_start3A_4 : memref<1x128xi32, #tpu.memory_space<vmem>> -> memref<128xi32, #tpu.memory_space<vmem>>
    %dma_start3A_6 = arith.constant 0 : i32
    %dma_start3A_7 = arith.constant 0 : i32
    %dma_start3A_8 = tpu.memref_slice %arg2[%dma_start3A_6, %dma_start3A_7] : memref<10240x128xf32, #tpu.memory_space<hbm>> -> memref<10240x128xf32, #tpu.memory_space<hbm>>
    tpu.enqueue_indirect_dma source(%dma_start3A_8 : memref<10240x128xf32, #tpu.memory_space<hbm>>) target(%arg10 : memref<128x128xf32, #tpu.memory_space<vmem>>) offsets(%dma_start3A_5 : memref<128xi32, #tpu.memory_space<vmem>>) semaphore(%arg13 : memref<!tpu.dma_semaphore, #tpu.memory_space<semaphore_mem>>)
    %dma_start3A_9 = arith.constant 1 : i32
    %dma_start3A_10 = arith.constant 0 : i32
    %dma_start3A_11 = tpu.memref_slice %arg8[%dma_start3A_9, %dma_start3A_10] : memref<40x128xi32, #tpu.memory_space<vmem>> -> memref<1x128xi32, #tpu.memory_space<vmem>>
    %dma_start3A_12 = tpu.memref_squeeze %dma_start3A_11 : memref<1x128xi32, #tpu.memory_space<vmem>> -> memref<128xi32, #tpu.memory_space<vmem>>
    %dma_start3A_13 = arith.constant 0 : i32
    %dma_start3A_14 = arith.constant 0 : i32
    %dma_start3A_15 = tpu.memref_slice %arg2[%dma_start3A_13, %dma_start3A_14] : memref<10240x128xf32, #tpu.memory_space<hbm>> -> memref<10240x128xf32, #tpu.memory_space<hbm>>
    tpu.enqueue_indirect_dma source(%dma_start3A_15 : memref<10240x128xf32, #tpu.memory_space<hbm>>) target(%arg11 : memref<128x128xf32, #tpu.memory_space<vmem>>) offsets(%dma_start3A_12 : memref<128xi32, #tpu.memory_space<vmem>>) semaphore(%arg14 : memref<!tpu.dma_semaphore, #tpu.memory_space<semaphore_mem>>)
    %scan3A = arith.constant 0 : i32
    %scan3A_16 = arith.constant 0 : i32
    %scan3A_17 = arith.constant 20 : i32
    %scan3A_18 = arith.addi %scan3A_16, %scan3A_17 : i32
    %scan3A_19 = arith.constant 1 : i32
    %scan3A_20 = scf.for %scan3A_71 = %scan3A_16 to %scan3A_18 step %scan3A_19 iter_args(%scan3A_72 = %scan3A) -> (i32)  : i32 {
      %mul3A_73 = arith.constant 2 : i32
      %mul3A_74 = arith.muli %scan3A_71, %mul3A_73 : i32
      %add3A_75 = arith.constant 0 : i32
      %add3A_76 = arith.addi %mul3A_74, %add3A_75 : i32
      %dma_wait3A_77 = arith.constant 0 : i32
      %dma_wait3A_78 = arith.constant 0 : i32
      %dma_wait3A_79 = tpu.memref_slice %arg8[%dma_wait3A_77, %dma_wait3A_78] : memref<40x128xi32, #tpu.memory_space<vmem>> -> memref<1x128xi32, #tpu.memory_space<vmem>>
      %dma_wait3A_80 = tpu.memref_squeeze %dma_wait3A_79 : memref<1x128xi32, #tpu.memory_space<vmem>> -> memref<128xi32, #tpu.memory_space<vmem>>
      %dma_wait3A_81 = arith.constant 0 : i32
      %dma_wait3A_82 = arith.constant 0 : i32
      %dma_wait3A_83 = tpu.memref_slice %arg2[%dma_wait3A_81, %dma_wait3A_82] : memref<10240x128xf32, #tpu.memory_space<hbm>> -> memref<10240x128xf32, #tpu.memory_space<hbm>>
      tpu.wait_indirect_dma semaphore(%arg13 : memref<!tpu.dma_semaphore, #tpu.memory_space<semaphore_mem>>) src(%dma_wait3A_83 : memref<10240x128xf32, #tpu.memory_space<hbm>>) dst(%arg10 : memref<128x128xf32, #tpu.memory_space<vmem>>)
      "tpu.region"() ({
        %run_scoped3A = tpu.sem_alloc : memref<!tpu.dma_semaphore, #tpu.memory_space<semaphore_mem>>
        %dma_start3A_115 = arith.constant 0 : i32
        %dma_start3A_116 = tpu.memref_slice %arg9[%add3A_76, %dma_start3A_115] : memref<40x128xi32, #tpu.memory_space<vmem>> -> memref<1x128xi32, #tpu.memory_space<vmem>>
        %dma_start3A_117 = tpu.memref_squeeze %dma_start3A_116 : memref<1x128xi32, #tpu.memory_space<vmem>> -> memref<128xi32, #tpu.memory_space<vmem>>
        %dma_start3A_118 = arith.constant 0 : i32
        %dma_start3A_119 = arith.constant 0 : i32
        %dma_start3A_120 = tpu.memref_slice %arg12[%dma_start3A_118, %dma_start3A_119] : memref<10240x128xf32, #tpu.memory_space<vmem_shared>> -> memref<10240x128xf32, #tpu.memory_space<vmem_shared>>
        tpu.enqueue_indirect_dma source(%arg10 : memref<128x128xf32, #tpu.memory_space<vmem>>) target(%dma_start3A_120 : memref<10240x128xf32, #tpu.memory_space<vmem_shared>>) offsets(%dma_start3A_117 : memref<128xi32, #tpu.memory_space<vmem>>) semaphore(%run_scoped3A : memref<!tpu.dma_semaphore, #tpu.memory_space<semaphore_mem>>) {add = true}
        %dma_wait3A_121 = arith.constant 0 : i32
        %dma_wait3A_122 = tpu.memref_slice %arg9[%add3A_76, %dma_wait3A_121] : memref<40x128xi32, #tpu.memory_space<vmem>> -> memref<1x128xi32, #tpu.memory_space<vmem>>
        %dma_wait3A_123 = tpu.memref_squeeze %dma_wait3A_122 : memref<1x128xi32, #tpu.memory_space<vmem>> -> memref<128xi32, #tpu.memory_space<vmem>>
        %dma_wait3A_124 = arith.constant 0 : i32
        %dma_wait3A_125 = arith.constant 0 : i32
        %dma_wait3A_126 = tpu.memref_slice %arg12[%dma_wait3A_124, %dma_wait3A_125] : memref<10240x128xf32, #tpu.memory_space<vmem_shared>> -> memref<10240x128xf32, #tpu.memory_space<vmem_shared>>
        tpu.wait_indirect_dma semaphore(%run_scoped3A : memref<!tpu.dma_semaphore, #tpu.memory_space<semaphore_mem>>) src(%arg10 : memref<128x128xf32, #tpu.memory_space<vmem>>) dst(%dma_wait3A_126 : memref<10240x128xf32, #tpu.memory_space<vmem_shared>>)
        tpu.yield
      }) : () -> ()
      %add3A_84 = arith.constant 2 : i32
      %add3A_85 = arith.addi %add3A_76, %add3A_84 : i32
      %min3A = arith.constant 39 : i32
      %min3A_86 = arith.minsi %add3A_85, %min3A : i32
      %dma_start3A_87 = arith.constant 0 : i32
      %dma_start3A_88 = tpu.memref_slice %arg8[%min3A_86, %dma_start3A_87] : memref<40x128xi32, #tpu.memory_space<vmem>> -> memref<1x128xi32, #tpu.memory_space<vmem>>
      %dma_start3A_89 = tpu.memref_squeeze %dma_start3A_88 : memref<1x128xi32, #tpu.memory_space<vmem>> -> memref<128xi32, #tpu.memory_space<vmem>>
      %dma_start3A_90 = arith.constant 0 : i32
      %dma_start3A_91 = arith.constant 0 : i32
      %dma_start3A_92 = tpu.memref_slice %arg2[%dma_start3A_90, %dma_start3A_91] : memref<10240x128xf32, #tpu.memory_space<hbm>> -> memref<10240x128xf32, #tpu.memory_space<hbm>>
      tpu.enqueue_indirect_dma source(%dma_start3A_92 : memref<10240x128xf32, #tpu.memory_space<hbm>>) target(%arg10 : memref<128x128xf32, #tpu.memory_space<vmem>>) offsets(%dma_start3A_89 : memref<128xi32, #tpu.memory_space<vmem>>) semaphore(%arg13 : memref<!tpu.dma_semaphore, #tpu.memory_space<semaphore_mem>>)
      %mul3A_93 = arith.constant 2 : i32
      %mul3A_94 = arith.muli %scan3A_71, %mul3A_93 : i32
      %add3A_95 = arith.constant 1 : i32
      %add3A_96 = arith.addi %mul3A_94, %add3A_95 : i32
      %dma_wait3A_97 = arith.constant 0 : i32
      %dma_wait3A_98 = arith.constant 0 : i32
      %dma_wait3A_99 = tpu.memref_slice %arg8[%dma_wait3A_97, %dma_wait3A_98] : memref<40x128xi32, #tpu.memory_space<vmem>> -> memref<1x128xi32, #tpu.memory_space<vmem>>
      %dma_wait3A_100 = tpu.memref_squeeze %dma_wait3A_99 : memref<1x128xi32, #tpu.memory_space<vmem>> -> memref<128xi32, #tpu.memory_space<vmem>>
      %dma_wait3A_101 = arith.constant 0 : i32
      %dma_wait3A_102 = arith.constant 0 : i32
      %dma_wait3A_103 = tpu.memref_slice %arg2[%dma_wait3A_101, %dma_wait3A_102] : memref<10240x128xf32, #tpu.memory_space<hbm>> -> memref<10240x128xf32, #tpu.memory_space<hbm>>
      tpu.wait_indirect_dma semaphore(%arg14 : memref<!tpu.dma_semaphore, #tpu.memory_space<semaphore_mem>>) src(%dma_wait3A_103 : memref<10240x128xf32, #tpu.memory_space<hbm>>) dst(%arg11 : memref<128x128xf32, #tpu.memory_space<vmem>>)
      "tpu.region"() ({
        %run_scoped3A = tpu.sem_alloc : memref<!tpu.dma_semaphore, #tpu.memory_space<semaphore_mem>>
        %dma_start3A_115 = arith.constant 0 : i32
        %dma_start3A_116 = tpu.memref_slice %arg9[%add3A_96, %dma_start3A_115] : memref<40x128xi32, #tpu.memory_space<vmem>> -> memref<1x128xi32, #tpu.memory_space<vmem>>
        %dma_start3A_117 = tpu.memref_squeeze %dma_start3A_116 : memref<1x128xi32, #tpu.memory_space<vmem>> -> memref<128xi32, #tpu.memory_space<vmem>>
        %dma_start3A_118 = arith.constant 0 : i32
        %dma_start3A_119 = arith.constant 0 : i32
        %dma_start3A_120 = tpu.memref_slice %arg12[%dma_start3A_118, %dma_start3A_119] : memref<10240x128xf32, #tpu.memory_space<vmem_shared>> -> memref<10240x128xf32, #tpu.memory_space<vmem_shared>>
        tpu.enqueue_indirect_dma source(%arg11 : memref<128x128xf32, #tpu.memory_space<vmem>>) target(%dma_start3A_120 : memref<10240x128xf32, #tpu.memory_space<vmem_shared>>) offsets(%dma_start3A_117 : memref<128xi32, #tpu.memory_space<vmem>>) semaphore(%run_scoped3A : memref<!tpu.dma_semaphore, #tpu.memory_space<semaphore_mem>>) {add = true}
        %dma_wait3A_121 = arith.constant 0 : i32
        %dma_wait3A_122 = tpu.memref_slice %arg9[%add3A_96, %dma_wait3A_121] : memref<40x128xi32, #tpu.memory_space<vmem>> -> memref<1x128xi32, #tpu.memory_space<vmem>>
        %dma_wait3A_123 = tpu.memref_squeeze %dma_wait3A_122 : memref<1x128xi32, #tpu.memory_space<vmem>> -> memref<128xi32, #tpu.memory_space<vmem>>
        %dma_wait3A_124 = arith.constant 0 : i32
        %dma_wait3A_125 = arith.constant 0 : i32
        %dma_wait3A_126 = tpu.memref_slice %arg12[%dma_wait3A_124, %dma_wait3A_125] : memref<10240x128xf32, #tpu.memory_space<vmem_shared>> -> memref<10240x128xf32, #tpu.memory_space<vmem_shared>>
        tpu.wait_indirect_dma semaphore(%run_scoped3A : memref<!tpu.dma_semaphore, #tpu.memory_space<semaphore_mem>>) src(%arg11 : memref<128x128xf32, #tpu.memory_space<vmem>>) dst(%dma_wait3A_126 : memref<10240x128xf32, #tpu.memory_space<vmem_shared>>)
        tpu.yield
      }) : () -> ()
      %add3A_104 = arith.constant 2 : i32
      %add3A_105 = arith.addi %add3A_96, %add3A_104 : i32
      %min3A_106 = arith.constant 39 : i32
      %min3A_107 = arith.minsi %add3A_105, %min3A_106 : i32
      %dma_start3A_108 = arith.constant 0 : i32
      %dma_start3A_109 = tpu.memref_slice %arg8[%min3A_107, %dma_start3A_108] : memref<40x128xi32, #tpu.memory_space<vmem>> -> memref<1x128xi32, #tpu.memory_space<vmem>>
      %dma_start3A_110 = tpu.memref_squeeze %dma_start3A_109 : memref<1x128xi32, #tpu.memory_space<vmem>> -> memref<128xi32, #tpu.memory_space<vmem>>
      %dma_start3A_111 = arith.constant 0 : i32
      %dma_start3A_112 = arith.constant 0 : i32
      %dma_start3A_113 = tpu.memref_slice %arg2[%dma_start3A_111, %dma_start3A_112] : memref<10240x128xf32, #tpu.memory_space<hbm>> -> memref<10240x128xf32, #tpu.memory_space<hbm>>
      tpu.enqueue_indirect_dma source(%dma_start3A_113 : memref<10240x128xf32, #tpu.memory_space<hbm>>) target(%arg11 : memref<128x128xf32, #tpu.memory_space<vmem>>) offsets(%dma_start3A_110 : memref<128xi32, #tpu.memory_space<vmem>>) semaphore(%arg14 : memref<!tpu.dma_semaphore, #tpu.memory_space<semaphore_mem>>)
      %scan3A_114 = arith.constant 0 : i32
      scf.yield %scan3A_114 : i32
    }
    %scan3A_21 = arith.constant 20 : i32
    %dma_wait3A = arith.constant 0 : i32
    %dma_wait3A_22 = arith.constant 0 : i32
    %dma_wait3A_23 = tpu.memref_slice %arg8[%dma_wait3A, %dma_wait3A_22] : memref<40x128xi32, #tpu.memory_space<vmem>> -> memref<1x128xi32, #tpu.memory_space<vmem>>
    %dma_wait3A_24 = tpu.memref_squeeze %dma_wait3A_23 : memref<1x128xi32, #tpu.memory_space<vmem>> -> memref<128xi32, #tpu.memory_space<vmem>>
    %dma_wait3A_25 = arith.constant 0 : i32
    %dma_wait3A_26 = arith.constant 0 : i32
    %dma_wait3A_27 = tpu.memref_slice %arg2[%dma_wait3A_25, %dma_wait3A_26] : memref<10240x128xf32, #tpu.memory_space<hbm>> -> memref<10240x128xf32, #tpu.memory_space<hbm>>
    tpu.wait_indirect_dma semaphore(%arg13 : memref<!tpu.dma_semaphore, #tpu.memory_space<semaphore_mem>>) src(%dma_wait3A_27 : memref<10240x128xf32, #tpu.memory_space<hbm>>) dst(%arg10 : memref<128x128xf32, #tpu.memory_space<vmem>>)
    %dma_wait3A_28 = arith.constant 0 : i32
    %dma_wait3A_29 = arith.constant 0 : i32
    %dma_wait3A_30 = tpu.memref_slice %arg8[%dma_wait3A_28, %dma_wait3A_29] : memref<40x128xi32, #tpu.memory_space<vmem>> -> memref<1x128xi32, #tpu.memory_space<vmem>>
    %dma_wait3A_31 = tpu.memref_squeeze %dma_wait3A_30 : memref<1x128xi32, #tpu.memory_space<vmem>> -> memref<128xi32, #tpu.memory_space<vmem>>
    %dma_wait3A_32 = arith.constant 0 : i32
    %dma_wait3A_33 = arith.constant 0 : i32
    %dma_wait3A_34 = tpu.memref_slice %arg2[%dma_wait3A_32, %dma_wait3A_33] : memref<10240x128xf32, #tpu.memory_space<hbm>> -> memref<10240x128xf32, #tpu.memory_space<hbm>>
    tpu.wait_indirect_dma semaphore(%arg14 : memref<!tpu.dma_semaphore, #tpu.memory_space<semaphore_mem>>) src(%dma_wait3A_34 : memref<10240x128xf32, #tpu.memory_space<hbm>>) dst(%arg11 : memref<128x128xf32, #tpu.memory_space<vmem>>)
    "tpu.region"() ({
      %run_scoped3A = tpu.sem_alloc : memref<!tpu.dma_semaphore, #tpu.memory_space<semaphore_mem>>
      %dma_start3A_71 = arith.constant 40 : i32
      %dma_start3A_72 = arith.constant 0 : i32
      %dma_start3A_73 = tpu.memref_slice %arg3[%add3A, %dma_start3A_71, %dma_start3A_72] : memref<32x80x128xi32, #tpu.memory_space<hbm>> -> memref<1x40x128xi32, #tpu.memory_space<hbm>>
      %dma_start3A_74 = tpu.memref_squeeze %dma_start3A_73 : memref<1x40x128xi32, #tpu.memory_space<hbm>> -> memref<40x128xi32, #tpu.memory_space<hbm>>
      %dma_start3A_75 = arith.constant 40 : i32
      %dma_start3A_76 = arith.constant 0 : i32
      %dma_start3A_77 = tpu.memref_slice %arg3[%add3A, %dma_start3A_75, %dma_start3A_76] : memref<32x80x128xi32, #tpu.memory_space<hbm>> -> memref<1x40x128xi32, #tpu.memory_space<hbm>>
      %dma_start3A_78 = tpu.memref_squeeze %dma_start3A_77 : memref<1x40x128xi32, #tpu.memory_space<hbm>> -> memref<40x128xi32, #tpu.memory_space<hbm>>
      tpu.enqueue_dma source(%dma_start3A_78 : memref<40x128xi32, #tpu.memory_space<hbm>>) target(%arg8 : memref<40x128xi32, #tpu.memory_space<vmem>>) target_semaphore(%run_scoped3A : memref<!tpu.dma_semaphore, #tpu.memory_space<semaphore_mem>>)
      %dma_wait3A_79 = arith.constant 40 : i32
      %dma_wait3A_80 = arith.constant 0 : i32
      %dma_wait3A_81 = tpu.memref_slice %arg3[%add3A, %dma_wait3A_79, %dma_wait3A_80] : memref<32x80x128xi32, #tpu.memory_space<hbm>> -> memref<1x40x128xi32, #tpu.memory_space<hbm>>
      %dma_wait3A_82 = tpu.memref_squeeze %dma_wait3A_81 : memref<1x40x128xi32, #tpu.memory_space<hbm>> -> memref<40x128xi32, #tpu.memory_space<hbm>>
      %dma_wait3A_83 = arith.constant 40 : i32
      %dma_wait3A_84 = arith.constant 0 : i32
      %dma_wait3A_85 = tpu.memref_slice %arg3[%add3A, %dma_wait3A_83, %dma_wait3A_84] : memref<32x80x128xi32, #tpu.memory_space<hbm>> -> memref<1x40x128xi32, #tpu.memory_space<hbm>>
      %dma_wait3A_86 = tpu.memref_squeeze %dma_wait3A_85 : memref<1x40x128xi32, #tpu.memory_space<hbm>> -> memref<40x128xi32, #tpu.memory_space<hbm>>
      tpu.wait_dma2 semaphore(%run_scoped3A : memref<!tpu.dma_semaphore, #tpu.memory_space<semaphore_mem>>) src(%dma_wait3A_86 : memref<40x128xi32, #tpu.memory_space<hbm>>) dst(%arg8 : memref<40x128xi32, #tpu.memory_space<vmem>>)
      tpu.yield
    }) : () -> ()
    "tpu.region"() ({
      %run_scoped3A = tpu.sem_alloc : memref<!tpu.dma_semaphore, #tpu.memory_space<semaphore_mem>>
      %dma_start3A_71 = arith.constant 40 : i32
      %dma_start3A_72 = arith.constant 0 : i32
      %dma_start3A_73 = tpu.memref_slice %arg4[%add3A, %dma_start3A_71, %dma_start3A_72] : memref<32x80x128xi32, #tpu.memory_space<hbm>> -> memref<1x40x128xi32, #tpu.memory_space<hbm>>
      %dma_start3A_74 = tpu.memref_squeeze %dma_start3A_73 : memref<1x40x128xi32, #tpu.memory_space<hbm>> -> memref<40x128xi32, #tpu.memory_space<hbm>>
      %dma_start3A_75 = arith.constant 40 : i32
      %dma_start3A_76 = arith.constant 0 : i32
      %dma_start3A_77 = tpu.memref_slice %arg4[%add3A, %dma_start3A_75, %dma_start3A_76] : memref<32x80x128xi32, #tpu.memory_space<hbm>> -> memref<1x40x128xi32, #tpu.memory_space<hbm>>
      %dma_start3A_78 = tpu.memref_squeeze %dma_start3A_77 : memref<1x40x128xi32, #tpu.memory_space<hbm>> -> memref<40x128xi32, #tpu.memory_space<hbm>>
      tpu.enqueue_dma source(%dma_start3A_78 : memref<40x128xi32, #tpu.memory_space<hbm>>) target(%arg9 : memref<40x128xi32, #tpu.memory_space<vmem>>) target_semaphore(%run_scoped3A : memref<!tpu.dma_semaphore, #tpu.memory_space<semaphore_mem>>)
      %dma_wait3A_79 = arith.constant 40 : i32
      %dma_wait3A_80 = arith.constant 0 : i32
      %dma_wait3A_81 = tpu.memref_slice %arg4[%add3A, %dma_wait3A_79, %dma_wait3A_80] : memref<32x80x128xi32, #tpu.memory_space<hbm>> -> memref<1x40x128xi32, #tpu.memory_space<hbm>>
      %dma_wait3A_82 = tpu.memref_squeeze %dma_wait3A_81 : memref<1x40x128xi32, #tpu.memory_space<hbm>> -> memref<40x128xi32, #tpu.memory_space<hbm>>
      %dma_wait3A_83 = arith.constant 40 : i32
      %dma_wait3A_84 = arith.constant 0 : i32
      %dma_wait3A_85 = tpu.memref_slice %arg4[%add3A, %dma_wait3A_83, %dma_wait3A_84] : memref<32x80x128xi32, #tpu.memory_space<hbm>> -> memref<1x40x128xi32, #tpu.memory_space<hbm>>
      %dma_wait3A_86 = tpu.memref_squeeze %dma_wait3A_85 : memref<1x40x128xi32, #tpu.memory_space<hbm>> -> memref<40x128xi32, #tpu.memory_space<hbm>>
      tpu.wait_dma2 semaphore(%run_scoped3A : memref<!tpu.dma_semaphore, #tpu.memory_space<semaphore_mem>>) src(%dma_wait3A_86 : memref<40x128xi32, #tpu.memory_space<hbm>>) dst(%arg9 : memref<40x128xi32, #tpu.memory_space<vmem>>)
      tpu.yield
    }) : () -> ()
    %dma_start3A_35 = arith.constant 0 : i32
    %dma_start3A_36 = arith.constant 0 : i32
    %dma_start3A_37 = tpu.memref_slice %arg8[%dma_start3A_35, %dma_start3A_36] : memref<40x128xi32, #tpu.memory_space<vmem>> -> memref<1x128xi32, #tpu.memory_space<vmem>>
    %dma_start3A_38 = tpu.memref_squeeze %dma_start3A_37 : memref<1x128xi32, #tpu.memory_space<vmem>> -> memref<128xi32, #tpu.memory_space<vmem>>
    %dma_start3A_39 = arith.constant 0 : i32
    %dma_start3A_40 = arith.constant 0 : i32
    %dma_start3A_41 = tpu.memref_slice %arg2[%dma_start3A_39, %dma_start3A_40] : memref<10240x128xf32, #tpu.memory_space<hbm>> -> memref<10240x128xf32, #tpu.memory_space<hbm>>
    tpu.enqueue_indirect_dma source(%dma_start3A_41 : memref<10240x128xf32, #tpu.memory_space<hbm>>) target(%arg10 : memref<128x128xf32, #tpu.memory_space<vmem>>) offsets(%dma_start3A_38 : memref<128xi32, #tpu.memory_space<vmem>>) semaphore(%arg13 : memref<!tpu.dma_semaphore, #tpu.memory_space<semaphore_mem>>)
    %dma_start3A_42 = arith.constant 1 : i32
    %dma_start3A_43 = arith.constant 0 : i32
    %dma_start3A_44 = tpu.memref_slice %arg8[%dma_start3A_42, %dma_start3A_43] : memref<40x128xi32, #tpu.memory_space<vmem>> -> memref<1x128xi32, #tpu.memory_space<vmem>>
    %dma_start3A_45 = tpu.memref_squeeze %dma_start3A_44 : memref<1x128xi32, #tpu.memory_space<vmem>> -> memref<128xi32, #tpu.memory_space<vmem>>
    %dma_start3A_46 = arith.constant 0 : i32
    %dma_start3A_47 = arith.constant 0 : i32
    %dma_start3A_48 = tpu.memref_slice %arg2[%dma_start3A_46, %dma_start3A_47] : memref<10240x128xf32, #tpu.memory_space<hbm>> -> memref<10240x128xf32, #tpu.memory_space<hbm>>
    tpu.enqueue_indirect_dma source(%dma_start3A_48 : memref<10240x128xf32, #tpu.memory_space<hbm>>) target(%arg11 : memref<128x128xf32, #tpu.memory_space<vmem>>) offsets(%dma_start3A_45 : memref<128xi32, #tpu.memory_space<vmem>>) semaphore(%arg14 : memref<!tpu.dma_semaphore, #tpu.memory_space<semaphore_mem>>)
    %scan3A_49 = arith.constant 0 : i32
    %scan3A_50 = arith.constant 0 : i32
    %scan3A_51 = arith.constant 20 : i32
    %scan3A_52 = arith.addi %scan3A_50, %scan3A_51 : i32
    %scan3A_53 = arith.constant 1 : i32
    %scan3A_54 = scf.for %scan3A_71 = %scan3A_50 to %scan3A_52 step %scan3A_53 iter_args(%scan3A_72 = %scan3A_49) -> (i32)  : i32 {
      %mul3A_73 = arith.constant 2 : i32
      %mul3A_74 = arith.muli %scan3A_71, %mul3A_73 : i32
      %add3A_75 = arith.constant 0 : i32
      %add3A_76 = arith.addi %mul3A_74, %add3A_75 : i32
      %dma_wait3A_77 = arith.constant 0 : i32
      %dma_wait3A_78 = arith.constant 0 : i32
      %dma_wait3A_79 = tpu.memref_slice %arg8[%dma_wait3A_77, %dma_wait3A_78] : memref<40x128xi32, #tpu.memory_space<vmem>> -> memref<1x128xi32, #tpu.memory_space<vmem>>
      %dma_wait3A_80 = tpu.memref_squeeze %dma_wait3A_79 : memref<1x128xi32, #tpu.memory_space<vmem>> -> memref<128xi32, #tpu.memory_space<vmem>>
      %dma_wait3A_81 = arith.constant 0 : i32
      %dma_wait3A_82 = arith.constant 0 : i32
      %dma_wait3A_83 = tpu.memref_slice %arg2[%dma_wait3A_81, %dma_wait3A_82] : memref<10240x128xf32, #tpu.memory_space<hbm>> -> memref<10240x128xf32, #tpu.memory_space<hbm>>
      tpu.wait_indirect_dma semaphore(%arg13 : memref<!tpu.dma_semaphore, #tpu.memory_space<semaphore_mem>>) src(%dma_wait3A_83 : memref<10240x128xf32, #tpu.memory_space<hbm>>) dst(%arg10 : memref<128x128xf32, #tpu.memory_space<vmem>>)
      "tpu.region"() ({
        %run_scoped3A = tpu.sem_alloc : memref<!tpu.dma_semaphore, #tpu.memory_space<semaphore_mem>>
        %dma_start3A_115 = arith.constant 0 : i32
        %dma_start3A_116 = tpu.memref_slice %arg9[%add3A_76, %dma_start3A_115] : memref<40x128xi32, #tpu.memory_space<vmem>> -> memref<1x128xi32, #tpu.memory_space<vmem>>
        %dma_start3A_117 = tpu.memref_squeeze %dma_start3A_116 : memref<1x128xi32, #tpu.memory_space<vmem>> -> memref<128xi32, #tpu.memory_space<vmem>>
        %dma_start3A_118 = arith.constant 0 : i32
        %dma_start3A_119 = arith.constant 0 : i32
        %dma_start3A_120 = tpu.memref_slice %arg12[%dma_start3A_118, %dma_start3A_119] : memref<10240x128xf32, #tpu.memory_space<vmem_shared>> -> memref<10240x128xf32, #tpu.memory_space<vmem_shared>>
        tpu.enqueue_indirect_dma source(%arg10 : memref<128x128xf32, #tpu.memory_space<vmem>>) target(%dma_start3A_120 : memref<10240x128xf32, #tpu.memory_space<vmem_shared>>) offsets(%dma_start3A_117 : memref<128xi32, #tpu.memory_space<vmem>>) semaphore(%run_scoped3A : memref<!tpu.dma_semaphore, #tpu.memory_space<semaphore_mem>>) {add = true}
        %dma_wait3A_121 = arith.constant 0 : i32
        %dma_wait3A_122 = tpu.memref_slice %arg9[%add3A_76, %dma_wait3A_121] : memref<40x128xi32, #tpu.memory_space<vmem>> -> memref<1x128xi32, #tpu.memory_space<vmem>>
        %dma_wait3A_123 = tpu.memref_squeeze %dma_wait3A_122 : memref<1x128xi32, #tpu.memory_space<vmem>> -> memref<128xi32, #tpu.memory_space<vmem>>
        %dma_wait3A_124 = arith.constant 0 : i32
        %dma_wait3A_125 = arith.constant 0 : i32
        %dma_wait3A_126 = tpu.memref_slice %arg12[%dma_wait3A_124, %dma_wait3A_125] : memref<10240x128xf32, #tpu.memory_space<vmem_shared>> -> memref<10240x128xf32, #tpu.memory_space<vmem_shared>>
        tpu.wait_indirect_dma semaphore(%run_scoped3A : memref<!tpu.dma_semaphore, #tpu.memory_space<semaphore_mem>>) src(%arg10 : memref<128x128xf32, #tpu.memory_space<vmem>>) dst(%dma_wait3A_126 : memref<10240x128xf32, #tpu.memory_space<vmem_shared>>)
        tpu.yield
      }) : () -> ()
      %add3A_84 = arith.constant 2 : i32
      %add3A_85 = arith.addi %add3A_76, %add3A_84 : i32
      %min3A = arith.constant 39 : i32
      %min3A_86 = arith.minsi %add3A_85, %min3A : i32
      %dma_start3A_87 = arith.constant 0 : i32
      %dma_start3A_88 = tpu.memref_slice %arg8[%min3A_86, %dma_start3A_87] : memref<40x128xi32, #tpu.memory_space<vmem>> -> memref<1x128xi32, #tpu.memory_space<vmem>>
      %dma_start3A_89 = tpu.memref_squeeze %dma_start3A_88 : memref<1x128xi32, #tpu.memory_space<vmem>> -> memref<128xi32, #tpu.memory_space<vmem>>
      %dma_start3A_90 = arith.constant 0 : i32
      %dma_start3A_91 = arith.constant 0 : i32
      %dma_start3A_92 = tpu.memref_slice %arg2[%dma_start3A_90, %dma_start3A_91] : memref<10240x128xf32, #tpu.memory_space<hbm>> -> memref<10240x128xf32, #tpu.memory_space<hbm>>
      tpu.enqueue_indirect_dma source(%dma_start3A_92 : memref<10240x128xf32, #tpu.memory_space<hbm>>) target(%arg10 : memref<128x128xf32, #tpu.memory_space<vmem>>) offsets(%dma_start3A_89 : memref<128xi32, #tpu.memory_space<vmem>>) semaphore(%arg13 : memref<!tpu.dma_semaphore, #tpu.memory_space<semaphore_mem>>)
      %mul3A_93 = arith.constant 2 : i32
      %mul3A_94 = arith.muli %scan3A_71, %mul3A_93 : i32
      %add3A_95 = arith.constant 1 : i32
      %add3A_96 = arith.addi %mul3A_94, %add3A_95 : i32
      %dma_wait3A_97 = arith.constant 0 : i32
      %dma_wait3A_98 = arith.constant 0 : i32
      %dma_wait3A_99 = tpu.memref_slice %arg8[%dma_wait3A_97, %dma_wait3A_98] : memref<40x128xi32, #tpu.memory_space<vmem>> -> memref<1x128xi32, #tpu.memory_space<vmem>>
      %dma_wait3A_100 = tpu.memref_squeeze %dma_wait3A_99 : memref<1x128xi32, #tpu.memory_space<vmem>> -> memref<128xi32, #tpu.memory_space<vmem>>
      %dma_wait3A_101 = arith.constant 0 : i32
      %dma_wait3A_102 = arith.constant 0 : i32
      %dma_wait3A_103 = tpu.memref_slice %arg2[%dma_wait3A_101, %dma_wait3A_102] : memref<10240x128xf32, #tpu.memory_space<hbm>> -> memref<10240x128xf32, #tpu.memory_space<hbm>>
      tpu.wait_indirect_dma semaphore(%arg14 : memref<!tpu.dma_semaphore, #tpu.memory_space<semaphore_mem>>) src(%dma_wait3A_103 : memref<10240x128xf32, #tpu.memory_space<hbm>>) dst(%arg11 : memref<128x128xf32, #tpu.memory_space<vmem>>)
      "tpu.region"() ({
        %run_scoped3A = tpu.sem_alloc : memref<!tpu.dma_semaphore, #tpu.memory_space<semaphore_mem>>
        %dma_start3A_115 = arith.constant 0 : i32
        %dma_start3A_116 = tpu.memref_slice %arg9[%add3A_96, %dma_start3A_115] : memref<40x128xi32, #tpu.memory_space<vmem>> -> memref<1x128xi32, #tpu.memory_space<vmem>>
        %dma_start3A_117 = tpu.memref_squeeze %dma_start3A_116 : memref<1x128xi32, #tpu.memory_space<vmem>> -> memref<128xi32, #tpu.memory_space<vmem>>
        %dma_start3A_118 = arith.constant 0 : i32
        %dma_start3A_119 = arith.constant 0 : i32
        %dma_start3A_120 = tpu.memref_slice %arg12[%dma_start3A_118, %dma_start3A_119] : memref<10240x128xf32, #tpu.memory_space<vmem_shared>> -> memref<10240x128xf32, #tpu.memory_space<vmem_shared>>
        tpu.enqueue_indirect_dma source(%arg11 : memref<128x128xf32, #tpu.memory_space<vmem>>) target(%dma_start3A_120 : memref<10240x128xf32, #tpu.memory_space<vmem_shared>>) offsets(%dma_start3A_117 : memref<128xi32, #tpu.memory_space<vmem>>) semaphore(%run_scoped3A : memref<!tpu.dma_semaphore, #tpu.memory_space<semaphore_mem>>) {add = true}
        %dma_wait3A_121 = arith.constant 0 : i32
        %dma_wait3A_122 = tpu.memref_slice %arg9[%add3A_96, %dma_wait3A_121] : memref<40x128xi32, #tpu.memory_space<vmem>> -> memref<1x128xi32, #tpu.memory_space<vmem>>
        %dma_wait3A_123 = tpu.memref_squeeze %dma_wait3A_122 : memref<1x128xi32, #tpu.memory_space<vmem>> -> memref<128xi32, #tpu.memory_space<vmem>>
        %dma_wait3A_124 = arith.constant 0 : i32
        %dma_wait3A_125 = arith.constant 0 : i32
        %dma_wait3A_126 = tpu.memref_slice %arg12[%dma_wait3A_124, %dma_wait3A_125] : memref<10240x128xf32, #tpu.memory_space<vmem_shared>> -> memref<10240x128xf32, #tpu.memory_space<vmem_shared>>
        tpu.wait_indirect_dma semaphore(%run_scoped3A : memref<!tpu.dma_semaphore, #tpu.memory_space<semaphore_mem>>) src(%arg11 : memref<128x128xf32, #tpu.memory_space<vmem>>) dst(%dma_wait3A_126 : memref<10240x128xf32, #tpu.memory_space<vmem_shared>>)
        tpu.yield
      }) : () -> ()
      %add3A_104 = arith.constant 2 : i32
      %add3A_105 = arith.addi %add3A_96, %add3A_104 : i32
      %min3A_106 = arith.constant 39 : i32
      %min3A_107 = arith.minsi %add3A_105, %min3A_106 : i32
      %dma_start3A_108 = arith.constant 0 : i32
      %dma_start3A_109 = tpu.memref_slice %arg8[%min3A_107, %dma_start3A_108] : memref<40x128xi32, #tpu.memory_space<vmem>> -> memref<1x128xi32, #tpu.memory_space<vmem>>
      %dma_start3A_110 = tpu.memref_squeeze %dma_start3A_109 : memref<1x128xi32, #tpu.memory_space<vmem>> -> memref<128xi32, #tpu.memory_space<vmem>>
      %dma_start3A_111 = arith.constant 0 : i32
      %dma_start3A_112 = arith.constant 0 : i32
      %dma_start3A_113 = tpu.memref_slice %arg2[%dma_start3A_111, %dma_start3A_112] : memref<10240x128xf32, #tpu.memory_space<hbm>> -> memref<10240x128xf32, #tpu.memory_space<hbm>>
      tpu.enqueue_indirect_dma source(%dma_start3A_113 : memref<10240x128xf32, #tpu.memory_space<hbm>>) target(%arg11 : memref<128x128xf32, #tpu.memory_space<vmem>>) offsets(%dma_start3A_110 : memref<128xi32, #tpu.memory_space<vmem>>) semaphore(%arg14 : memref<!tpu.dma_semaphore, #tpu.memory_space<semaphore_mem>>)
      %scan3A_114 = arith.constant 0 : i32
      scf.yield %scan3A_114 : i32
    }
    %scan3A_55 = arith.constant 20 : i32
    %dma_wait3A_56 = arith.constant 0 : i32
    %dma_wait3A_57 = arith.constant 0 : i32
    %dma_wait3A_58 = tpu.memref_slice %arg8[%dma_wait3A_56, %dma_wait3A_57] : memref<40x128xi32, #tpu.memory_space<vmem>> -> memref<1x128xi32, #tpu.memory_space<vmem>>
    %dma_wait3A_59 = tpu.memref_squeeze %dma_wait3A_58 : memref<1x128xi32, #tpu.memory_space<vmem>> -> memref<128xi32, #tpu.memory_space<vmem>>
    %dma_wait3A_60 = arith.constant 0 : i32
    %dma_wait3A_61 = arith.constant 0 : i32
    %dma_wait3A_62 = tpu.memref_slice %arg2[%dma_wait3A_60, %dma_wait3A_61] : memref<10240x128xf32, #tpu.memory_space<hbm>> -> memref<10240x128xf32, #tpu.memory_space<hbm>>
    tpu.wait_indirect_dma semaphore(%arg13 : memref<!tpu.dma_semaphore, #tpu.memory_space<semaphore_mem>>) src(%dma_wait3A_62 : memref<10240x128xf32, #tpu.memory_space<hbm>>) dst(%arg10 : memref<128x128xf32, #tpu.memory_space<vmem>>)
    %dma_wait3A_63 = arith.constant 0 : i32
    %dma_wait3A_64 = arith.constant 0 : i32
    %dma_wait3A_65 = tpu.memref_slice %arg8[%dma_wait3A_63, %dma_wait3A_64] : memref<40x128xi32, #tpu.memory_space<vmem>> -> memref<1x128xi32, #tpu.memory_space<vmem>>
    %dma_wait3A_66 = tpu.memref_squeeze %dma_wait3A_65 : memref<1x128xi32, #tpu.memory_space<vmem>> -> memref<128xi32, #tpu.memory_space<vmem>>
    %dma_wait3A_67 = arith.constant 0 : i32
    %dma_wait3A_68 = arith.constant 0 : i32
    %dma_wait3A_69 = tpu.memref_slice %arg2[%dma_wait3A_67, %dma_wait3A_68] : memref<10240x128xf32, #tpu.memory_space<hbm>> -> memref<10240x128xf32, #tpu.memory_space<hbm>>
    tpu.wait_indirect_dma semaphore(%arg14 : memref<!tpu.dma_semaphore, #tpu.memory_space<semaphore_mem>>) src(%dma_wait3A_69 : memref<10240x128xf32, #tpu.memory_space<hbm>>) dst(%arg11 : memref<128x128xf32, #tpu.memory_space<vmem>>)
    %barrier3A_70 = arith.constant 0 : index
    tpu.barrier barrier_id(%barrier3A_70)
    "tpu.region"() ({
      %run_scoped3A = tpu.sem_alloc : memref<!tpu.dma_semaphore, #tpu.memory_space<semaphore_mem>>
      %dma_start3A_71 = arith.constant 0 : i32
      %dma_start3A_72 = tpu.memref_slice %arg7[%arg0, %multiple_of3A, %dma_start3A_71] : memref<2x10240x128xf32, #tpu.memory_space<hbm>> -> memref<1x640x128xf32, #tpu.memory_space<hbm>>
      %dma_start3A_73 = tpu.memref_squeeze %dma_start3A_72 : memref<1x640x128xf32, #tpu.memory_space<hbm>> -> memref<640x128xf32, #tpu.memory_space<hbm>>
      %dma_start3A_74 = arith.constant 0 : i32
      %dma_start3A_75 = tpu.memref_slice %arg12[%multiple_of3A, %dma_start3A_74] : memref<10240x128xf32, #tpu.memory_space<vmem_shared>> -> memref<640x128xf32, #tpu.memory_space<vmem_shared>>
      tpu.enqueue_dma source(%dma_start3A_75 : memref<640x128xf32, #tpu.memory_space<vmem_shared>>) target(%dma_start3A_73 : memref<640x128xf32, #tpu.memory_space<hbm>>) target_semaphore(%run_scoped3A : memref<!tpu.dma_semaphore, #tpu.memory_space<semaphore_mem>>)
      %dma_wait3A_76 = arith.constant 0 : i32
      %dma_wait3A_77 = tpu.memref_slice %arg7[%arg0, %multiple_of3A, %dma_wait3A_76] : memref<2x10240x128xf32, #tpu.memory_space<hbm>> -> memref<1x640x128xf32, #tpu.memory_space<hbm>>
      %dma_wait3A_78 = tpu.memref_squeeze %dma_wait3A_77 : memref<1x640x128xf32, #tpu.memory_space<hbm>> -> memref<640x128xf32, #tpu.memory_space<hbm>>
      %dma_wait3A_79 = arith.constant 0 : i32
      %dma_wait3A_80 = tpu.memref_slice %arg12[%multiple_of3A, %dma_wait3A_79] : memref<10240x128xf32, #tpu.memory_space<vmem_shared>> -> memref<640x128xf32, #tpu.memory_space<vmem_shared>>
      tpu.wait_dma2 semaphore(%run_scoped3A : memref<!tpu.dma_semaphore, #tpu.memory_space<semaphore_mem>>) src(%dma_wait3A_80 : memref<640x128xf32, #tpu.memory_space<vmem_shared>>) dst(%dma_wait3A_78 : memref<640x128xf32, #tpu.memory_space<hbm>>)
      tpu.yield
    }) : () -> ()
    return
  }
}

#map = affine_map<(d0, d1) -> (0, 0, 0)>
#map1 = affine_map<(d0, d1) -> (0, 0)>
#map2 = affine_map<(d0, d1) -> (0)>
module attributes {stable_mosaic.version = 14 : i64} {
  func.func @_deg(%arg0: i32, %arg1: i32, %arg2: memref<32x80x128xi32, #tpu.memory_space<hbm>>, %arg3: memref<32x80x128xi32, #tpu.memory_space<hbm>>, %arg4: memref<128x128xf32, #tpu.memory_space<hbm>>, %arg5: memref<640x128xf32, #tpu.memory_space<hbm>>, %arg6: memref<128xi32, #tpu.memory_space<hbm>>, %arg7: memref<2x10240x128xf32, #tpu.memory_space<hbm>>, %arg8: memref<2x10240x128xf32, #tpu.memory_space<hbm>>, %arg9: memref<40x128xi32, #tpu.memory_space<vmem>>, %arg10: memref<128x128xf32, #tpu.memory_space<vmem>>, %arg11: memref<10240x128xf32, #tpu.memory_space<vmem_shared>>) attributes {dimension_semantics = [#tpu.dimension_semantics<core_parallel>, #tpu.dimension_semantics<subcore_parallel>], iteration_bounds = array<i64: 2, 16>, scalar_prefetch = 0 : i64, scratch_operands = 3 : i64, tpu.core_type = #tpu.core_type<sc_vector_subcore>, window_params = [{transform_indices = #map}, {transform_indices = #map}, {transform_indices = #map1}, {transform_indices = #map1}, {transform_indices = #map2}, {transform_indices = #map}, {transform_indices = #map}]} {
    %mul3A = arith.constant 2 : i32
    %mul3A_0 = arith.muli %arg1, %mul3A : i32
    %add3A = arith.addi %mul3A_0, %arg0 : i32
    "tpu.region"() ({
      %run_scoped3A = tpu.sem_alloc : memref<!tpu.dma_semaphore, #tpu.memory_space<semaphore_mem>>
      tpu.enqueue_dma source(%arg4 : memref<128x128xf32, #tpu.memory_space<hbm>>) target(%arg10 : memref<128x128xf32, #tpu.memory_space<vmem>>) target_semaphore(%run_scoped3A : memref<!tpu.dma_semaphore, #tpu.memory_space<semaphore_mem>>)
      tpu.wait_dma2 semaphore(%run_scoped3A : memref<!tpu.dma_semaphore, #tpu.memory_space<semaphore_mem>>) src(%arg4 : memref<128x128xf32, #tpu.memory_space<hbm>>) dst(%arg10 : memref<128x128xf32, #tpu.memory_space<vmem>>)
      tpu.yield
    }) : () -> ()
    %mul3A_1 = arith.constant 640 : i32
    %mul3A_2 = arith.muli %arg1, %mul3A_1 : i32
    %multiple_of3A = tpu.assume_multiple %mul3A_2, 8 : i32
    "tpu.region"() ({
      %run_scoped3A = tpu.sem_alloc : memref<!tpu.dma_semaphore, #tpu.memory_space<semaphore_mem>>
      %dma_start3A = arith.constant 0 : i32
      %dma_start3A_38 = tpu.memref_slice %arg11[%multiple_of3A, %dma_start3A] : memref<10240x128xf32, #tpu.memory_space<vmem_shared>> -> memref<640x128xf32, #tpu.memory_space<vmem_shared>>
      tpu.enqueue_dma source(%arg5 : memref<640x128xf32, #tpu.memory_space<hbm>>) target(%dma_start3A_38 : memref<640x128xf32, #tpu.memory_space<vmem_shared>>) target_semaphore(%run_scoped3A : memref<!tpu.dma_semaphore, #tpu.memory_space<semaphore_mem>>)
      %dma_wait3A = arith.constant 0 : i32
      %dma_wait3A_39 = tpu.memref_slice %arg11[%multiple_of3A, %dma_wait3A] : memref<10240x128xf32, #tpu.memory_space<vmem_shared>> -> memref<640x128xf32, #tpu.memory_space<vmem_shared>>
      tpu.wait_dma2 semaphore(%run_scoped3A : memref<!tpu.dma_semaphore, #tpu.memory_space<semaphore_mem>>) src(%arg5 : memref<640x128xf32, #tpu.memory_space<hbm>>) dst(%dma_wait3A_39 : memref<640x128xf32, #tpu.memory_space<vmem_shared>>)
      tpu.yield
    }) : () -> ()
    %barrier3A = arith.constant 0 : index
    tpu.barrier barrier_id(%barrier3A)
    "tpu.region"() ({
      %run_scoped3A = tpu.sem_alloc : memref<!tpu.dma_semaphore, #tpu.memory_space<semaphore_mem>>
      %dma_start3A = arith.constant 0 : i32
      %dma_start3A_38 = arith.constant 0 : i32
      %dma_start3A_39 = tpu.memref_slice %arg2[%add3A, %dma_start3A, %dma_start3A_38] : memref<32x80x128xi32, #tpu.memory_space<hbm>> -> memref<1x40x128xi32, #tpu.memory_space<hbm>>
      %dma_start3A_40 = tpu.memref_squeeze %dma_start3A_39 : memref<1x40x128xi32, #tpu.memory_space<hbm>> -> memref<40x128xi32, #tpu.memory_space<hbm>>
      %dma_start3A_41 = arith.constant 0 : i32
      %dma_start3A_42 = arith.constant 0 : i32
      %dma_start3A_43 = tpu.memref_slice %arg2[%add3A, %dma_start3A_41, %dma_start3A_42] : memref<32x80x128xi32, #tpu.memory_space<hbm>> -> memref<1x40x128xi32, #tpu.memory_space<hbm>>
      %dma_start3A_44 = tpu.memref_squeeze %dma_start3A_43 : memref<1x40x128xi32, #tpu.memory_space<hbm>> -> memref<40x128xi32, #tpu.memory_space<hbm>>
      tpu.enqueue_dma source(%dma_start3A_44 : memref<40x128xi32, #tpu.memory_space<hbm>>) target(%arg9 : memref<40x128xi32, #tpu.memory_space<vmem>>) target_semaphore(%run_scoped3A : memref<!tpu.dma_semaphore, #tpu.memory_space<semaphore_mem>>)
      %dma_wait3A = arith.constant 0 : i32
      %dma_wait3A_45 = arith.constant 0 : i32
      %dma_wait3A_46 = tpu.memref_slice %arg2[%add3A, %dma_wait3A, %dma_wait3A_45] : memref<32x80x128xi32, #tpu.memory_space<hbm>> -> memref<1x40x128xi32, #tpu.memory_space<hbm>>
      %dma_wait3A_47 = tpu.memref_squeeze %dma_wait3A_46 : memref<1x40x128xi32, #tpu.memory_space<hbm>> -> memref<40x128xi32, #tpu.memory_space<hbm>>
      %dma_wait3A_48 = arith.constant 0 : i32
      %dma_wait3A_49 = arith.constant 0 : i32
      %dma_wait3A_50 = tpu.memref_slice %arg2[%add3A, %dma_wait3A_48, %dma_wait3A_49] : memref<32x80x128xi32, #tpu.memory_space<hbm>> -> memref<1x40x128xi32, #tpu.memory_space<hbm>>
      %dma_wait3A_51 = tpu.memref_squeeze %dma_wait3A_50 : memref<1x40x128xi32, #tpu.memory_space<hbm>> -> memref<40x128xi32, #tpu.memory_space<hbm>>
      tpu.wait_dma2 semaphore(%run_scoped3A : memref<!tpu.dma_semaphore, #tpu.memory_space<semaphore_mem>>) src(%dma_wait3A_51 : memref<40x128xi32, #tpu.memory_space<hbm>>) dst(%arg9 : memref<40x128xi32, #tpu.memory_space<vmem>>)
      tpu.yield
    }) : () -> ()
    %scan3A = arith.constant 0 : i32
    %scan3A_3 = arith.constant 0 : i32
    %scan3A_4 = arith.constant 40 : i32
    %scan3A_5 = arith.addi %scan3A_3, %scan3A_4 : i32
    %scan3A_6 = arith.constant 1 : i32
    %scan3A_7 = scf.for %scan3A_38 = %scan3A_3 to %scan3A_5 step %scan3A_6 iter_args(%scan3A_39 = %scan3A) -> (i32)  : i32 {
      "tpu.region"() ({
        %run_scoped3A = tpu.sem_alloc : memref<!tpu.dma_semaphore, #tpu.memory_space<semaphore_mem>>
        %dma_start3A = arith.constant 0 : i32
        %dma_start3A_41 = tpu.memref_slice %arg9[%scan3A_38, %dma_start3A] : memref<40x128xi32, #tpu.memory_space<vmem>> -> memref<1x128xi32, #tpu.memory_space<vmem>>
        %dma_start3A_42 = tpu.memref_squeeze %dma_start3A_41 : memref<1x128xi32, #tpu.memory_space<vmem>> -> memref<128xi32, #tpu.memory_space<vmem>>
        %dma_start3A_43 = arith.constant 0 : i32
        %dma_start3A_44 = arith.constant 0 : i32
        %dma_start3A_45 = tpu.memref_slice %arg11[%dma_start3A_43, %dma_start3A_44] : memref<10240x128xf32, #tpu.memory_space<vmem_shared>> -> memref<10240x128xf32, #tpu.memory_space<vmem_shared>>
        tpu.enqueue_indirect_dma source(%arg10 : memref<128x128xf32, #tpu.memory_space<vmem>>) target(%dma_start3A_45 : memref<10240x128xf32, #tpu.memory_space<vmem_shared>>) offsets(%dma_start3A_42 : memref<128xi32, #tpu.memory_space<vmem>>) semaphore(%run_scoped3A : memref<!tpu.dma_semaphore, #tpu.memory_space<semaphore_mem>>) {add = true}
        %dma_wait3A = arith.constant 0 : i32
        %dma_wait3A_46 = tpu.memref_slice %arg9[%scan3A_38, %dma_wait3A] : memref<40x128xi32, #tpu.memory_space<vmem>> -> memref<1x128xi32, #tpu.memory_space<vmem>>
        %dma_wait3A_47 = tpu.memref_squeeze %dma_wait3A_46 : memref<1x128xi32, #tpu.memory_space<vmem>> -> memref<128xi32, #tpu.memory_space<vmem>>
        %dma_wait3A_48 = arith.constant 0 : i32
        %dma_wait3A_49 = arith.constant 0 : i32
        %dma_wait3A_50 = tpu.memref_slice %arg11[%dma_wait3A_48, %dma_wait3A_49] : memref<10240x128xf32, #tpu.memory_space<vmem_shared>> -> memref<10240x128xf32, #tpu.memory_space<vmem_shared>>
        tpu.wait_indirect_dma semaphore(%run_scoped3A : memref<!tpu.dma_semaphore, #tpu.memory_space<semaphore_mem>>) src(%arg10 : memref<128x128xf32, #tpu.memory_space<vmem>>) dst(%dma_wait3A_50 : memref<10240x128xf32, #tpu.memory_space<vmem_shared>>)
        tpu.yield
      }) : () -> ()
      %scan3A_40 = arith.constant 0 : i32
      scf.yield %scan3A_40 : i32
    }
    %scan3A_8 = arith.constant 40 : i32
    "tpu.region"() ({
      %run_scoped3A = tpu.sem_alloc : memref<!tpu.dma_semaphore, #tpu.memory_space<semaphore_mem>>
      %dma_start3A = arith.constant 40 : i32
      %dma_start3A_38 = arith.constant 0 : i32
      %dma_start3A_39 = tpu.memref_slice %arg2[%add3A, %dma_start3A, %dma_start3A_38] : memref<32x80x128xi32, #tpu.memory_space<hbm>> -> memref<1x40x128xi32, #tpu.memory_space<hbm>>
      %dma_start3A_40 = tpu.memref_squeeze %dma_start3A_39 : memref<1x40x128xi32, #tpu.memory_space<hbm>> -> memref<40x128xi32, #tpu.memory_space<hbm>>
      %dma_start3A_41 = arith.constant 40 : i32
      %dma_start3A_42 = arith.constant 0 : i32
      %dma_start3A_43 = tpu.memref_slice %arg2[%add3A, %dma_start3A_41, %dma_start3A_42] : memref<32x80x128xi32, #tpu.memory_space<hbm>> -> memref<1x40x128xi32, #tpu.memory_space<hbm>>
      %dma_start3A_44 = tpu.memref_squeeze %dma_start3A_43 : memref<1x40x128xi32, #tpu.memory_space<hbm>> -> memref<40x128xi32, #tpu.memory_space<hbm>>
      tpu.enqueue_dma source(%dma_start3A_44 : memref<40x128xi32, #tpu.memory_space<hbm>>) target(%arg9 : memref<40x128xi32, #tpu.memory_space<vmem>>) target_semaphore(%run_scoped3A : memref<!tpu.dma_semaphore, #tpu.memory_space<semaphore_mem>>)
      %dma_wait3A = arith.constant 40 : i32
      %dma_wait3A_45 = arith.constant 0 : i32
      %dma_wait3A_46 = tpu.memref_slice %arg2[%add3A, %dma_wait3A, %dma_wait3A_45] : memref<32x80x128xi32, #tpu.memory_space<hbm>> -> memref<1x40x128xi32, #tpu.memory_space<hbm>>
      %dma_wait3A_47 = tpu.memref_squeeze %dma_wait3A_46 : memref<1x40x128xi32, #tpu.memory_space<hbm>> -> memref<40x128xi32, #tpu.memory_space<hbm>>
      %dma_wait3A_48 = arith.constant 40 : i32
      %dma_wait3A_49 = arith.constant 0 : i32
      %dma_wait3A_50 = tpu.memref_slice %arg2[%add3A, %dma_wait3A_48, %dma_wait3A_49] : memref<32x80x128xi32, #tpu.memory_space<hbm>> -> memref<1x40x128xi32, #tpu.memory_space<hbm>>
      %dma_wait3A_51 = tpu.memref_squeeze %dma_wait3A_50 : memref<1x40x128xi32, #tpu.memory_space<hbm>> -> memref<40x128xi32, #tpu.memory_space<hbm>>
      tpu.wait_dma2 semaphore(%run_scoped3A : memref<!tpu.dma_semaphore, #tpu.memory_space<semaphore_mem>>) src(%dma_wait3A_51 : memref<40x128xi32, #tpu.memory_space<hbm>>) dst(%arg9 : memref<40x128xi32, #tpu.memory_space<vmem>>)
      tpu.yield
    }) : () -> ()
    %scan3A_9 = arith.constant 0 : i32
    %scan3A_10 = arith.constant 0 : i32
    %scan3A_11 = arith.constant 40 : i32
    %scan3A_12 = arith.addi %scan3A_10, %scan3A_11 : i32
    %scan3A_13 = arith.constant 1 : i32
    %scan3A_14 = scf.for %scan3A_38 = %scan3A_10 to %scan3A_12 step %scan3A_13 iter_args(%scan3A_39 = %scan3A_9) -> (i32)  : i32 {
      "tpu.region"() ({
        %run_scoped3A = tpu.sem_alloc : memref<!tpu.dma_semaphore, #tpu.memory_space<semaphore_mem>>
        %dma_start3A = arith.constant 0 : i32
        %dma_start3A_41 = tpu.memref_slice %arg9[%scan3A_38, %dma_start3A] : memref<40x128xi32, #tpu.memory_space<vmem>> -> memref<1x128xi32, #tpu.memory_space<vmem>>
        %dma_start3A_42 = tpu.memref_squeeze %dma_start3A_41 : memref<1x128xi32, #tpu.memory_space<vmem>> -> memref<128xi32, #tpu.memory_space<vmem>>
        %dma_start3A_43 = arith.constant 0 : i32
        %dma_start3A_44 = arith.constant 0 : i32
        %dma_start3A_45 = tpu.memref_slice %arg11[%dma_start3A_43, %dma_start3A_44] : memref<10240x128xf32, #tpu.memory_space<vmem_shared>> -> memref<10240x128xf32, #tpu.memory_space<vmem_shared>>
        tpu.enqueue_indirect_dma source(%arg10 : memref<128x128xf32, #tpu.memory_space<vmem>>) target(%dma_start3A_45 : memref<10240x128xf32, #tpu.memory_space<vmem_shared>>) offsets(%dma_start3A_42 : memref<128xi32, #tpu.memory_space<vmem>>) semaphore(%run_scoped3A : memref<!tpu.dma_semaphore, #tpu.memory_space<semaphore_mem>>) {add = true}
        %dma_wait3A = arith.constant 0 : i32
        %dma_wait3A_46 = tpu.memref_slice %arg9[%scan3A_38, %dma_wait3A] : memref<40x128xi32, #tpu.memory_space<vmem>> -> memref<1x128xi32, #tpu.memory_space<vmem>>
        %dma_wait3A_47 = tpu.memref_squeeze %dma_wait3A_46 : memref<1x128xi32, #tpu.memory_space<vmem>> -> memref<128xi32, #tpu.memory_space<vmem>>
        %dma_wait3A_48 = arith.constant 0 : i32
        %dma_wait3A_49 = arith.constant 0 : i32
        %dma_wait3A_50 = tpu.memref_slice %arg11[%dma_wait3A_48, %dma_wait3A_49] : memref<10240x128xf32, #tpu.memory_space<vmem_shared>> -> memref<10240x128xf32, #tpu.memory_space<vmem_shared>>
        tpu.wait_indirect_dma semaphore(%run_scoped3A : memref<!tpu.dma_semaphore, #tpu.memory_space<semaphore_mem>>) src(%arg10 : memref<128x128xf32, #tpu.memory_space<vmem>>) dst(%dma_wait3A_50 : memref<10240x128xf32, #tpu.memory_space<vmem_shared>>)
        tpu.yield
      }) : () -> ()
      %scan3A_40 = arith.constant 0 : i32
      scf.yield %scan3A_40 : i32
    }
    %scan3A_15 = arith.constant 40 : i32
    %barrier3A_16 = arith.constant 0 : index
    tpu.barrier barrier_id(%barrier3A_16)
    "tpu.region"() ({
      %run_scoped3A = tpu.sem_alloc : memref<!tpu.dma_semaphore, #tpu.memory_space<semaphore_mem>>
      %dma_start3A = arith.constant 0 : i32
      %dma_start3A_38 = tpu.memref_slice %arg7[%arg0, %multiple_of3A, %dma_start3A] : memref<2x10240x128xf32, #tpu.memory_space<hbm>> -> memref<1x640x128xf32, #tpu.memory_space<hbm>>
      %dma_start3A_39 = tpu.memref_squeeze %dma_start3A_38 : memref<1x640x128xf32, #tpu.memory_space<hbm>> -> memref<640x128xf32, #tpu.memory_space<hbm>>
      %dma_start3A_40 = arith.constant 0 : i32
      %dma_start3A_41 = tpu.memref_slice %arg11[%multiple_of3A, %dma_start3A_40] : memref<10240x128xf32, #tpu.memory_space<vmem_shared>> -> memref<640x128xf32, #tpu.memory_space<vmem_shared>>
      tpu.enqueue_dma source(%dma_start3A_41 : memref<640x128xf32, #tpu.memory_space<vmem_shared>>) target(%dma_start3A_39 : memref<640x128xf32, #tpu.memory_space<hbm>>) target_semaphore(%run_scoped3A : memref<!tpu.dma_semaphore, #tpu.memory_space<semaphore_mem>>)
      %dma_wait3A = arith.constant 0 : i32
      %dma_wait3A_42 = tpu.memref_slice %arg7[%arg0, %multiple_of3A, %dma_wait3A] : memref<2x10240x128xf32, #tpu.memory_space<hbm>> -> memref<1x640x128xf32, #tpu.memory_space<hbm>>
      %dma_wait3A_43 = tpu.memref_squeeze %dma_wait3A_42 : memref<1x640x128xf32, #tpu.memory_space<hbm>> -> memref<640x128xf32, #tpu.memory_space<hbm>>
      %dma_wait3A_44 = arith.constant 0 : i32
      %dma_wait3A_45 = tpu.memref_slice %arg11[%multiple_of3A, %dma_wait3A_44] : memref<10240x128xf32, #tpu.memory_space<vmem_shared>> -> memref<640x128xf32, #tpu.memory_space<vmem_shared>>
      tpu.wait_dma2 semaphore(%run_scoped3A : memref<!tpu.dma_semaphore, #tpu.memory_space<semaphore_mem>>) src(%dma_wait3A_45 : memref<640x128xf32, #tpu.memory_space<vmem_shared>>) dst(%dma_wait3A_43 : memref<640x128xf32, #tpu.memory_space<hbm>>)
      tpu.yield
    }) : () -> ()
    %barrier3A_17 = arith.constant 0 : index
    tpu.barrier barrier_id(%barrier3A_17)
    %mul3A_18 = arith.constant 640 : i32
    %mul3A_19 = arith.muli %arg1, %mul3A_18 : i32
    %multiple_of3A_20 = tpu.assume_multiple %mul3A_19, 8 : i32
    "tpu.region"() ({
      %run_scoped3A = tpu.sem_alloc : memref<!tpu.dma_semaphore, #tpu.memory_space<semaphore_mem>>
      %dma_start3A = arith.constant 0 : i32
      %dma_start3A_38 = tpu.memref_slice %arg11[%multiple_of3A_20, %dma_start3A] : memref<10240x128xf32, #tpu.memory_space<vmem_shared>> -> memref<640x128xf32, #tpu.memory_space<vmem_shared>>
      tpu.enqueue_dma source(%arg5 : memref<640x128xf32, #tpu.memory_space<hbm>>) target(%dma_start3A_38 : memref<640x128xf32, #tpu.memory_space<vmem_shared>>) target_semaphore(%run_scoped3A : memref<!tpu.dma_semaphore, #tpu.memory_space<semaphore_mem>>)
      %dma_wait3A = arith.constant 0 : i32
      %dma_wait3A_39 = tpu.memref_slice %arg11[%multiple_of3A_20, %dma_wait3A] : memref<10240x128xf32, #tpu.memory_space<vmem_shared>> -> memref<640x128xf32, #tpu.memory_space<vmem_shared>>
      tpu.wait_dma2 semaphore(%run_scoped3A : memref<!tpu.dma_semaphore, #tpu.memory_space<semaphore_mem>>) src(%arg5 : memref<640x128xf32, #tpu.memory_space<hbm>>) dst(%dma_wait3A_39 : memref<640x128xf32, #tpu.memory_space<vmem_shared>>)
      tpu.yield
    }) : () -> ()
    %barrier3A_21 = arith.constant 0 : index
    tpu.barrier barrier_id(%barrier3A_21)
    "tpu.region"() ({
      %run_scoped3A = tpu.sem_alloc : memref<!tpu.dma_semaphore, #tpu.memory_space<semaphore_mem>>
      %dma_start3A = arith.constant 0 : i32
      %dma_start3A_38 = arith.constant 0 : i32
      %dma_start3A_39 = tpu.memref_slice %arg3[%add3A, %dma_start3A, %dma_start3A_38] : memref<32x80x128xi32, #tpu.memory_space<hbm>> -> memref<1x40x128xi32, #tpu.memory_space<hbm>>
      %dma_start3A_40 = tpu.memref_squeeze %dma_start3A_39 : memref<1x40x128xi32, #tpu.memory_space<hbm>> -> memref<40x128xi32, #tpu.memory_space<hbm>>
      %dma_start3A_41 = arith.constant 0 : i32
      %dma_start3A_42 = arith.constant 0 : i32
      %dma_start3A_43 = tpu.memref_slice %arg3[%add3A, %dma_start3A_41, %dma_start3A_42] : memref<32x80x128xi32, #tpu.memory_space<hbm>> -> memref<1x40x128xi32, #tpu.memory_space<hbm>>
      %dma_start3A_44 = tpu.memref_squeeze %dma_start3A_43 : memref<1x40x128xi32, #tpu.memory_space<hbm>> -> memref<40x128xi32, #tpu.memory_space<hbm>>
      tpu.enqueue_dma source(%dma_start3A_44 : memref<40x128xi32, #tpu.memory_space<hbm>>) target(%arg9 : memref<40x128xi32, #tpu.memory_space<vmem>>) target_semaphore(%run_scoped3A : memref<!tpu.dma_semaphore, #tpu.memory_space<semaphore_mem>>)
      %dma_wait3A = arith.constant 0 : i32
      %dma_wait3A_45 = arith.constant 0 : i32
      %dma_wait3A_46 = tpu.memref_slice %arg3[%add3A, %dma_wait3A, %dma_wait3A_45] : memref<32x80x128xi32, #tpu.memory_space<hbm>> -> memref<1x40x128xi32, #tpu.memory_space<hbm>>
      %dma_wait3A_47 = tpu.memref_squeeze %dma_wait3A_46 : memref<1x40x128xi32, #tpu.memory_space<hbm>> -> memref<40x128xi32, #tpu.memory_space<hbm>>
      %dma_wait3A_48 = arith.constant 0 : i32
      %dma_wait3A_49 = arith.constant 0 : i32
      %dma_wait3A_50 = tpu.memref_slice %arg3[%add3A, %dma_wait3A_48, %dma_wait3A_49] : memref<32x80x128xi32, #tpu.memory_space<hbm>> -> memref<1x40x128xi32, #tpu.memory_space<hbm>>
      %dma_wait3A_51 = tpu.memref_squeeze %dma_wait3A_50 : memref<1x40x128xi32, #tpu.memory_space<hbm>> -> memref<40x128xi32, #tpu.memory_space<hbm>>
      tpu.wait_dma2 semaphore(%run_scoped3A : memref<!tpu.dma_semaphore, #tpu.memory_space<semaphore_mem>>) src(%dma_wait3A_51 : memref<40x128xi32, #tpu.memory_space<hbm>>) dst(%arg9 : memref<40x128xi32, #tpu.memory_space<vmem>>)
      tpu.yield
    }) : () -> ()
    %scan3A_22 = arith.constant 0 : i32
    %scan3A_23 = arith.constant 0 : i32
    %scan3A_24 = arith.constant 40 : i32
    %scan3A_25 = arith.addi %scan3A_23, %scan3A_24 : i32
    %scan3A_26 = arith.constant 1 : i32
    %scan3A_27 = scf.for %scan3A_38 = %scan3A_23 to %scan3A_25 step %scan3A_26 iter_args(%scan3A_39 = %scan3A_22) -> (i32)  : i32 {
      "tpu.region"() ({
        %run_scoped3A = tpu.sem_alloc : memref<!tpu.dma_semaphore, #tpu.memory_space<semaphore_mem>>
        %dma_start3A = arith.constant 0 : i32
        %dma_start3A_41 = tpu.memref_slice %arg9[%scan3A_38, %dma_start3A] : memref<40x128xi32, #tpu.memory_space<vmem>> -> memref<1x128xi32, #tpu.memory_space<vmem>>
        %dma_start3A_42 = tpu.memref_squeeze %dma_start3A_41 : memref<1x128xi32, #tpu.memory_space<vmem>> -> memref<128xi32, #tpu.memory_space<vmem>>
        %dma_start3A_43 = arith.constant 0 : i32
        %dma_start3A_44 = arith.constant 0 : i32
        %dma_start3A_45 = tpu.memref_slice %arg11[%dma_start3A_43, %dma_start3A_44] : memref<10240x128xf32, #tpu.memory_space<vmem_shared>> -> memref<10240x128xf32, #tpu.memory_space<vmem_shared>>
        tpu.enqueue_indirect_dma source(%arg10 : memref<128x128xf32, #tpu.memory_space<vmem>>) target(%dma_start3A_45 : memref<10240x128xf32, #tpu.memory_space<vmem_shared>>) offsets(%dma_start3A_42 : memref<128xi32, #tpu.memory_space<vmem>>) semaphore(%run_scoped3A : memref<!tpu.dma_semaphore, #tpu.memory_space<semaphore_mem>>) {add = true}
        %dma_wait3A = arith.constant 0 : i32
        %dma_wait3A_46 = tpu.memref_slice %arg9[%scan3A_38, %dma_wait3A] : memref<40x128xi32, #tpu.memory_space<vmem>> -> memref<1x128xi32, #tpu.memory_space<vmem>>
        %dma_wait3A_47 = tpu.memref_squeeze %dma_wait3A_46 : memref<1x128xi32, #tpu.memory_space<vmem>> -> memref<128xi32, #tpu.memory_space<vmem>>
        %dma_wait3A_48 = arith.constant 0 : i32
        %dma_wait3A_49 = arith.constant 0 : i32
        %dma_wait3A_50 = tpu.memref_slice %arg11[%dma_wait3A_48, %dma_wait3A_49] : memref<10240x128xf32, #tpu.memory_space<vmem_shared>> -> memref<10240x128xf32, #tpu.memory_space<vmem_shared>>
        tpu.wait_indirect_dma semaphore(%run_scoped3A : memref<!tpu.dma_semaphore, #tpu.memory_space<semaphore_mem>>) src(%arg10 : memref<128x128xf32, #tpu.memory_space<vmem>>) dst(%dma_wait3A_50 : memref<10240x128xf32, #tpu.memory_space<vmem_shared>>)
        tpu.yield
      }) : () -> ()
      %scan3A_40 = arith.constant 0 : i32
      scf.yield %scan3A_40 : i32
    }
    %scan3A_28 = arith.constant 40 : i32
    "tpu.region"() ({
      %run_scoped3A = tpu.sem_alloc : memref<!tpu.dma_semaphore, #tpu.memory_space<semaphore_mem>>
      %dma_start3A = arith.constant 40 : i32
      %dma_start3A_38 = arith.constant 0 : i32
      %dma_start3A_39 = tpu.memref_slice %arg3[%add3A, %dma_start3A, %dma_start3A_38] : memref<32x80x128xi32, #tpu.memory_space<hbm>> -> memref<1x40x128xi32, #tpu.memory_space<hbm>>
      %dma_start3A_40 = tpu.memref_squeeze %dma_start3A_39 : memref<1x40x128xi32, #tpu.memory_space<hbm>> -> memref<40x128xi32, #tpu.memory_space<hbm>>
      %dma_start3A_41 = arith.constant 40 : i32
      %dma_start3A_42 = arith.constant 0 : i32
      %dma_start3A_43 = tpu.memref_slice %arg3[%add3A, %dma_start3A_41, %dma_start3A_42] : memref<32x80x128xi32, #tpu.memory_space<hbm>> -> memref<1x40x128xi32, #tpu.memory_space<hbm>>
      %dma_start3A_44 = tpu.memref_squeeze %dma_start3A_43 : memref<1x40x128xi32, #tpu.memory_space<hbm>> -> memref<40x128xi32, #tpu.memory_space<hbm>>
      tpu.enqueue_dma source(%dma_start3A_44 : memref<40x128xi32, #tpu.memory_space<hbm>>) target(%arg9 : memref<40x128xi32, #tpu.memory_space<vmem>>) target_semaphore(%run_scoped3A : memref<!tpu.dma_semaphore, #tpu.memory_space<semaphore_mem>>)
      %dma_wait3A = arith.constant 40 : i32
      %dma_wait3A_45 = arith.constant 0 : i32
      %dma_wait3A_46 = tpu.memref_slice %arg3[%add3A, %dma_wait3A, %dma_wait3A_45] : memref<32x80x128xi32, #tpu.memory_space<hbm>> -> memref<1x40x128xi32, #tpu.memory_space<hbm>>
      %dma_wait3A_47 = tpu.memref_squeeze %dma_wait3A_46 : memref<1x40x128xi32, #tpu.memory_space<hbm>> -> memref<40x128xi32, #tpu.memory_space<hbm>>
      %dma_wait3A_48 = arith.constant 40 : i32
      %dma_wait3A_49 = arith.constant 0 : i32
      %dma_wait3A_50 = tpu.memref_slice %arg3[%add3A, %dma_wait3A_48, %dma_wait3A_49] : memref<32x80x128xi32, #tpu.memory_space<hbm>> -> memref<1x40x128xi32, #tpu.memory_space<hbm>>
      %dma_wait3A_51 = tpu.memref_squeeze %dma_wait3A_50 : memref<1x40x128xi32, #tpu.memory_space<hbm>> -> memref<40x128xi32, #tpu.memory_space<hbm>>
      tpu.wait_dma2 semaphore(%run_scoped3A : memref<!tpu.dma_semaphore, #tpu.memory_space<semaphore_mem>>) src(%dma_wait3A_51 : memref<40x128xi32, #tpu.memory_space<hbm>>) dst(%arg9 : memref<40x128xi32, #tpu.memory_space<vmem>>)
      tpu.yield
    }) : () -> ()
    %scan3A_29 = arith.constant 0 : i32
    %scan3A_30 = arith.constant 0 : i32
    %scan3A_31 = arith.constant 40 : i32
    %scan3A_32 = arith.addi %scan3A_30, %scan3A_31 : i32
    %scan3A_33 = arith.constant 1 : i32
    %scan3A_34 = scf.for %scan3A_38 = %scan3A_30 to %scan3A_32 step %scan3A_33 iter_args(%scan3A_39 = %scan3A_29) -> (i32)  : i32 {
      "tpu.region"() ({
        %run_scoped3A = tpu.sem_alloc : memref<!tpu.dma_semaphore, #tpu.memory_space<semaphore_mem>>
        %dma_start3A = arith.constant 0 : i32
        %dma_start3A_41 = tpu.memref_slice %arg9[%scan3A_38, %dma_start3A] : memref<40x128xi32, #tpu.memory_space<vmem>> -> memref<1x128xi32, #tpu.memory_space<vmem>>
        %dma_start3A_42 = tpu.memref_squeeze %dma_start3A_41 : memref<1x128xi32, #tpu.memory_space<vmem>> -> memref<128xi32, #tpu.memory_space<vmem>>
        %dma_start3A_43 = arith.constant 0 : i32
        %dma_start3A_44 = arith.constant 0 : i32
        %dma_start3A_45 = tpu.memref_slice %arg11[%dma_start3A_43, %dma_start3A_44] : memref<10240x128xf32, #tpu.memory_space<vmem_shared>> -> memref<10240x128xf32, #tpu.memory_space<vmem_shared>>
        tpu.enqueue_indirect_dma source(%arg10 : memref<128x128xf32, #tpu.memory_space<vmem>>) target(%dma_start3A_45 : memref<10240x128xf32, #tpu.memory_space<vmem_shared>>) offsets(%dma_start3A_42 : memref<128xi32, #tpu.memory_space<vmem>>) semaphore(%run_scoped3A : memref<!tpu.dma_semaphore, #tpu.memory_space<semaphore_mem>>) {add = true}
        %dma_wait3A = arith.constant 0 : i32
        %dma_wait3A_46 = tpu.memref_slice %arg9[%scan3A_38, %dma_wait3A] : memref<40x128xi32, #tpu.memory_space<vmem>> -> memref<1x128xi32, #tpu.memory_space<vmem>>
        %dma_wait3A_47 = tpu.memref_squeeze %dma_wait3A_46 : memref<1x128xi32, #tpu.memory_space<vmem>> -> memref<128xi32, #tpu.memory_space<vmem>>
        %dma_wait3A_48 = arith.constant 0 : i32
        %dma_wait3A_49 = arith.constant 0 : i32
        %dma_wait3A_50 = tpu.memref_slice %arg11[%dma_wait3A_48, %dma_wait3A_49] : memref<10240x128xf32, #tpu.memory_space<vmem_shared>> -> memref<10240x128xf32, #tpu.memory_space<vmem_shared>>
        tpu.wait_indirect_dma semaphore(%run_scoped3A : memref<!tpu.dma_semaphore, #tpu.memory_space<semaphore_mem>>) src(%arg10 : memref<128x128xf32, #tpu.memory_space<vmem>>) dst(%dma_wait3A_50 : memref<10240x128xf32, #tpu.memory_space<vmem_shared>>)
        tpu.yield
      }) : () -> ()
      %scan3A_40 = arith.constant 0 : i32
      scf.yield %scan3A_40 : i32
    }
    %scan3A_35 = arith.constant 40 : i32
    %barrier3A_36 = arith.constant 0 : index
    tpu.barrier barrier_id(%barrier3A_36)
    "tpu.region"() ({
      %run_scoped3A = tpu.sem_alloc : memref<!tpu.dma_semaphore, #tpu.memory_space<semaphore_mem>>
      %dma_start3A = arith.constant 0 : i32
      %dma_start3A_38 = tpu.memref_slice %arg8[%arg0, %multiple_of3A_20, %dma_start3A] : memref<2x10240x128xf32, #tpu.memory_space<hbm>> -> memref<1x640x128xf32, #tpu.memory_space<hbm>>
      %dma_start3A_39 = tpu.memref_squeeze %dma_start3A_38 : memref<1x640x128xf32, #tpu.memory_space<hbm>> -> memref<640x128xf32, #tpu.memory_space<hbm>>
      %dma_start3A_40 = arith.constant 0 : i32
      %dma_start3A_41 = tpu.memref_slice %arg11[%multiple_of3A_20, %dma_start3A_40] : memref<10240x128xf32, #tpu.memory_space<vmem_shared>> -> memref<640x128xf32, #tpu.memory_space<vmem_shared>>
      tpu.enqueue_dma source(%dma_start3A_41 : memref<640x128xf32, #tpu.memory_space<vmem_shared>>) target(%dma_start3A_39 : memref<640x128xf32, #tpu.memory_space<hbm>>) target_semaphore(%run_scoped3A : memref<!tpu.dma_semaphore, #tpu.memory_space<semaphore_mem>>)
      %dma_wait3A = arith.constant 0 : i32
      %dma_wait3A_42 = tpu.memref_slice %arg8[%arg0, %multiple_of3A_20, %dma_wait3A] : memref<2x10240x128xf32, #tpu.memory_space<hbm>> -> memref<1x640x128xf32, #tpu.memory_space<hbm>>
      %dma_wait3A_43 = tpu.memref_squeeze %dma_wait3A_42 : memref<1x640x128xf32, #tpu.memory_space<hbm>> -> memref<640x128xf32, #tpu.memory_space<hbm>>
      %dma_wait3A_44 = arith.constant 0 : i32
      %dma_wait3A_45 = tpu.memref_slice %arg11[%multiple_of3A_20, %dma_wait3A_44] : memref<10240x128xf32, #tpu.memory_space<vmem_shared>> -> memref<640x128xf32, #tpu.memory_space<vmem_shared>>
      tpu.wait_dma2 semaphore(%run_scoped3A : memref<!tpu.dma_semaphore, #tpu.memory_space<semaphore_mem>>) src(%dma_wait3A_45 : memref<640x128xf32, #tpu.memory_space<vmem_shared>>) dst(%dma_wait3A_43 : memref<640x128xf32, #tpu.memory_space<hbm>>)
      tpu.yield
    }) : () -> ()
    %barrier3A_37 = arith.constant 0 : index
    tpu.barrier barrier_id(%barrier3A_37)
    return
  }
}

#map = affine_map<(d0, d1) -> (0, 0)>
#map1 = affine_map<(d0, d1) -> (0, 0, 0)>
#map2 = affine_map<(d0, d1) -> (0)>
module attributes {stable_mosaic.version = 14 : i64} {
  func.func @agg(%arg0: i32, %arg1: i32, %arg2: memref<10240x128xf32, #tpu.memory_space<hbm>>, %arg3: memref<32x80x128xi32, #tpu.memory_space<hbm>>, %arg4: memref<32x80x128xi32, #tpu.memory_space<hbm>>, %arg5: memref<640x128xf32, #tpu.memory_space<hbm>>, %arg6: memref<128xi32, #tpu.memory_space<hbm>>, %arg7: memref<2x10240x128xf32, #tpu.memory_space<hbm>>, %arg8: memref<40x128xi32, #tpu.memory_space<vmem>>, %arg9: memref<40x128xi32, #tpu.memory_space<vmem>>, %arg10: memref<128x128xf32, #tpu.memory_space<vmem>>, %arg11: memref<128x128xf32, #tpu.memory_space<vmem>>, %arg12: memref<10240x128xf32, #tpu.memory_space<vmem_shared>>, %arg13: memref<!tpu.dma_semaphore, #tpu.memory_space<semaphore_mem>>, %arg14: memref<!tpu.dma_semaphore, #tpu.memory_space<semaphore_mem>>) attributes {dimension_semantics = [#tpu.dimension_semantics<core_parallel>, #tpu.dimension_semantics<subcore_parallel>], iteration_bounds = array<i64: 2, 16>, scalar_prefetch = 0 : i64, scratch_operands = 7 : i64, tpu.core_type = #tpu.core_type<sc_vector_subcore>, window_params = [{transform_indices = #map}, {transform_indices = #map1}, {transform_indices = #map1}, {transform_indices = #map}, {transform_indices = #map2}, {transform_indices = #map1}]} {
    %mul3A = arith.constant 2 : i32
    %mul3A_0 = arith.muli %arg1, %mul3A : i32
    %add3A = arith.addi %mul3A_0, %arg0 : i32
    %mul3A_1 = arith.constant 640 : i32
    %mul3A_2 = arith.muli %arg1, %mul3A_1 : i32
    %multiple_of3A = tpu.assume_multiple %mul3A_2, 8 : i32
    "tpu.region"() ({
      %run_scoped3A = tpu.sem_alloc : memref<!tpu.dma_semaphore, #tpu.memory_space<semaphore_mem>>
      %dma_start3A_71 = arith.constant 0 : i32
      %dma_start3A_72 = tpu.memref_slice %arg12[%multiple_of3A, %dma_start3A_71] : memref<10240x128xf32, #tpu.memory_space<vmem_shared>> -> memref<640x128xf32, #tpu.memory_space<vmem_shared>>
      tpu.enqueue_dma source(%arg5 : memref<640x128xf32, #tpu.memory_space<hbm>>) target(%dma_start3A_72 : memref<640x128xf32, #tpu.memory_space<vmem_shared>>) target_semaphore(%run_scoped3A : memref<!tpu.dma_semaphore, #tpu.memory_space<semaphore_mem>>)
      %dma_wait3A_73 = arith.constant 0 : i32
      %dma_wait3A_74 = tpu.memref_slice %arg12[%multiple_of3A, %dma_wait3A_73] : memref<10240x128xf32, #tpu.memory_space<vmem_shared>> -> memref<640x128xf32, #tpu.memory_space<vmem_shared>>
      tpu.wait_dma2 semaphore(%run_scoped3A : memref<!tpu.dma_semaphore, #tpu.memory_space<semaphore_mem>>) src(%arg5 : memref<640x128xf32, #tpu.memory_space<hbm>>) dst(%dma_wait3A_74 : memref<640x128xf32, #tpu.memory_space<vmem_shared>>)
      tpu.yield
    }) : () -> ()
    %barrier3A = arith.constant 0 : index
    tpu.barrier barrier_id(%barrier3A)
    "tpu.region"() ({
      %run_scoped3A = tpu.sem_alloc : memref<!tpu.dma_semaphore, #tpu.memory_space<semaphore_mem>>
      %dma_start3A_71 = arith.constant 0 : i32
      %dma_start3A_72 = arith.constant 0 : i32
      %dma_start3A_73 = tpu.memref_slice %arg3[%add3A, %dma_start3A_71, %dma_start3A_72] : memref<32x80x128xi32, #tpu.memory_space<hbm>> -> memref<1x40x128xi32, #tpu.memory_space<hbm>>
      %dma_start3A_74 = tpu.memref_squeeze %dma_start3A_73 : memref<1x40x128xi32, #tpu.memory_space<hbm>> -> memref<40x128xi32, #tpu.memory_space<hbm>>
      %dma_start3A_75 = arith.constant 0 : i32
      %dma_start3A_76 = arith.constant 0 : i32
      %dma_start3A_77 = tpu.memref_slice %arg3[%add3A, %dma_start3A_75, %dma_start3A_76] : memref<32x80x128xi32, #tpu.memory_space<hbm>> -> memref<1x40x128xi32, #tpu.memory_space<hbm>>
      %dma_start3A_78 = tpu.memref_squeeze %dma_start3A_77 : memref<1x40x128xi32, #tpu.memory_space<hbm>> -> memref<40x128xi32, #tpu.memory_space<hbm>>
      tpu.enqueue_dma source(%dma_start3A_78 : memref<40x128xi32, #tpu.memory_space<hbm>>) target(%arg8 : memref<40x128xi32, #tpu.memory_space<vmem>>) target_semaphore(%run_scoped3A : memref<!tpu.dma_semaphore, #tpu.memory_space<semaphore_mem>>)
      %dma_wait3A_79 = arith.constant 0 : i32
      %dma_wait3A_80 = arith.constant 0 : i32
      %dma_wait3A_81 = tpu.memref_slice %arg3[%add3A, %dma_wait3A_79, %dma_wait3A_80] : memref<32x80x128xi32, #tpu.memory_space<hbm>> -> memref<1x40x128xi32, #tpu.memory_space<hbm>>
      %dma_wait3A_82 = tpu.memref_squeeze %dma_wait3A_81 : memref<1x40x128xi32, #tpu.memory_space<hbm>> -> memref<40x128xi32, #tpu.memory_space<hbm>>
      %dma_wait3A_83 = arith.constant 0 : i32
      %dma_wait3A_84 = arith.constant 0 : i32
      %dma_wait3A_85 = tpu.memref_slice %arg3[%add3A, %dma_wait3A_83, %dma_wait3A_84] : memref<32x80x128xi32, #tpu.memory_space<hbm>> -> memref<1x40x128xi32, #tpu.memory_space<hbm>>
      %dma_wait3A_86 = tpu.memref_squeeze %dma_wait3A_85 : memref<1x40x128xi32, #tpu.memory_space<hbm>> -> memref<40x128xi32, #tpu.memory_space<hbm>>
      tpu.wait_dma2 semaphore(%run_scoped3A : memref<!tpu.dma_semaphore, #tpu.memory_space<semaphore_mem>>) src(%dma_wait3A_86 : memref<40x128xi32, #tpu.memory_space<hbm>>) dst(%arg8 : memref<40x128xi32, #tpu.memory_space<vmem>>)
      tpu.yield
    }) : () -> ()
    "tpu.region"() ({
      %run_scoped3A = tpu.sem_alloc : memref<!tpu.dma_semaphore, #tpu.memory_space<semaphore_mem>>
      %dma_start3A_71 = arith.constant 0 : i32
      %dma_start3A_72 = arith.constant 0 : i32
      %dma_start3A_73 = tpu.memref_slice %arg4[%add3A, %dma_start3A_71, %dma_start3A_72] : memref<32x80x128xi32, #tpu.memory_space<hbm>> -> memref<1x40x128xi32, #tpu.memory_space<hbm>>
      %dma_start3A_74 = tpu.memref_squeeze %dma_start3A_73 : memref<1x40x128xi32, #tpu.memory_space<hbm>> -> memref<40x128xi32, #tpu.memory_space<hbm>>
      %dma_start3A_75 = arith.constant 0 : i32
      %dma_start3A_76 = arith.constant 0 : i32
      %dma_start3A_77 = tpu.memref_slice %arg4[%add3A, %dma_start3A_75, %dma_start3A_76] : memref<32x80x128xi32, #tpu.memory_space<hbm>> -> memref<1x40x128xi32, #tpu.memory_space<hbm>>
      %dma_start3A_78 = tpu.memref_squeeze %dma_start3A_77 : memref<1x40x128xi32, #tpu.memory_space<hbm>> -> memref<40x128xi32, #tpu.memory_space<hbm>>
      tpu.enqueue_dma source(%dma_start3A_78 : memref<40x128xi32, #tpu.memory_space<hbm>>) target(%arg9 : memref<40x128xi32, #tpu.memory_space<vmem>>) target_semaphore(%run_scoped3A : memref<!tpu.dma_semaphore, #tpu.memory_space<semaphore_mem>>)
      %dma_wait3A_79 = arith.constant 0 : i32
      %dma_wait3A_80 = arith.constant 0 : i32
      %dma_wait3A_81 = tpu.memref_slice %arg4[%add3A, %dma_wait3A_79, %dma_wait3A_80] : memref<32x80x128xi32, #tpu.memory_space<hbm>> -> memref<1x40x128xi32, #tpu.memory_space<hbm>>
      %dma_wait3A_82 = tpu.memref_squeeze %dma_wait3A_81 : memref<1x40x128xi32, #tpu.memory_space<hbm>> -> memref<40x128xi32, #tpu.memory_space<hbm>>
      %dma_wait3A_83 = arith.constant 0 : i32
      %dma_wait3A_84 = arith.constant 0 : i32
      %dma_wait3A_85 = tpu.memref_slice %arg4[%add3A, %dma_wait3A_83, %dma_wait3A_84] : memref<32x80x128xi32, #tpu.memory_space<hbm>> -> memref<1x40x128xi32, #tpu.memory_space<hbm>>
      %dma_wait3A_86 = tpu.memref_squeeze %dma_wait3A_85 : memref<1x40x128xi32, #tpu.memory_space<hbm>> -> memref<40x128xi32, #tpu.memory_space<hbm>>
      tpu.wait_dma2 semaphore(%run_scoped3A : memref<!tpu.dma_semaphore, #tpu.memory_space<semaphore_mem>>) src(%dma_wait3A_86 : memref<40x128xi32, #tpu.memory_space<hbm>>) dst(%arg9 : memref<40x128xi32, #tpu.memory_space<vmem>>)
      tpu.yield
    }) : () -> ()
    %dma_start3A = arith.constant 0 : i32
    %dma_start3A_3 = arith.constant 0 : i32
    %dma_start3A_4 = tpu.memref_slice %arg8[%dma_start3A, %dma_start3A_3] : memref<40x128xi32, #tpu.memory_space<vmem>> -> memref<1x128xi32, #tpu.memory_space<vmem>>
    %dma_start3A_5 = tpu.memref_squeeze %dma_start3A_4 : memref<1x128xi32, #tpu.memory_space<vmem>> -> memref<128xi32, #tpu.memory_space<vmem>>
    %dma_start3A_6 = arith.constant 0 : i32
    %dma_start3A_7 = arith.constant 0 : i32
    %dma_start3A_8 = tpu.memref_slice %arg2[%dma_start3A_6, %dma_start3A_7] : memref<10240x128xf32, #tpu.memory_space<hbm>> -> memref<10240x128xf32, #tpu.memory_space<hbm>>
    tpu.enqueue_indirect_dma source(%dma_start3A_8 : memref<10240x128xf32, #tpu.memory_space<hbm>>) target(%arg10 : memref<128x128xf32, #tpu.memory_space<vmem>>) offsets(%dma_start3A_5 : memref<128xi32, #tpu.memory_space<vmem>>) semaphore(%arg13 : memref<!tpu.dma_semaphore, #tpu.memory_space<semaphore_mem>>)
    %dma_start3A_9 = arith.constant 1 : i32
    %dma_start3A_10 = arith.constant 0 : i32
    %dma_start3A_11 = tpu.memref_slice %arg8[%dma_start3A_9, %dma_start3A_10] : memref<40x128xi32, #tpu.memory_space<vmem>> -> memref<1x128xi32, #tpu.memory_space<vmem>>
    %dma_start3A_12 = tpu.memref_squeeze %dma_start3A_11 : memref<1x128xi32, #tpu.memory_space<vmem>> -> memref<128xi32, #tpu.memory_space<vmem>>
    %dma_start3A_13 = arith.constant 0 : i32
    %dma_start3A_14 = arith.constant 0 : i32
    %dma_start3A_15 = tpu.memref_slice %arg2[%dma_start3A_13, %dma_start3A_14] : memref<10240x128xf32, #tpu.memory_space<hbm>> -> memref<10240x128xf32, #tpu.memory_space<hbm>>
    tpu.enqueue_indirect_dma source(%dma_start3A_15 : memref<10240x128xf32, #tpu.memory_space<hbm>>) target(%arg11 : memref<128x128xf32, #tpu.memory_space<vmem>>) offsets(%dma_start3A_12 : memref<128xi32, #tpu.memory_space<vmem>>) semaphore(%arg14 : memref<!tpu.dma_semaphore, #tpu.memory_space<semaphore_mem>>)
    %scan3A = arith.constant 0 : i32
    %scan3A_16 = arith.constant 0 : i32
    %scan3A_17 = arith.constant 20 : i32
    %scan3A_18 = arith.addi %scan3A_16, %scan3A_17 : i32
    %scan3A_19 = arith.constant 1 : i32
    %scan3A_20 = scf.for %scan3A_71 = %scan3A_16 to %scan3A_18 step %scan3A_19 iter_args(%scan3A_72 = %scan3A) -> (i32)  : i32 {
      %mul3A_73 = arith.constant 2 : i32
      %mul3A_74 = arith.muli %scan3A_71, %mul3A_73 : i32
      %add3A_75 = arith.constant 0 : i32
      %add3A_76 = arith.addi %mul3A_74, %add3A_75 : i32
      %dma_wait3A_77 = arith.constant 0 : i32
      %dma_wait3A_78 = arith.constant 0 : i32
      %dma_wait3A_79 = tpu.memref_slice %arg8[%dma_wait3A_77, %dma_wait3A_78] : memref<40x128xi32, #tpu.memory_space<vmem>> -> memref<1x128xi32, #tpu.memory_space<vmem>>
      %dma_wait3A_80 = tpu.memref_squeeze %dma_wait3A_79 : memref<1x128xi32, #tpu.memory_space<vmem>> -> memref<128xi32, #tpu.memory_space<vmem>>
      %dma_wait3A_81 = arith.constant 0 : i32
      %dma_wait3A_82 = arith.constant 0 : i32
      %dma_wait3A_83 = tpu.memref_slice %arg2[%dma_wait3A_81, %dma_wait3A_82] : memref<10240x128xf32, #tpu.memory_space<hbm>> -> memref<10240x128xf32, #tpu.memory_space<hbm>>
      tpu.wait_indirect_dma semaphore(%arg13 : memref<!tpu.dma_semaphore, #tpu.memory_space<semaphore_mem>>) src(%dma_wait3A_83 : memref<10240x128xf32, #tpu.memory_space<hbm>>) dst(%arg10 : memref<128x128xf32, #tpu.memory_space<vmem>>)
      "tpu.region"() ({
        %run_scoped3A = tpu.sem_alloc : memref<!tpu.dma_semaphore, #tpu.memory_space<semaphore_mem>>
        %dma_start3A_115 = arith.constant 0 : i32
        %dma_start3A_116 = tpu.memref_slice %arg9[%add3A_76, %dma_start3A_115] : memref<40x128xi32, #tpu.memory_space<vmem>> -> memref<1x128xi32, #tpu.memory_space<vmem>>
        %dma_start3A_117 = tpu.memref_squeeze %dma_start3A_116 : memref<1x128xi32, #tpu.memory_space<vmem>> -> memref<128xi32, #tpu.memory_space<vmem>>
        %dma_start3A_118 = arith.constant 0 : i32
        %dma_start3A_119 = arith.constant 0 : i32
        %dma_start3A_120 = tpu.memref_slice %arg12[%dma_start3A_118, %dma_start3A_119] : memref<10240x128xf32, #tpu.memory_space<vmem_shared>> -> memref<10240x128xf32, #tpu.memory_space<vmem_shared>>
        tpu.enqueue_indirect_dma source(%arg10 : memref<128x128xf32, #tpu.memory_space<vmem>>) target(%dma_start3A_120 : memref<10240x128xf32, #tpu.memory_space<vmem_shared>>) offsets(%dma_start3A_117 : memref<128xi32, #tpu.memory_space<vmem>>) semaphore(%run_scoped3A : memref<!tpu.dma_semaphore, #tpu.memory_space<semaphore_mem>>) {add = true}
        %dma_wait3A_121 = arith.constant 0 : i32
        %dma_wait3A_122 = tpu.memref_slice %arg9[%add3A_76, %dma_wait3A_121] : memref<40x128xi32, #tpu.memory_space<vmem>> -> memref<1x128xi32, #tpu.memory_space<vmem>>
        %dma_wait3A_123 = tpu.memref_squeeze %dma_wait3A_122 : memref<1x128xi32, #tpu.memory_space<vmem>> -> memref<128xi32, #tpu.memory_space<vmem>>
        %dma_wait3A_124 = arith.constant 0 : i32
        %dma_wait3A_125 = arith.constant 0 : i32
        %dma_wait3A_126 = tpu.memref_slice %arg12[%dma_wait3A_124, %dma_wait3A_125] : memref<10240x128xf32, #tpu.memory_space<vmem_shared>> -> memref<10240x128xf32, #tpu.memory_space<vmem_shared>>
        tpu.wait_indirect_dma semaphore(%run_scoped3A : memref<!tpu.dma_semaphore, #tpu.memory_space<semaphore_mem>>) src(%arg10 : memref<128x128xf32, #tpu.memory_space<vmem>>) dst(%dma_wait3A_126 : memref<10240x128xf32, #tpu.memory_space<vmem_shared>>)
        tpu.yield
      }) : () -> ()
      %add3A_84 = arith.constant 2 : i32
      %add3A_85 = arith.addi %add3A_76, %add3A_84 : i32
      %min3A = arith.constant 39 : i32
      %min3A_86 = arith.minsi %add3A_85, %min3A : i32
      %dma_start3A_87 = arith.constant 0 : i32
      %dma_start3A_88 = tpu.memref_slice %arg8[%min3A_86, %dma_start3A_87] : memref<40x128xi32, #tpu.memory_space<vmem>> -> memref<1x128xi32, #tpu.memory_space<vmem>>
      %dma_start3A_89 = tpu.memref_squeeze %dma_start3A_88 : memref<1x128xi32, #tpu.memory_space<vmem>> -> memref<128xi32, #tpu.memory_space<vmem>>
      %dma_start3A_90 = arith.constant 0 : i32
      %dma_start3A_91 = arith.constant 0 : i32
      %dma_start3A_92 = tpu.memref_slice %arg2[%dma_start3A_90, %dma_start3A_91] : memref<10240x128xf32, #tpu.memory_space<hbm>> -> memref<10240x128xf32, #tpu.memory_space<hbm>>
      tpu.enqueue_indirect_dma source(%dma_start3A_92 : memref<10240x128xf32, #tpu.memory_space<hbm>>) target(%arg10 : memref<128x128xf32, #tpu.memory_space<vmem>>) offsets(%dma_start3A_89 : memref<128xi32, #tpu.memory_space<vmem>>) semaphore(%arg13 : memref<!tpu.dma_semaphore, #tpu.memory_space<semaphore_mem>>)
      %mul3A_93 = arith.constant 2 : i32
      %mul3A_94 = arith.muli %scan3A_71, %mul3A_93 : i32
      %add3A_95 = arith.constant 1 : i32
      %add3A_96 = arith.addi %mul3A_94, %add3A_95 : i32
      %dma_wait3A_97 = arith.constant 0 : i32
      %dma_wait3A_98 = arith.constant 0 : i32
      %dma_wait3A_99 = tpu.memref_slice %arg8[%dma_wait3A_97, %dma_wait3A_98] : memref<40x128xi32, #tpu.memory_space<vmem>> -> memref<1x128xi32, #tpu.memory_space<vmem>>
      %dma_wait3A_100 = tpu.memref_squeeze %dma_wait3A_99 : memref<1x128xi32, #tpu.memory_space<vmem>> -> memref<128xi32, #tpu.memory_space<vmem>>
      %dma_wait3A_101 = arith.constant 0 : i32
      %dma_wait3A_102 = arith.constant 0 : i32
      %dma_wait3A_103 = tpu.memref_slice %arg2[%dma_wait3A_101, %dma_wait3A_102] : memref<10240x128xf32, #tpu.memory_space<hbm>> -> memref<10240x128xf32, #tpu.memory_space<hbm>>
      tpu.wait_indirect_dma semaphore(%arg14 : memref<!tpu.dma_semaphore, #tpu.memory_space<semaphore_mem>>) src(%dma_wait3A_103 : memref<10240x128xf32, #tpu.memory_space<hbm>>) dst(%arg11 : memref<128x128xf32, #tpu.memory_space<vmem>>)
      "tpu.region"() ({
        %run_scoped3A = tpu.sem_alloc : memref<!tpu.dma_semaphore, #tpu.memory_space<semaphore_mem>>
        %dma_start3A_115 = arith.constant 0 : i32
        %dma_start3A_116 = tpu.memref_slice %arg9[%add3A_96, %dma_start3A_115] : memref<40x128xi32, #tpu.memory_space<vmem>> -> memref<1x128xi32, #tpu.memory_space<vmem>>
        %dma_start3A_117 = tpu.memref_squeeze %dma_start3A_116 : memref<1x128xi32, #tpu.memory_space<vmem>> -> memref<128xi32, #tpu.memory_space<vmem>>
        %dma_start3A_118 = arith.constant 0 : i32
        %dma_start3A_119 = arith.constant 0 : i32
        %dma_start3A_120 = tpu.memref_slice %arg12[%dma_start3A_118, %dma_start3A_119] : memref<10240x128xf32, #tpu.memory_space<vmem_shared>> -> memref<10240x128xf32, #tpu.memory_space<vmem_shared>>
        tpu.enqueue_indirect_dma source(%arg11 : memref<128x128xf32, #tpu.memory_space<vmem>>) target(%dma_start3A_120 : memref<10240x128xf32, #tpu.memory_space<vmem_shared>>) offsets(%dma_start3A_117 : memref<128xi32, #tpu.memory_space<vmem>>) semaphore(%run_scoped3A : memref<!tpu.dma_semaphore, #tpu.memory_space<semaphore_mem>>) {add = true}
        %dma_wait3A_121 = arith.constant 0 : i32
        %dma_wait3A_122 = tpu.memref_slice %arg9[%add3A_96, %dma_wait3A_121] : memref<40x128xi32, #tpu.memory_space<vmem>> -> memref<1x128xi32, #tpu.memory_space<vmem>>
        %dma_wait3A_123 = tpu.memref_squeeze %dma_wait3A_122 : memref<1x128xi32, #tpu.memory_space<vmem>> -> memref<128xi32, #tpu.memory_space<vmem>>
        %dma_wait3A_124 = arith.constant 0 : i32
        %dma_wait3A_125 = arith.constant 0 : i32
        %dma_wait3A_126 = tpu.memref_slice %arg12[%dma_wait3A_124, %dma_wait3A_125] : memref<10240x128xf32, #tpu.memory_space<vmem_shared>> -> memref<10240x128xf32, #tpu.memory_space<vmem_shared>>
        tpu.wait_indirect_dma semaphore(%run_scoped3A : memref<!tpu.dma_semaphore, #tpu.memory_space<semaphore_mem>>) src(%arg11 : memref<128x128xf32, #tpu.memory_space<vmem>>) dst(%dma_wait3A_126 : memref<10240x128xf32, #tpu.memory_space<vmem_shared>>)
        tpu.yield
      }) : () -> ()
      %add3A_104 = arith.constant 2 : i32
      %add3A_105 = arith.addi %add3A_96, %add3A_104 : i32
      %min3A_106 = arith.constant 39 : i32
      %min3A_107 = arith.minsi %add3A_105, %min3A_106 : i32
      %dma_start3A_108 = arith.constant 0 : i32
      %dma_start3A_109 = tpu.memref_slice %arg8[%min3A_107, %dma_start3A_108] : memref<40x128xi32, #tpu.memory_space<vmem>> -> memref<1x128xi32, #tpu.memory_space<vmem>>
      %dma_start3A_110 = tpu.memref_squeeze %dma_start3A_109 : memref<1x128xi32, #tpu.memory_space<vmem>> -> memref<128xi32, #tpu.memory_space<vmem>>
      %dma_start3A_111 = arith.constant 0 : i32
      %dma_start3A_112 = arith.constant 0 : i32
      %dma_start3A_113 = tpu.memref_slice %arg2[%dma_start3A_111, %dma_start3A_112] : memref<10240x128xf32, #tpu.memory_space<hbm>> -> memref<10240x128xf32, #tpu.memory_space<hbm>>
      tpu.enqueue_indirect_dma source(%dma_start3A_113 : memref<10240x128xf32, #tpu.memory_space<hbm>>) target(%arg11 : memref<128x128xf32, #tpu.memory_space<vmem>>) offsets(%dma_start3A_110 : memref<128xi32, #tpu.memory_space<vmem>>) semaphore(%arg14 : memref<!tpu.dma_semaphore, #tpu.memory_space<semaphore_mem>>)
      %scan3A_114 = arith.constant 0 : i32
      scf.yield %scan3A_114 : i32
    }
    %scan3A_21 = arith.constant 20 : i32
    %dma_wait3A = arith.constant 0 : i32
    %dma_wait3A_22 = arith.constant 0 : i32
    %dma_wait3A_23 = tpu.memref_slice %arg8[%dma_wait3A, %dma_wait3A_22] : memref<40x128xi32, #tpu.memory_space<vmem>> -> memref<1x128xi32, #tpu.memory_space<vmem>>
    %dma_wait3A_24 = tpu.memref_squeeze %dma_wait3A_23 : memref<1x128xi32, #tpu.memory_space<vmem>> -> memref<128xi32, #tpu.memory_space<vmem>>
    %dma_wait3A_25 = arith.constant 0 : i32
    %dma_wait3A_26 = arith.constant 0 : i32
    %dma_wait3A_27 = tpu.memref_slice %arg2[%dma_wait3A_25, %dma_wait3A_26] : memref<10240x128xf32, #tpu.memory_space<hbm>> -> memref<10240x128xf32, #tpu.memory_space<hbm>>
    tpu.wait_indirect_dma semaphore(%arg13 : memref<!tpu.dma_semaphore, #tpu.memory_space<semaphore_mem>>) src(%dma_wait3A_27 : memref<10240x128xf32, #tpu.memory_space<hbm>>) dst(%arg10 : memref<128x128xf32, #tpu.memory_space<vmem>>)
    %dma_wait3A_28 = arith.constant 0 : i32
    %dma_wait3A_29 = arith.constant 0 : i32
    %dma_wait3A_30 = tpu.memref_slice %arg8[%dma_wait3A_28, %dma_wait3A_29] : memref<40x128xi32, #tpu.memory_space<vmem>> -> memref<1x128xi32, #tpu.memory_space<vmem>>
    %dma_wait3A_31 = tpu.memref_squeeze %dma_wait3A_30 : memref<1x128xi32, #tpu.memory_space<vmem>> -> memref<128xi32, #tpu.memory_space<vmem>>
    %dma_wait3A_32 = arith.constant 0 : i32
    %dma_wait3A_33 = arith.constant 0 : i32
    %dma_wait3A_34 = tpu.memref_slice %arg2[%dma_wait3A_32, %dma_wait3A_33] : memref<10240x128xf32, #tpu.memory_space<hbm>> -> memref<10240x128xf32, #tpu.memory_space<hbm>>
    tpu.wait_indirect_dma semaphore(%arg14 : memref<!tpu.dma_semaphore, #tpu.memory_space<semaphore_mem>>) src(%dma_wait3A_34 : memref<10240x128xf32, #tpu.memory_space<hbm>>) dst(%arg11 : memref<128x128xf32, #tpu.memory_space<vmem>>)
    "tpu.region"() ({
      %run_scoped3A = tpu.sem_alloc : memref<!tpu.dma_semaphore, #tpu.memory_space<semaphore_mem>>
      %dma_start3A_71 = arith.constant 40 : i32
      %dma_start3A_72 = arith.constant 0 : i32
      %dma_start3A_73 = tpu.memref_slice %arg3[%add3A, %dma_start3A_71, %dma_start3A_72] : memref<32x80x128xi32, #tpu.memory_space<hbm>> -> memref<1x40x128xi32, #tpu.memory_space<hbm>>
      %dma_start3A_74 = tpu.memref_squeeze %dma_start3A_73 : memref<1x40x128xi32, #tpu.memory_space<hbm>> -> memref<40x128xi32, #tpu.memory_space<hbm>>
      %dma_start3A_75 = arith.constant 40 : i32
      %dma_start3A_76 = arith.constant 0 : i32
      %dma_start3A_77 = tpu.memref_slice %arg3[%add3A, %dma_start3A_75, %dma_start3A_76] : memref<32x80x128xi32, #tpu.memory_space<hbm>> -> memref<1x40x128xi32, #tpu.memory_space<hbm>>
      %dma_start3A_78 = tpu.memref_squeeze %dma_start3A_77 : memref<1x40x128xi32, #tpu.memory_space<hbm>> -> memref<40x128xi32, #tpu.memory_space<hbm>>
      tpu.enqueue_dma source(%dma_start3A_78 : memref<40x128xi32, #tpu.memory_space<hbm>>) target(%arg8 : memref<40x128xi32, #tpu.memory_space<vmem>>) target_semaphore(%run_scoped3A : memref<!tpu.dma_semaphore, #tpu.memory_space<semaphore_mem>>)
      %dma_wait3A_79 = arith.constant 40 : i32
      %dma_wait3A_80 = arith.constant 0 : i32
      %dma_wait3A_81 = tpu.memref_slice %arg3[%add3A, %dma_wait3A_79, %dma_wait3A_80] : memref<32x80x128xi32, #tpu.memory_space<hbm>> -> memref<1x40x128xi32, #tpu.memory_space<hbm>>
      %dma_wait3A_82 = tpu.memref_squeeze %dma_wait3A_81 : memref<1x40x128xi32, #tpu.memory_space<hbm>> -> memref<40x128xi32, #tpu.memory_space<hbm>>
      %dma_wait3A_83 = arith.constant 40 : i32
      %dma_wait3A_84 = arith.constant 0 : i32
      %dma_wait3A_85 = tpu.memref_slice %arg3[%add3A, %dma_wait3A_83, %dma_wait3A_84] : memref<32x80x128xi32, #tpu.memory_space<hbm>> -> memref<1x40x128xi32, #tpu.memory_space<hbm>>
      %dma_wait3A_86 = tpu.memref_squeeze %dma_wait3A_85 : memref<1x40x128xi32, #tpu.memory_space<hbm>> -> memref<40x128xi32, #tpu.memory_space<hbm>>
      tpu.wait_dma2 semaphore(%run_scoped3A : memref<!tpu.dma_semaphore, #tpu.memory_space<semaphore_mem>>) src(%dma_wait3A_86 : memref<40x128xi32, #tpu.memory_space<hbm>>) dst(%arg8 : memref<40x128xi32, #tpu.memory_space<vmem>>)
      tpu.yield
    }) : () -> ()
    "tpu.region"() ({
      %run_scoped3A = tpu.sem_alloc : memref<!tpu.dma_semaphore, #tpu.memory_space<semaphore_mem>>
      %dma_start3A_71 = arith.constant 40 : i32
      %dma_start3A_72 = arith.constant 0 : i32
      %dma_start3A_73 = tpu.memref_slice %arg4[%add3A, %dma_start3A_71, %dma_start3A_72] : memref<32x80x128xi32, #tpu.memory_space<hbm>> -> memref<1x40x128xi32, #tpu.memory_space<hbm>>
      %dma_start3A_74 = tpu.memref_squeeze %dma_start3A_73 : memref<1x40x128xi32, #tpu.memory_space<hbm>> -> memref<40x128xi32, #tpu.memory_space<hbm>>
      %dma_start3A_75 = arith.constant 40 : i32
      %dma_start3A_76 = arith.constant 0 : i32
      %dma_start3A_77 = tpu.memref_slice %arg4[%add3A, %dma_start3A_75, %dma_start3A_76] : memref<32x80x128xi32, #tpu.memory_space<hbm>> -> memref<1x40x128xi32, #tpu.memory_space<hbm>>
      %dma_start3A_78 = tpu.memref_squeeze %dma_start3A_77 : memref<1x40x128xi32, #tpu.memory_space<hbm>> -> memref<40x128xi32, #tpu.memory_space<hbm>>
      tpu.enqueue_dma source(%dma_start3A_78 : memref<40x128xi32, #tpu.memory_space<hbm>>) target(%arg9 : memref<40x128xi32, #tpu.memory_space<vmem>>) target_semaphore(%run_scoped3A : memref<!tpu.dma_semaphore, #tpu.memory_space<semaphore_mem>>)
      %dma_wait3A_79 = arith.constant 40 : i32
      %dma_wait3A_80 = arith.constant 0 : i32
      %dma_wait3A_81 = tpu.memref_slice %arg4[%add3A, %dma_wait3A_79, %dma_wait3A_80] : memref<32x80x128xi32, #tpu.memory_space<hbm>> -> memref<1x40x128xi32, #tpu.memory_space<hbm>>
      %dma_wait3A_82 = tpu.memref_squeeze %dma_wait3A_81 : memref<1x40x128xi32, #tpu.memory_space<hbm>> -> memref<40x128xi32, #tpu.memory_space<hbm>>
      %dma_wait3A_83 = arith.constant 40 : i32
      %dma_wait3A_84 = arith.constant 0 : i32
      %dma_wait3A_85 = tpu.memref_slice %arg4[%add3A, %dma_wait3A_83, %dma_wait3A_84] : memref<32x80x128xi32, #tpu.memory_space<hbm>> -> memref<1x40x128xi32, #tpu.memory_space<hbm>>
      %dma_wait3A_86 = tpu.memref_squeeze %dma_wait3A_85 : memref<1x40x128xi32, #tpu.memory_space<hbm>> -> memref<40x128xi32, #tpu.memory_space<hbm>>
      tpu.wait_dma2 semaphore(%run_scoped3A : memref<!tpu.dma_semaphore, #tpu.memory_space<semaphore_mem>>) src(%dma_wait3A_86 : memref<40x128xi32, #tpu.memory_space<hbm>>) dst(%arg9 : memref<40x128xi32, #tpu.memory_space<vmem>>)
      tpu.yield
    }) : () -> ()
    %dma_start3A_35 = arith.constant 0 : i32
    %dma_start3A_36 = arith.constant 0 : i32
    %dma_start3A_37 = tpu.memref_slice %arg8[%dma_start3A_35, %dma_start3A_36] : memref<40x128xi32, #tpu.memory_space<vmem>> -> memref<1x128xi32, #tpu.memory_space<vmem>>
    %dma_start3A_38 = tpu.memref_squeeze %dma_start3A_37 : memref<1x128xi32, #tpu.memory_space<vmem>> -> memref<128xi32, #tpu.memory_space<vmem>>
    %dma_start3A_39 = arith.constant 0 : i32
    %dma_start3A_40 = arith.constant 0 : i32
    %dma_start3A_41 = tpu.memref_slice %arg2[%dma_start3A_39, %dma_start3A_40] : memref<10240x128xf32, #tpu.memory_space<hbm>> -> memref<10240x128xf32, #tpu.memory_space<hbm>>
    tpu.enqueue_indirect_dma source(%dma_start3A_41 : memref<10240x128xf32, #tpu.memory_space<hbm>>) target(%arg10 : memref<128x128xf32, #tpu.memory_space<vmem>>) offsets(%dma_start3A_38 : memref<128xi32, #tpu.memory_space<vmem>>) semaphore(%arg13 : memref<!tpu.dma_semaphore, #tpu.memory_space<semaphore_mem>>)
    %dma_start3A_42 = arith.constant 1 : i32
    %dma_start3A_43 = arith.constant 0 : i32
    %dma_start3A_44 = tpu.memref_slice %arg8[%dma_start3A_42, %dma_start3A_43] : memref<40x128xi32, #tpu.memory_space<vmem>> -> memref<1x128xi32, #tpu.memory_space<vmem>>
    %dma_start3A_45 = tpu.memref_squeeze %dma_start3A_44 : memref<1x128xi32, #tpu.memory_space<vmem>> -> memref<128xi32, #tpu.memory_space<vmem>>
    %dma_start3A_46 = arith.constant 0 : i32
    %dma_start3A_47 = arith.constant 0 : i32
    %dma_start3A_48 = tpu.memref_slice %arg2[%dma_start3A_46, %dma_start3A_47] : memref<10240x128xf32, #tpu.memory_space<hbm>> -> memref<10240x128xf32, #tpu.memory_space<hbm>>
    tpu.enqueue_indirect_dma source(%dma_start3A_48 : memref<10240x128xf32, #tpu.memory_space<hbm>>) target(%arg11 : memref<128x128xf32, #tpu.memory_space<vmem>>) offsets(%dma_start3A_45 : memref<128xi32, #tpu.memory_space<vmem>>) semaphore(%arg14 : memref<!tpu.dma_semaphore, #tpu.memory_space<semaphore_mem>>)
    %scan3A_49 = arith.constant 0 : i32
    %scan3A_50 = arith.constant 0 : i32
    %scan3A_51 = arith.constant 20 : i32
    %scan3A_52 = arith.addi %scan3A_50, %scan3A_51 : i32
    %scan3A_53 = arith.constant 1 : i32
    %scan3A_54 = scf.for %scan3A_71 = %scan3A_50 to %scan3A_52 step %scan3A_53 iter_args(%scan3A_72 = %scan3A_49) -> (i32)  : i32 {
      %mul3A_73 = arith.constant 2 : i32
      %mul3A_74 = arith.muli %scan3A_71, %mul3A_73 : i32
      %add3A_75 = arith.constant 0 : i32
      %add3A_76 = arith.addi %mul3A_74, %add3A_75 : i32
      %dma_wait3A_77 = arith.constant 0 : i32
      %dma_wait3A_78 = arith.constant 0 : i32
      %dma_wait3A_79 = tpu.memref_slice %arg8[%dma_wait3A_77, %dma_wait3A_78] : memref<40x128xi32, #tpu.memory_space<vmem>> -> memref<1x128xi32, #tpu.memory_space<vmem>>
      %dma_wait3A_80 = tpu.memref_squeeze %dma_wait3A_79 : memref<1x128xi32, #tpu.memory_space<vmem>> -> memref<128xi32, #tpu.memory_space<vmem>>
      %dma_wait3A_81 = arith.constant 0 : i32
      %dma_wait3A_82 = arith.constant 0 : i32
      %dma_wait3A_83 = tpu.memref_slice %arg2[%dma_wait3A_81, %dma_wait3A_82] : memref<10240x128xf32, #tpu.memory_space<hbm>> -> memref<10240x128xf32, #tpu.memory_space<hbm>>
      tpu.wait_indirect_dma semaphore(%arg13 : memref<!tpu.dma_semaphore, #tpu.memory_space<semaphore_mem>>) src(%dma_wait3A_83 : memref<10240x128xf32, #tpu.memory_space<hbm>>) dst(%arg10 : memref<128x128xf32, #tpu.memory_space<vmem>>)
      "tpu.region"() ({
        %run_scoped3A = tpu.sem_alloc : memref<!tpu.dma_semaphore, #tpu.memory_space<semaphore_mem>>
        %dma_start3A_115 = arith.constant 0 : i32
        %dma_start3A_116 = tpu.memref_slice %arg9[%add3A_76, %dma_start3A_115] : memref<40x128xi32, #tpu.memory_space<vmem>> -> memref<1x128xi32, #tpu.memory_space<vmem>>
        %dma_start3A_117 = tpu.memref_squeeze %dma_start3A_116 : memref<1x128xi32, #tpu.memory_space<vmem>> -> memref<128xi32, #tpu.memory_space<vmem>>
        %dma_start3A_118 = arith.constant 0 : i32
        %dma_start3A_119 = arith.constant 0 : i32
        %dma_start3A_120 = tpu.memref_slice %arg12[%dma_start3A_118, %dma_start3A_119] : memref<10240x128xf32, #tpu.memory_space<vmem_shared>> -> memref<10240x128xf32, #tpu.memory_space<vmem_shared>>
        tpu.enqueue_indirect_dma source(%arg10 : memref<128x128xf32, #tpu.memory_space<vmem>>) target(%dma_start3A_120 : memref<10240x128xf32, #tpu.memory_space<vmem_shared>>) offsets(%dma_start3A_117 : memref<128xi32, #tpu.memory_space<vmem>>) semaphore(%run_scoped3A : memref<!tpu.dma_semaphore, #tpu.memory_space<semaphore_mem>>) {add = true}
        %dma_wait3A_121 = arith.constant 0 : i32
        %dma_wait3A_122 = tpu.memref_slice %arg9[%add3A_76, %dma_wait3A_121] : memref<40x128xi32, #tpu.memory_space<vmem>> -> memref<1x128xi32, #tpu.memory_space<vmem>>
        %dma_wait3A_123 = tpu.memref_squeeze %dma_wait3A_122 : memref<1x128xi32, #tpu.memory_space<vmem>> -> memref<128xi32, #tpu.memory_space<vmem>>
        %dma_wait3A_124 = arith.constant 0 : i32
        %dma_wait3A_125 = arith.constant 0 : i32
        %dma_wait3A_126 = tpu.memref_slice %arg12[%dma_wait3A_124, %dma_wait3A_125] : memref<10240x128xf32, #tpu.memory_space<vmem_shared>> -> memref<10240x128xf32, #tpu.memory_space<vmem_shared>>
        tpu.wait_indirect_dma semaphore(%run_scoped3A : memref<!tpu.dma_semaphore, #tpu.memory_space<semaphore_mem>>) src(%arg10 : memref<128x128xf32, #tpu.memory_space<vmem>>) dst(%dma_wait3A_126 : memref<10240x128xf32, #tpu.memory_space<vmem_shared>>)
        tpu.yield
      }) : () -> ()
      %add3A_84 = arith.constant 2 : i32
      %add3A_85 = arith.addi %add3A_76, %add3A_84 : i32
      %min3A = arith.constant 39 : i32
      %min3A_86 = arith.minsi %add3A_85, %min3A : i32
      %dma_start3A_87 = arith.constant 0 : i32
      %dma_start3A_88 = tpu.memref_slice %arg8[%min3A_86, %dma_start3A_87] : memref<40x128xi32, #tpu.memory_space<vmem>> -> memref<1x128xi32, #tpu.memory_space<vmem>>
      %dma_start3A_89 = tpu.memref_squeeze %dma_start3A_88 : memref<1x128xi32, #tpu.memory_space<vmem>> -> memref<128xi32, #tpu.memory_space<vmem>>
      %dma_start3A_90 = arith.constant 0 : i32
      %dma_start3A_91 = arith.constant 0 : i32
      %dma_start3A_92 = tpu.memref_slice %arg2[%dma_start3A_90, %dma_start3A_91] : memref<10240x128xf32, #tpu.memory_space<hbm>> -> memref<10240x128xf32, #tpu.memory_space<hbm>>
      tpu.enqueue_indirect_dma source(%dma_start3A_92 : memref<10240x128xf32, #tpu.memory_space<hbm>>) target(%arg10 : memref<128x128xf32, #tpu.memory_space<vmem>>) offsets(%dma_start3A_89 : memref<128xi32, #tpu.memory_space<vmem>>) semaphore(%arg13 : memref<!tpu.dma_semaphore, #tpu.memory_space<semaphore_mem>>)
      %mul3A_93 = arith.constant 2 : i32
      %mul3A_94 = arith.muli %scan3A_71, %mul3A_93 : i32
      %add3A_95 = arith.constant 1 : i32
      %add3A_96 = arith.addi %mul3A_94, %add3A_95 : i32
      %dma_wait3A_97 = arith.constant 0 : i32
      %dma_wait3A_98 = arith.constant 0 : i32
      %dma_wait3A_99 = tpu.memref_slice %arg8[%dma_wait3A_97, %dma_wait3A_98] : memref<40x128xi32, #tpu.memory_space<vmem>> -> memref<1x128xi32, #tpu.memory_space<vmem>>
      %dma_wait3A_100 = tpu.memref_squeeze %dma_wait3A_99 : memref<1x128xi32, #tpu.memory_space<vmem>> -> memref<128xi32, #tpu.memory_space<vmem>>
      %dma_wait3A_101 = arith.constant 0 : i32
      %dma_wait3A_102 = arith.constant 0 : i32
      %dma_wait3A_103 = tpu.memref_slice %arg2[%dma_wait3A_101, %dma_wait3A_102] : memref<10240x128xf32, #tpu.memory_space<hbm>> -> memref<10240x128xf32, #tpu.memory_space<hbm>>
      tpu.wait_indirect_dma semaphore(%arg14 : memref<!tpu.dma_semaphore, #tpu.memory_space<semaphore_mem>>) src(%dma_wait3A_103 : memref<10240x128xf32, #tpu.memory_space<hbm>>) dst(%arg11 : memref<128x128xf32, #tpu.memory_space<vmem>>)
      "tpu.region"() ({
        %run_scoped3A = tpu.sem_alloc : memref<!tpu.dma_semaphore, #tpu.memory_space<semaphore_mem>>
        %dma_start3A_115 = arith.constant 0 : i32
        %dma_start3A_116 = tpu.memref_slice %arg9[%add3A_96, %dma_start3A_115] : memref<40x128xi32, #tpu.memory_space<vmem>> -> memref<1x128xi32, #tpu.memory_space<vmem>>
        %dma_start3A_117 = tpu.memref_squeeze %dma_start3A_116 : memref<1x128xi32, #tpu.memory_space<vmem>> -> memref<128xi32, #tpu.memory_space<vmem>>
        %dma_start3A_118 = arith.constant 0 : i32
        %dma_start3A_119 = arith.constant 0 : i32
        %dma_start3A_120 = tpu.memref_slice %arg12[%dma_start3A_118, %dma_start3A_119] : memref<10240x128xf32, #tpu.memory_space<vmem_shared>> -> memref<10240x128xf32, #tpu.memory_space<vmem_shared>>
        tpu.enqueue_indirect_dma source(%arg11 : memref<128x128xf32, #tpu.memory_space<vmem>>) target(%dma_start3A_120 : memref<10240x128xf32, #tpu.memory_space<vmem_shared>>) offsets(%dma_start3A_117 : memref<128xi32, #tpu.memory_space<vmem>>) semaphore(%run_scoped3A : memref<!tpu.dma_semaphore, #tpu.memory_space<semaphore_mem>>) {add = true}
        %dma_wait3A_121 = arith.constant 0 : i32
        %dma_wait3A_122 = tpu.memref_slice %arg9[%add3A_96, %dma_wait3A_121] : memref<40x128xi32, #tpu.memory_space<vmem>> -> memref<1x128xi32, #tpu.memory_space<vmem>>
        %dma_wait3A_123 = tpu.memref_squeeze %dma_wait3A_122 : memref<1x128xi32, #tpu.memory_space<vmem>> -> memref<128xi32, #tpu.memory_space<vmem>>
        %dma_wait3A_124 = arith.constant 0 : i32
        %dma_wait3A_125 = arith.constant 0 : i32
        %dma_wait3A_126 = tpu.memref_slice %arg12[%dma_wait3A_124, %dma_wait3A_125] : memref<10240x128xf32, #tpu.memory_space<vmem_shared>> -> memref<10240x128xf32, #tpu.memory_space<vmem_shared>>
        tpu.wait_indirect_dma semaphore(%run_scoped3A : memref<!tpu.dma_semaphore, #tpu.memory_space<semaphore_mem>>) src(%arg11 : memref<128x128xf32, #tpu.memory_space<vmem>>) dst(%dma_wait3A_126 : memref<10240x128xf32, #tpu.memory_space<vmem_shared>>)
        tpu.yield
      }) : () -> ()
      %add3A_104 = arith.constant 2 : i32
      %add3A_105 = arith.addi %add3A_96, %add3A_104 : i32
      %min3A_106 = arith.constant 39 : i32
      %min3A_107 = arith.minsi %add3A_105, %min3A_106 : i32
      %dma_start3A_108 = arith.constant 0 : i32
      %dma_start3A_109 = tpu.memref_slice %arg8[%min3A_107, %dma_start3A_108] : memref<40x128xi32, #tpu.memory_space<vmem>> -> memref<1x128xi32, #tpu.memory_space<vmem>>
      %dma_start3A_110 = tpu.memref_squeeze %dma_start3A_109 : memref<1x128xi32, #tpu.memory_space<vmem>> -> memref<128xi32, #tpu.memory_space<vmem>>
      %dma_start3A_111 = arith.constant 0 : i32
      %dma_start3A_112 = arith.constant 0 : i32
      %dma_start3A_113 = tpu.memref_slice %arg2[%dma_start3A_111, %dma_start3A_112] : memref<10240x128xf32, #tpu.memory_space<hbm>> -> memref<10240x128xf32, #tpu.memory_space<hbm>>
      tpu.enqueue_indirect_dma source(%dma_start3A_113 : memref<10240x128xf32, #tpu.memory_space<hbm>>) target(%arg11 : memref<128x128xf32, #tpu.memory_space<vmem>>) offsets(%dma_start3A_110 : memref<128xi32, #tpu.memory_space<vmem>>) semaphore(%arg14 : memref<!tpu.dma_semaphore, #tpu.memory_space<semaphore_mem>>)
      %scan3A_114 = arith.constant 0 : i32
      scf.yield %scan3A_114 : i32
    }
    %scan3A_55 = arith.constant 20 : i32
    %dma_wait3A_56 = arith.constant 0 : i32
    %dma_wait3A_57 = arith.constant 0 : i32
    %dma_wait3A_58 = tpu.memref_slice %arg8[%dma_wait3A_56, %dma_wait3A_57] : memref<40x128xi32, #tpu.memory_space<vmem>> -> memref<1x128xi32, #tpu.memory_space<vmem>>
    %dma_wait3A_59 = tpu.memref_squeeze %dma_wait3A_58 : memref<1x128xi32, #tpu.memory_space<vmem>> -> memref<128xi32, #tpu.memory_space<vmem>>
    %dma_wait3A_60 = arith.constant 0 : i32
    %dma_wait3A_61 = arith.constant 0 : i32
    %dma_wait3A_62 = tpu.memref_slice %arg2[%dma_wait3A_60, %dma_wait3A_61] : memref<10240x128xf32, #tpu.memory_space<hbm>> -> memref<10240x128xf32, #tpu.memory_space<hbm>>
    tpu.wait_indirect_dma semaphore(%arg13 : memref<!tpu.dma_semaphore, #tpu.memory_space<semaphore_mem>>) src(%dma_wait3A_62 : memref<10240x128xf32, #tpu.memory_space<hbm>>) dst(%arg10 : memref<128x128xf32, #tpu.memory_space<vmem>>)
    %dma_wait3A_63 = arith.constant 0 : i32
    %dma_wait3A_64 = arith.constant 0 : i32
    %dma_wait3A_65 = tpu.memref_slice %arg8[%dma_wait3A_63, %dma_wait3A_64] : memref<40x128xi32, #tpu.memory_space<vmem>> -> memref<1x128xi32, #tpu.memory_space<vmem>>
    %dma_wait3A_66 = tpu.memref_squeeze %dma_wait3A_65 : memref<1x128xi32, #tpu.memory_space<vmem>> -> memref<128xi32, #tpu.memory_space<vmem>>
    %dma_wait3A_67 = arith.constant 0 : i32
    %dma_wait3A_68 = arith.constant 0 : i32
    %dma_wait3A_69 = tpu.memref_slice %arg2[%dma_wait3A_67, %dma_wait3A_68] : memref<10240x128xf32, #tpu.memory_space<hbm>> -> memref<10240x128xf32, #tpu.memory_space<hbm>>
    tpu.wait_indirect_dma semaphore(%arg14 : memref<!tpu.dma_semaphore, #tpu.memory_space<semaphore_mem>>) src(%dma_wait3A_69 : memref<10240x128xf32, #tpu.memory_space<hbm>>) dst(%arg11 : memref<128x128xf32, #tpu.memory_space<vmem>>)
    %barrier3A_70 = arith.constant 0 : index
    tpu.barrier barrier_id(%barrier3A_70)
    "tpu.region"() ({
      %run_scoped3A = tpu.sem_alloc : memref<!tpu.dma_semaphore, #tpu.memory_space<semaphore_mem>>
      %dma_start3A_71 = arith.constant 0 : i32
      %dma_start3A_72 = tpu.memref_slice %arg7[%arg0, %multiple_of3A, %dma_start3A_71] : memref<2x10240x128xf32, #tpu.memory_space<hbm>> -> memref<1x640x128xf32, #tpu.memory_space<hbm>>
      %dma_start3A_73 = tpu.memref_squeeze %dma_start3A_72 : memref<1x640x128xf32, #tpu.memory_space<hbm>> -> memref<640x128xf32, #tpu.memory_space<hbm>>
      %dma_start3A_74 = arith.constant 0 : i32
      %dma_start3A_75 = tpu.memref_slice %arg12[%multiple_of3A, %dma_start3A_74] : memref<10240x128xf32, #tpu.memory_space<vmem_shared>> -> memref<640x128xf32, #tpu.memory_space<vmem_shared>>
      tpu.enqueue_dma source(%dma_start3A_75 : memref<640x128xf32, #tpu.memory_space<vmem_shared>>) target(%dma_start3A_73 : memref<640x128xf32, #tpu.memory_space<hbm>>) target_semaphore(%run_scoped3A : memref<!tpu.dma_semaphore, #tpu.memory_space<semaphore_mem>>)
      %dma_wait3A_76 = arith.constant 0 : i32
      %dma_wait3A_77 = tpu.memref_slice %arg7[%arg0, %multiple_of3A, %dma_wait3A_76] : memref<2x10240x128xf32, #tpu.memory_space<hbm>> -> memref<1x640x128xf32, #tpu.memory_space<hbm>>
      %dma_wait3A_78 = tpu.memref_squeeze %dma_wait3A_77 : memref<1x640x128xf32, #tpu.memory_space<hbm>> -> memref<640x128xf32, #tpu.memory_space<hbm>>
      %dma_wait3A_79 = arith.constant 0 : i32
      %dma_wait3A_80 = tpu.memref_slice %arg12[%multiple_of3A, %dma_wait3A_79] : memref<10240x128xf32, #tpu.memory_space<vmem_shared>> -> memref<640x128xf32, #tpu.memory_space<vmem_shared>>
      tpu.wait_dma2 semaphore(%run_scoped3A : memref<!tpu.dma_semaphore, #tpu.memory_space<semaphore_mem>>) src(%dma_wait3A_80 : memref<640x128xf32, #tpu.memory_space<vmem_shared>>) dst(%dma_wait3A_78 : memref<640x128xf32, #tpu.memory_space<hbm>>)
      tpu.yield
    }) : () -> ()
    return
  }
}

#map = affine_map<(d0, d1) -> (0, 0)>
#map1 = affine_map<(d0, d1) -> (0, 0, 0)>
#map2 = affine_map<(d0, d1) -> (0)>
module attributes {stable_mosaic.version = 14 : i64} {
  func.func @agg(%arg0: i32, %arg1: i32, %arg2: memref<10240x128xf32, #tpu.memory_space<hbm>>, %arg3: memref<32x80x128xi32, #tpu.memory_space<hbm>>, %arg4: memref<32x80x128xi32, #tpu.memory_space<hbm>>, %arg5: memref<640x128xf32, #tpu.memory_space<hbm>>, %arg6: memref<128xi32, #tpu.memory_space<hbm>>, %arg7: memref<2x10240x128xf32, #tpu.memory_space<hbm>>, %arg8: memref<40x128xi32, #tpu.memory_space<vmem>>, %arg9: memref<40x128xi32, #tpu.memory_space<vmem>>, %arg10: memref<128x128xf32, #tpu.memory_space<vmem>>, %arg11: memref<128x128xf32, #tpu.memory_space<vmem>>, %arg12: memref<10240x128xf32, #tpu.memory_space<vmem_shared>>, %arg13: memref<!tpu.dma_semaphore, #tpu.memory_space<semaphore_mem>>, %arg14: memref<!tpu.dma_semaphore, #tpu.memory_space<semaphore_mem>>) attributes {dimension_semantics = [#tpu.dimension_semantics<core_parallel>, #tpu.dimension_semantics<subcore_parallel>], iteration_bounds = array<i64: 2, 16>, scalar_prefetch = 0 : i64, scratch_operands = 7 : i64, tpu.core_type = #tpu.core_type<sc_vector_subcore>, window_params = [{transform_indices = #map}, {transform_indices = #map1}, {transform_indices = #map1}, {transform_indices = #map}, {transform_indices = #map2}, {transform_indices = #map1}]} {
    %mul3A = arith.constant 2 : i32
    %mul3A_0 = arith.muli %arg1, %mul3A : i32
    %add3A = arith.addi %mul3A_0, %arg0 : i32
    %mul3A_1 = arith.constant 640 : i32
    %mul3A_2 = arith.muli %arg1, %mul3A_1 : i32
    %multiple_of3A = tpu.assume_multiple %mul3A_2, 8 : i32
    "tpu.region"() ({
      %run_scoped3A = tpu.sem_alloc : memref<!tpu.dma_semaphore, #tpu.memory_space<semaphore_mem>>
      %dma_start3A_71 = arith.constant 0 : i32
      %dma_start3A_72 = tpu.memref_slice %arg12[%multiple_of3A, %dma_start3A_71] : memref<10240x128xf32, #tpu.memory_space<vmem_shared>> -> memref<640x128xf32, #tpu.memory_space<vmem_shared>>
      tpu.enqueue_dma source(%arg5 : memref<640x128xf32, #tpu.memory_space<hbm>>) target(%dma_start3A_72 : memref<640x128xf32, #tpu.memory_space<vmem_shared>>) target_semaphore(%run_scoped3A : memref<!tpu.dma_semaphore, #tpu.memory_space<semaphore_mem>>)
      %dma_wait3A_73 = arith.constant 0 : i32
      %dma_wait3A_74 = tpu.memref_slice %arg12[%multiple_of3A, %dma_wait3A_73] : memref<10240x128xf32, #tpu.memory_space<vmem_shared>> -> memref<640x128xf32, #tpu.memory_space<vmem_shared>>
      tpu.wait_dma2 semaphore(%run_scoped3A : memref<!tpu.dma_semaphore, #tpu.memory_space<semaphore_mem>>) src(%arg5 : memref<640x128xf32, #tpu.memory_space<hbm>>) dst(%dma_wait3A_74 : memref<640x128xf32, #tpu.memory_space<vmem_shared>>)
      tpu.yield
    }) : () -> ()
    %barrier3A = arith.constant 0 : index
    tpu.barrier barrier_id(%barrier3A)
    "tpu.region"() ({
      %run_scoped3A = tpu.sem_alloc : memref<!tpu.dma_semaphore, #tpu.memory_space<semaphore_mem>>
      %dma_start3A_71 = arith.constant 0 : i32
      %dma_start3A_72 = arith.constant 0 : i32
      %dma_start3A_73 = tpu.memref_slice %arg3[%add3A, %dma_start3A_71, %dma_start3A_72] : memref<32x80x128xi32, #tpu.memory_space<hbm>> -> memref<1x40x128xi32, #tpu.memory_space<hbm>>
      %dma_start3A_74 = tpu.memref_squeeze %dma_start3A_73 : memref<1x40x128xi32, #tpu.memory_space<hbm>> -> memref<40x128xi32, #tpu.memory_space<hbm>>
      %dma_start3A_75 = arith.constant 0 : i32
      %dma_start3A_76 = arith.constant 0 : i32
      %dma_start3A_77 = tpu.memref_slice %arg3[%add3A, %dma_start3A_75, %dma_start3A_76] : memref<32x80x128xi32, #tpu.memory_space<hbm>> -> memref<1x40x128xi32, #tpu.memory_space<hbm>>
      %dma_start3A_78 = tpu.memref_squeeze %dma_start3A_77 : memref<1x40x128xi32, #tpu.memory_space<hbm>> -> memref<40x128xi32, #tpu.memory_space<hbm>>
      tpu.enqueue_dma source(%dma_start3A_78 : memref<40x128xi32, #tpu.memory_space<hbm>>) target(%arg8 : memref<40x128xi32, #tpu.memory_space<vmem>>) target_semaphore(%run_scoped3A : memref<!tpu.dma_semaphore, #tpu.memory_space<semaphore_mem>>)
      %dma_wait3A_79 = arith.constant 0 : i32
      %dma_wait3A_80 = arith.constant 0 : i32
      %dma_wait3A_81 = tpu.memref_slice %arg3[%add3A, %dma_wait3A_79, %dma_wait3A_80] : memref<32x80x128xi32, #tpu.memory_space<hbm>> -> memref<1x40x128xi32, #tpu.memory_space<hbm>>
      %dma_wait3A_82 = tpu.memref_squeeze %dma_wait3A_81 : memref<1x40x128xi32, #tpu.memory_space<hbm>> -> memref<40x128xi32, #tpu.memory_space<hbm>>
      %dma_wait3A_83 = arith.constant 0 : i32
      %dma_wait3A_84 = arith.constant 0 : i32
      %dma_wait3A_85 = tpu.memref_slice %arg3[%add3A, %dma_wait3A_83, %dma_wait3A_84] : memref<32x80x128xi32, #tpu.memory_space<hbm>> -> memref<1x40x128xi32, #tpu.memory_space<hbm>>
      %dma_wait3A_86 = tpu.memref_squeeze %dma_wait3A_85 : memref<1x40x128xi32, #tpu.memory_space<hbm>> -> memref<40x128xi32, #tpu.memory_space<hbm>>
      tpu.wait_dma2 semaphore(%run_scoped3A : memref<!tpu.dma_semaphore, #tpu.memory_space<semaphore_mem>>) src(%dma_wait3A_86 : memref<40x128xi32, #tpu.memory_space<hbm>>) dst(%arg8 : memref<40x128xi32, #tpu.memory_space<vmem>>)
      tpu.yield
    }) : () -> ()
    "tpu.region"() ({
      %run_scoped3A = tpu.sem_alloc : memref<!tpu.dma_semaphore, #tpu.memory_space<semaphore_mem>>
      %dma_start3A_71 = arith.constant 0 : i32
      %dma_start3A_72 = arith.constant 0 : i32
      %dma_start3A_73 = tpu.memref_slice %arg4[%add3A, %dma_start3A_71, %dma_start3A_72] : memref<32x80x128xi32, #tpu.memory_space<hbm>> -> memref<1x40x128xi32, #tpu.memory_space<hbm>>
      %dma_start3A_74 = tpu.memref_squeeze %dma_start3A_73 : memref<1x40x128xi32, #tpu.memory_space<hbm>> -> memref<40x128xi32, #tpu.memory_space<hbm>>
      %dma_start3A_75 = arith.constant 0 : i32
      %dma_start3A_76 = arith.constant 0 : i32
      %dma_start3A_77 = tpu.memref_slice %arg4[%add3A, %dma_start3A_75, %dma_start3A_76] : memref<32x80x128xi32, #tpu.memory_space<hbm>> -> memref<1x40x128xi32, #tpu.memory_space<hbm>>
      %dma_start3A_78 = tpu.memref_squeeze %dma_start3A_77 : memref<1x40x128xi32, #tpu.memory_space<hbm>> -> memref<40x128xi32, #tpu.memory_space<hbm>>
      tpu.enqueue_dma source(%dma_start3A_78 : memref<40x128xi32, #tpu.memory_space<hbm>>) target(%arg9 : memref<40x128xi32, #tpu.memory_space<vmem>>) target_semaphore(%run_scoped3A : memref<!tpu.dma_semaphore, #tpu.memory_space<semaphore_mem>>)
      %dma_wait3A_79 = arith.constant 0 : i32
      %dma_wait3A_80 = arith.constant 0 : i32
      %dma_wait3A_81 = tpu.memref_slice %arg4[%add3A, %dma_wait3A_79, %dma_wait3A_80] : memref<32x80x128xi32, #tpu.memory_space<hbm>> -> memref<1x40x128xi32, #tpu.memory_space<hbm>>
      %dma_wait3A_82 = tpu.memref_squeeze %dma_wait3A_81 : memref<1x40x128xi32, #tpu.memory_space<hbm>> -> memref<40x128xi32, #tpu.memory_space<hbm>>
      %dma_wait3A_83 = arith.constant 0 : i32
      %dma_wait3A_84 = arith.constant 0 : i32
      %dma_wait3A_85 = tpu.memref_slice %arg4[%add3A, %dma_wait3A_83, %dma_wait3A_84] : memref<32x80x128xi32, #tpu.memory_space<hbm>> -> memref<1x40x128xi32, #tpu.memory_space<hbm>>
      %dma_wait3A_86 = tpu.memref_squeeze %dma_wait3A_85 : memref<1x40x128xi32, #tpu.memory_space<hbm>> -> memref<40x128xi32, #tpu.memory_space<hbm>>
      tpu.wait_dma2 semaphore(%run_scoped3A : memref<!tpu.dma_semaphore, #tpu.memory_space<semaphore_mem>>) src(%dma_wait3A_86 : memref<40x128xi32, #tpu.memory_space<hbm>>) dst(%arg9 : memref<40x128xi32, #tpu.memory_space<vmem>>)
      tpu.yield
    }) : () -> ()
    %dma_start3A = arith.constant 0 : i32
    %dma_start3A_3 = arith.constant 0 : i32
    %dma_start3A_4 = tpu.memref_slice %arg8[%dma_start3A, %dma_start3A_3] : memref<40x128xi32, #tpu.memory_space<vmem>> -> memref<1x128xi32, #tpu.memory_space<vmem>>
    %dma_start3A_5 = tpu.memref_squeeze %dma_start3A_4 : memref<1x128xi32, #tpu.memory_space<vmem>> -> memref<128xi32, #tpu.memory_space<vmem>>
    %dma_start3A_6 = arith.constant 0 : i32
    %dma_start3A_7 = arith.constant 0 : i32
    %dma_start3A_8 = tpu.memref_slice %arg2[%dma_start3A_6, %dma_start3A_7] : memref<10240x128xf32, #tpu.memory_space<hbm>> -> memref<10240x128xf32, #tpu.memory_space<hbm>>
    tpu.enqueue_indirect_dma source(%dma_start3A_8 : memref<10240x128xf32, #tpu.memory_space<hbm>>) target(%arg10 : memref<128x128xf32, #tpu.memory_space<vmem>>) offsets(%dma_start3A_5 : memref<128xi32, #tpu.memory_space<vmem>>) semaphore(%arg13 : memref<!tpu.dma_semaphore, #tpu.memory_space<semaphore_mem>>)
    %dma_start3A_9 = arith.constant 1 : i32
    %dma_start3A_10 = arith.constant 0 : i32
    %dma_start3A_11 = tpu.memref_slice %arg8[%dma_start3A_9, %dma_start3A_10] : memref<40x128xi32, #tpu.memory_space<vmem>> -> memref<1x128xi32, #tpu.memory_space<vmem>>
    %dma_start3A_12 = tpu.memref_squeeze %dma_start3A_11 : memref<1x128xi32, #tpu.memory_space<vmem>> -> memref<128xi32, #tpu.memory_space<vmem>>
    %dma_start3A_13 = arith.constant 0 : i32
    %dma_start3A_14 = arith.constant 0 : i32
    %dma_start3A_15 = tpu.memref_slice %arg2[%dma_start3A_13, %dma_start3A_14] : memref<10240x128xf32, #tpu.memory_space<hbm>> -> memref<10240x128xf32, #tpu.memory_space<hbm>>
    tpu.enqueue_indirect_dma source(%dma_start3A_15 : memref<10240x128xf32, #tpu.memory_space<hbm>>) target(%arg11 : memref<128x128xf32, #tpu.memory_space<vmem>>) offsets(%dma_start3A_12 : memref<128xi32, #tpu.memory_space<vmem>>) semaphore(%arg14 : memref<!tpu.dma_semaphore, #tpu.memory_space<semaphore_mem>>)
    %scan3A = arith.constant 0 : i32
    %scan3A_16 = arith.constant 0 : i32
    %scan3A_17 = arith.constant 20 : i32
    %scan3A_18 = arith.addi %scan3A_16, %scan3A_17 : i32
    %scan3A_19 = arith.constant 1 : i32
    %scan3A_20 = scf.for %scan3A_71 = %scan3A_16 to %scan3A_18 step %scan3A_19 iter_args(%scan3A_72 = %scan3A) -> (i32)  : i32 {
      %mul3A_73 = arith.constant 2 : i32
      %mul3A_74 = arith.muli %scan3A_71, %mul3A_73 : i32
      %add3A_75 = arith.constant 0 : i32
      %add3A_76 = arith.addi %mul3A_74, %add3A_75 : i32
      %dma_wait3A_77 = arith.constant 0 : i32
      %dma_wait3A_78 = arith.constant 0 : i32
      %dma_wait3A_79 = tpu.memref_slice %arg8[%dma_wait3A_77, %dma_wait3A_78] : memref<40x128xi32, #tpu.memory_space<vmem>> -> memref<1x128xi32, #tpu.memory_space<vmem>>
      %dma_wait3A_80 = tpu.memref_squeeze %dma_wait3A_79 : memref<1x128xi32, #tpu.memory_space<vmem>> -> memref<128xi32, #tpu.memory_space<vmem>>
      %dma_wait3A_81 = arith.constant 0 : i32
      %dma_wait3A_82 = arith.constant 0 : i32
      %dma_wait3A_83 = tpu.memref_slice %arg2[%dma_wait3A_81, %dma_wait3A_82] : memref<10240x128xf32, #tpu.memory_space<hbm>> -> memref<10240x128xf32, #tpu.memory_space<hbm>>
      tpu.wait_indirect_dma semaphore(%arg13 : memref<!tpu.dma_semaphore, #tpu.memory_space<semaphore_mem>>) src(%dma_wait3A_83 : memref<10240x128xf32, #tpu.memory_space<hbm>>) dst(%arg10 : memref<128x128xf32, #tpu.memory_space<vmem>>)
      "tpu.region"() ({
        %run_scoped3A = tpu.sem_alloc : memref<!tpu.dma_semaphore, #tpu.memory_space<semaphore_mem>>
        %dma_start3A_115 = arith.constant 0 : i32
        %dma_start3A_116 = tpu.memref_slice %arg9[%add3A_76, %dma_start3A_115] : memref<40x128xi32, #tpu.memory_space<vmem>> -> memref<1x128xi32, #tpu.memory_space<vmem>>
        %dma_start3A_117 = tpu.memref_squeeze %dma_start3A_116 : memref<1x128xi32, #tpu.memory_space<vmem>> -> memref<128xi32, #tpu.memory_space<vmem>>
        %dma_start3A_118 = arith.constant 0 : i32
        %dma_start3A_119 = arith.constant 0 : i32
        %dma_start3A_120 = tpu.memref_slice %arg12[%dma_start3A_118, %dma_start3A_119] : memref<10240x128xf32, #tpu.memory_space<vmem_shared>> -> memref<10240x128xf32, #tpu.memory_space<vmem_shared>>
        tpu.enqueue_indirect_dma source(%arg10 : memref<128x128xf32, #tpu.memory_space<vmem>>) target(%dma_start3A_120 : memref<10240x128xf32, #tpu.memory_space<vmem_shared>>) offsets(%dma_start3A_117 : memref<128xi32, #tpu.memory_space<vmem>>) semaphore(%run_scoped3A : memref<!tpu.dma_semaphore, #tpu.memory_space<semaphore_mem>>) {add = true}
        %dma_wait3A_121 = arith.constant 0 : i32
        %dma_wait3A_122 = tpu.memref_slice %arg9[%add3A_76, %dma_wait3A_121] : memref<40x128xi32, #tpu.memory_space<vmem>> -> memref<1x128xi32, #tpu.memory_space<vmem>>
        %dma_wait3A_123 = tpu.memref_squeeze %dma_wait3A_122 : memref<1x128xi32, #tpu.memory_space<vmem>> -> memref<128xi32, #tpu.memory_space<vmem>>
        %dma_wait3A_124 = arith.constant 0 : i32
        %dma_wait3A_125 = arith.constant 0 : i32
        %dma_wait3A_126 = tpu.memref_slice %arg12[%dma_wait3A_124, %dma_wait3A_125] : memref<10240x128xf32, #tpu.memory_space<vmem_shared>> -> memref<10240x128xf32, #tpu.memory_space<vmem_shared>>
        tpu.wait_indirect_dma semaphore(%run_scoped3A : memref<!tpu.dma_semaphore, #tpu.memory_space<semaphore_mem>>) src(%arg10 : memref<128x128xf32, #tpu.memory_space<vmem>>) dst(%dma_wait3A_126 : memref<10240x128xf32, #tpu.memory_space<vmem_shared>>)
        tpu.yield
      }) : () -> ()
      %add3A_84 = arith.constant 2 : i32
      %add3A_85 = arith.addi %add3A_76, %add3A_84 : i32
      %min3A = arith.constant 39 : i32
      %min3A_86 = arith.minsi %add3A_85, %min3A : i32
      %dma_start3A_87 = arith.constant 0 : i32
      %dma_start3A_88 = tpu.memref_slice %arg8[%min3A_86, %dma_start3A_87] : memref<40x128xi32, #tpu.memory_space<vmem>> -> memref<1x128xi32, #tpu.memory_space<vmem>>
      %dma_start3A_89 = tpu.memref_squeeze %dma_start3A_88 : memref<1x128xi32, #tpu.memory_space<vmem>> -> memref<128xi32, #tpu.memory_space<vmem>>
      %dma_start3A_90 = arith.constant 0 : i32
      %dma_start3A_91 = arith.constant 0 : i32
      %dma_start3A_92 = tpu.memref_slice %arg2[%dma_start3A_90, %dma_start3A_91] : memref<10240x128xf32, #tpu.memory_space<hbm>> -> memref<10240x128xf32, #tpu.memory_space<hbm>>
      tpu.enqueue_indirect_dma source(%dma_start3A_92 : memref<10240x128xf32, #tpu.memory_space<hbm>>) target(%arg10 : memref<128x128xf32, #tpu.memory_space<vmem>>) offsets(%dma_start3A_89 : memref<128xi32, #tpu.memory_space<vmem>>) semaphore(%arg13 : memref<!tpu.dma_semaphore, #tpu.memory_space<semaphore_mem>>)
      %mul3A_93 = arith.constant 2 : i32
      %mul3A_94 = arith.muli %scan3A_71, %mul3A_93 : i32
      %add3A_95 = arith.constant 1 : i32
      %add3A_96 = arith.addi %mul3A_94, %add3A_95 : i32
      %dma_wait3A_97 = arith.constant 0 : i32
      %dma_wait3A_98 = arith.constant 0 : i32
      %dma_wait3A_99 = tpu.memref_slice %arg8[%dma_wait3A_97, %dma_wait3A_98] : memref<40x128xi32, #tpu.memory_space<vmem>> -> memref<1x128xi32, #tpu.memory_space<vmem>>
      %dma_wait3A_100 = tpu.memref_squeeze %dma_wait3A_99 : memref<1x128xi32, #tpu.memory_space<vmem>> -> memref<128xi32, #tpu.memory_space<vmem>>
      %dma_wait3A_101 = arith.constant 0 : i32
      %dma_wait3A_102 = arith.constant 0 : i32
      %dma_wait3A_103 = tpu.memref_slice %arg2[%dma_wait3A_101, %dma_wait3A_102] : memref<10240x128xf32, #tpu.memory_space<hbm>> -> memref<10240x128xf32, #tpu.memory_space<hbm>>
      tpu.wait_indirect_dma semaphore(%arg14 : memref<!tpu.dma_semaphore, #tpu.memory_space<semaphore_mem>>) src(%dma_wait3A_103 : memref<10240x128xf32, #tpu.memory_space<hbm>>) dst(%arg11 : memref<128x128xf32, #tpu.memory_space<vmem>>)
      "tpu.region"() ({
        %run_scoped3A = tpu.sem_alloc : memref<!tpu.dma_semaphore, #tpu.memory_space<semaphore_mem>>
        %dma_start3A_115 = arith.constant 0 : i32
        %dma_start3A_116 = tpu.memref_slice %arg9[%add3A_96, %dma_start3A_115] : memref<40x128xi32, #tpu.memory_space<vmem>> -> memref<1x128xi32, #tpu.memory_space<vmem>>
        %dma_start3A_117 = tpu.memref_squeeze %dma_start3A_116 : memref<1x128xi32, #tpu.memory_space<vmem>> -> memref<128xi32, #tpu.memory_space<vmem>>
        %dma_start3A_118 = arith.constant 0 : i32
        %dma_start3A_119 = arith.constant 0 : i32
        %dma_start3A_120 = tpu.memref_slice %arg12[%dma_start3A_118, %dma_start3A_119] : memref<10240x128xf32, #tpu.memory_space<vmem_shared>> -> memref<10240x128xf32, #tpu.memory_space<vmem_shared>>
        tpu.enqueue_indirect_dma source(%arg11 : memref<128x128xf32, #tpu.memory_space<vmem>>) target(%dma_start3A_120 : memref<10240x128xf32, #tpu.memory_space<vmem_shared>>) offsets(%dma_start3A_117 : memref<128xi32, #tpu.memory_space<vmem>>) semaphore(%run_scoped3A : memref<!tpu.dma_semaphore, #tpu.memory_space<semaphore_mem>>) {add = true}
        %dma_wait3A_121 = arith.constant 0 : i32
        %dma_wait3A_122 = tpu.memref_slice %arg9[%add3A_96, %dma_wait3A_121] : memref<40x128xi32, #tpu.memory_space<vmem>> -> memref<1x128xi32, #tpu.memory_space<vmem>>
        %dma_wait3A_123 = tpu.memref_squeeze %dma_wait3A_122 : memref<1x128xi32, #tpu.memory_space<vmem>> -> memref<128xi32, #tpu.memory_space<vmem>>
        %dma_wait3A_124 = arith.constant 0 : i32
        %dma_wait3A_125 = arith.constant 0 : i32
        %dma_wait3A_126 = tpu.memref_slice %arg12[%dma_wait3A_124, %dma_wait3A_125] : memref<10240x128xf32, #tpu.memory_space<vmem_shared>> -> memref<10240x128xf32, #tpu.memory_space<vmem_shared>>
        tpu.wait_indirect_dma semaphore(%run_scoped3A : memref<!tpu.dma_semaphore, #tpu.memory_space<semaphore_mem>>) src(%arg11 : memref<128x128xf32, #tpu.memory_space<vmem>>) dst(%dma_wait3A_126 : memref<10240x128xf32, #tpu.memory_space<vmem_shared>>)
        tpu.yield
      }) : () -> ()
      %add3A_104 = arith.constant 2 : i32
      %add3A_105 = arith.addi %add3A_96, %add3A_104 : i32
      %min3A_106 = arith.constant 39 : i32
      %min3A_107 = arith.minsi %add3A_105, %min3A_106 : i32
      %dma_start3A_108 = arith.constant 0 : i32
      %dma_start3A_109 = tpu.memref_slice %arg8[%min3A_107, %dma_start3A_108] : memref<40x128xi32, #tpu.memory_space<vmem>> -> memref<1x128xi32, #tpu.memory_space<vmem>>
      %dma_start3A_110 = tpu.memref_squeeze %dma_start3A_109 : memref<1x128xi32, #tpu.memory_space<vmem>> -> memref<128xi32, #tpu.memory_space<vmem>>
      %dma_start3A_111 = arith.constant 0 : i32
      %dma_start3A_112 = arith.constant 0 : i32
      %dma_start3A_113 = tpu.memref_slice %arg2[%dma_start3A_111, %dma_start3A_112] : memref<10240x128xf32, #tpu.memory_space<hbm>> -> memref<10240x128xf32, #tpu.memory_space<hbm>>
      tpu.enqueue_indirect_dma source(%dma_start3A_113 : memref<10240x128xf32, #tpu.memory_space<hbm>>) target(%arg11 : memref<128x128xf32, #tpu.memory_space<vmem>>) offsets(%dma_start3A_110 : memref<128xi32, #tpu.memory_space<vmem>>) semaphore(%arg14 : memref<!tpu.dma_semaphore, #tpu.memory_space<semaphore_mem>>)
      %scan3A_114 = arith.constant 0 : i32
      scf.yield %scan3A_114 : i32
    }
    %scan3A_21 = arith.constant 20 : i32
    %dma_wait3A = arith.constant 0 : i32
    %dma_wait3A_22 = arith.constant 0 : i32
    %dma_wait3A_23 = tpu.memref_slice %arg8[%dma_wait3A, %dma_wait3A_22] : memref<40x128xi32, #tpu.memory_space<vmem>> -> memref<1x128xi32, #tpu.memory_space<vmem>>
    %dma_wait3A_24 = tpu.memref_squeeze %dma_wait3A_23 : memref<1x128xi32, #tpu.memory_space<vmem>> -> memref<128xi32, #tpu.memory_space<vmem>>
    %dma_wait3A_25 = arith.constant 0 : i32
    %dma_wait3A_26 = arith.constant 0 : i32
    %dma_wait3A_27 = tpu.memref_slice %arg2[%dma_wait3A_25, %dma_wait3A_26] : memref<10240x128xf32, #tpu.memory_space<hbm>> -> memref<10240x128xf32, #tpu.memory_space<hbm>>
    tpu.wait_indirect_dma semaphore(%arg13 : memref<!tpu.dma_semaphore, #tpu.memory_space<semaphore_mem>>) src(%dma_wait3A_27 : memref<10240x128xf32, #tpu.memory_space<hbm>>) dst(%arg10 : memref<128x128xf32, #tpu.memory_space<vmem>>)
    %dma_wait3A_28 = arith.constant 0 : i32
    %dma_wait3A_29 = arith.constant 0 : i32
    %dma_wait3A_30 = tpu.memref_slice %arg8[%dma_wait3A_28, %dma_wait3A_29] : memref<40x128xi32, #tpu.memory_space<vmem>> -> memref<1x128xi32, #tpu.memory_space<vmem>>
    %dma_wait3A_31 = tpu.memref_squeeze %dma_wait3A_30 : memref<1x128xi32, #tpu.memory_space<vmem>> -> memref<128xi32, #tpu.memory_space<vmem>>
    %dma_wait3A_32 = arith.constant 0 : i32
    %dma_wait3A_33 = arith.constant 0 : i32
    %dma_wait3A_34 = tpu.memref_slice %arg2[%dma_wait3A_32, %dma_wait3A_33] : memref<10240x128xf32, #tpu.memory_space<hbm>> -> memref<10240x128xf32, #tpu.memory_space<hbm>>
    tpu.wait_indirect_dma semaphore(%arg14 : memref<!tpu.dma_semaphore, #tpu.memory_space<semaphore_mem>>) src(%dma_wait3A_34 : memref<10240x128xf32, #tpu.memory_space<hbm>>) dst(%arg11 : memref<128x128xf32, #tpu.memory_space<vmem>>)
    "tpu.region"() ({
      %run_scoped3A = tpu.sem_alloc : memref<!tpu.dma_semaphore, #tpu.memory_space<semaphore_mem>>
      %dma_start3A_71 = arith.constant 40 : i32
      %dma_start3A_72 = arith.constant 0 : i32
      %dma_start3A_73 = tpu.memref_slice %arg3[%add3A, %dma_start3A_71, %dma_start3A_72] : memref<32x80x128xi32, #tpu.memory_space<hbm>> -> memref<1x40x128xi32, #tpu.memory_space<hbm>>
      %dma_start3A_74 = tpu.memref_squeeze %dma_start3A_73 : memref<1x40x128xi32, #tpu.memory_space<hbm>> -> memref<40x128xi32, #tpu.memory_space<hbm>>
      %dma_start3A_75 = arith.constant 40 : i32
      %dma_start3A_76 = arith.constant 0 : i32
      %dma_start3A_77 = tpu.memref_slice %arg3[%add3A, %dma_start3A_75, %dma_start3A_76] : memref<32x80x128xi32, #tpu.memory_space<hbm>> -> memref<1x40x128xi32, #tpu.memory_space<hbm>>
      %dma_start3A_78 = tpu.memref_squeeze %dma_start3A_77 : memref<1x40x128xi32, #tpu.memory_space<hbm>> -> memref<40x128xi32, #tpu.memory_space<hbm>>
      tpu.enqueue_dma source(%dma_start3A_78 : memref<40x128xi32, #tpu.memory_space<hbm>>) target(%arg8 : memref<40x128xi32, #tpu.memory_space<vmem>>) target_semaphore(%run_scoped3A : memref<!tpu.dma_semaphore, #tpu.memory_space<semaphore_mem>>)
      %dma_wait3A_79 = arith.constant 40 : i32
      %dma_wait3A_80 = arith.constant 0 : i32
      %dma_wait3A_81 = tpu.memref_slice %arg3[%add3A, %dma_wait3A_79, %dma_wait3A_80] : memref<32x80x128xi32, #tpu.memory_space<hbm>> -> memref<1x40x128xi32, #tpu.memory_space<hbm>>
      %dma_wait3A_82 = tpu.memref_squeeze %dma_wait3A_81 : memref<1x40x128xi32, #tpu.memory_space<hbm>> -> memref<40x128xi32, #tpu.memory_space<hbm>>
      %dma_wait3A_83 = arith.constant 40 : i32
      %dma_wait3A_84 = arith.constant 0 : i32
      %dma_wait3A_85 = tpu.memref_slice %arg3[%add3A, %dma_wait3A_83, %dma_wait3A_84] : memref<32x80x128xi32, #tpu.memory_space<hbm>> -> memref<1x40x128xi32, #tpu.memory_space<hbm>>
      %dma_wait3A_86 = tpu.memref_squeeze %dma_wait3A_85 : memref<1x40x128xi32, #tpu.memory_space<hbm>> -> memref<40x128xi32, #tpu.memory_space<hbm>>
      tpu.wait_dma2 semaphore(%run_scoped3A : memref<!tpu.dma_semaphore, #tpu.memory_space<semaphore_mem>>) src(%dma_wait3A_86 : memref<40x128xi32, #tpu.memory_space<hbm>>) dst(%arg8 : memref<40x128xi32, #tpu.memory_space<vmem>>)
      tpu.yield
    }) : () -> ()
    "tpu.region"() ({
      %run_scoped3A = tpu.sem_alloc : memref<!tpu.dma_semaphore, #tpu.memory_space<semaphore_mem>>
      %dma_start3A_71 = arith.constant 40 : i32
      %dma_start3A_72 = arith.constant 0 : i32
      %dma_start3A_73 = tpu.memref_slice %arg4[%add3A, %dma_start3A_71, %dma_start3A_72] : memref<32x80x128xi32, #tpu.memory_space<hbm>> -> memref<1x40x128xi32, #tpu.memory_space<hbm>>
      %dma_start3A_74 = tpu.memref_squeeze %dma_start3A_73 : memref<1x40x128xi32, #tpu.memory_space<hbm>> -> memref<40x128xi32, #tpu.memory_space<hbm>>
      %dma_start3A_75 = arith.constant 40 : i32
      %dma_start3A_76 = arith.constant 0 : i32
      %dma_start3A_77 = tpu.memref_slice %arg4[%add3A, %dma_start3A_75, %dma_start3A_76] : memref<32x80x128xi32, #tpu.memory_space<hbm>> -> memref<1x40x128xi32, #tpu.memory_space<hbm>>
      %dma_start3A_78 = tpu.memref_squeeze %dma_start3A_77 : memref<1x40x128xi32, #tpu.memory_space<hbm>> -> memref<40x128xi32, #tpu.memory_space<hbm>>
      tpu.enqueue_dma source(%dma_start3A_78 : memref<40x128xi32, #tpu.memory_space<hbm>>) target(%arg9 : memref<40x128xi32, #tpu.memory_space<vmem>>) target_semaphore(%run_scoped3A : memref<!tpu.dma_semaphore, #tpu.memory_space<semaphore_mem>>)
      %dma_wait3A_79 = arith.constant 40 : i32
      %dma_wait3A_80 = arith.constant 0 : i32
      %dma_wait3A_81 = tpu.memref_slice %arg4[%add3A, %dma_wait3A_79, %dma_wait3A_80] : memref<32x80x128xi32, #tpu.memory_space<hbm>> -> memref<1x40x128xi32, #tpu.memory_space<hbm>>
      %dma_wait3A_82 = tpu.memref_squeeze %dma_wait3A_81 : memref<1x40x128xi32, #tpu.memory_space<hbm>> -> memref<40x128xi32, #tpu.memory_space<hbm>>
      %dma_wait3A_83 = arith.constant 40 : i32
      %dma_wait3A_84 = arith.constant 0 : i32
      %dma_wait3A_85 = tpu.memref_slice %arg4[%add3A, %dma_wait3A_83, %dma_wait3A_84] : memref<32x80x128xi32, #tpu.memory_space<hbm>> -> memref<1x40x128xi32, #tpu.memory_space<hbm>>
      %dma_wait3A_86 = tpu.memref_squeeze %dma_wait3A_85 : memref<1x40x128xi32, #tpu.memory_space<hbm>> -> memref<40x128xi32, #tpu.memory_space<hbm>>
      tpu.wait_dma2 semaphore(%run_scoped3A : memref<!tpu.dma_semaphore, #tpu.memory_space<semaphore_mem>>) src(%dma_wait3A_86 : memref<40x128xi32, #tpu.memory_space<hbm>>) dst(%arg9 : memref<40x128xi32, #tpu.memory_space<vmem>>)
      tpu.yield
    }) : () -> ()
    %dma_start3A_35 = arith.constant 0 : i32
    %dma_start3A_36 = arith.constant 0 : i32
    %dma_start3A_37 = tpu.memref_slice %arg8[%dma_start3A_35, %dma_start3A_36] : memref<40x128xi32, #tpu.memory_space<vmem>> -> memref<1x128xi32, #tpu.memory_space<vmem>>
    %dma_start3A_38 = tpu.memref_squeeze %dma_start3A_37 : memref<1x128xi32, #tpu.memory_space<vmem>> -> memref<128xi32, #tpu.memory_space<vmem>>
    %dma_start3A_39 = arith.constant 0 : i32
    %dma_start3A_40 = arith.constant 0 : i32
    %dma_start3A_41 = tpu.memref_slice %arg2[%dma_start3A_39, %dma_start3A_40] : memref<10240x128xf32, #tpu.memory_space<hbm>> -> memref<10240x128xf32, #tpu.memory_space<hbm>>
    tpu.enqueue_indirect_dma source(%dma_start3A_41 : memref<10240x128xf32, #tpu.memory_space<hbm>>) target(%arg10 : memref<128x128xf32, #tpu.memory_space<vmem>>) offsets(%dma_start3A_38 : memref<128xi32, #tpu.memory_space<vmem>>) semaphore(%arg13 : memref<!tpu.dma_semaphore, #tpu.memory_space<semaphore_mem>>)
    %dma_start3A_42 = arith.constant 1 : i32
    %dma_start3A_43 = arith.constant 0 : i32
    %dma_start3A_44 = tpu.memref_slice %arg8[%dma_start3A_42, %dma_start3A_43] : memref<40x128xi32, #tpu.memory_space<vmem>> -> memref<1x128xi32, #tpu.memory_space<vmem>>
    %dma_start3A_45 = tpu.memref_squeeze %dma_start3A_44 : memref<1x128xi32, #tpu.memory_space<vmem>> -> memref<128xi32, #tpu.memory_space<vmem>>
    %dma_start3A_46 = arith.constant 0 : i32
    %dma_start3A_47 = arith.constant 0 : i32
    %dma_start3A_48 = tpu.memref_slice %arg2[%dma_start3A_46, %dma_start3A_47] : memref<10240x128xf32, #tpu.memory_space<hbm>> -> memref<10240x128xf32, #tpu.memory_space<hbm>>
    tpu.enqueue_indirect_dma source(%dma_start3A_48 : memref<10240x128xf32, #tpu.memory_space<hbm>>) target(%arg11 : memref<128x128xf32, #tpu.memory_space<vmem>>) offsets(%dma_start3A_45 : memref<128xi32, #tpu.memory_space<vmem>>) semaphore(%arg14 : memref<!tpu.dma_semaphore, #tpu.memory_space<semaphore_mem>>)
    %scan3A_49 = arith.constant 0 : i32
    %scan3A_50 = arith.constant 0 : i32
    %scan3A_51 = arith.constant 20 : i32
    %scan3A_52 = arith.addi %scan3A_50, %scan3A_51 : i32
    %scan3A_53 = arith.constant 1 : i32
    %scan3A_54 = scf.for %scan3A_71 = %scan3A_50 to %scan3A_52 step %scan3A_53 iter_args(%scan3A_72 = %scan3A_49) -> (i32)  : i32 {
      %mul3A_73 = arith.constant 2 : i32
      %mul3A_74 = arith.muli %scan3A_71, %mul3A_73 : i32
      %add3A_75 = arith.constant 0 : i32
      %add3A_76 = arith.addi %mul3A_74, %add3A_75 : i32
      %dma_wait3A_77 = arith.constant 0 : i32
      %dma_wait3A_78 = arith.constant 0 : i32
      %dma_wait3A_79 = tpu.memref_slice %arg8[%dma_wait3A_77, %dma_wait3A_78] : memref<40x128xi32, #tpu.memory_space<vmem>> -> memref<1x128xi32, #tpu.memory_space<vmem>>
      %dma_wait3A_80 = tpu.memref_squeeze %dma_wait3A_79 : memref<1x128xi32, #tpu.memory_space<vmem>> -> memref<128xi32, #tpu.memory_space<vmem>>
      %dma_wait3A_81 = arith.constant 0 : i32
      %dma_wait3A_82 = arith.constant 0 : i32
      %dma_wait3A_83 = tpu.memref_slice %arg2[%dma_wait3A_81, %dma_wait3A_82] : memref<10240x128xf32, #tpu.memory_space<hbm>> -> memref<10240x128xf32, #tpu.memory_space<hbm>>
      tpu.wait_indirect_dma semaphore(%arg13 : memref<!tpu.dma_semaphore, #tpu.memory_space<semaphore_mem>>) src(%dma_wait3A_83 : memref<10240x128xf32, #tpu.memory_space<hbm>>) dst(%arg10 : memref<128x128xf32, #tpu.memory_space<vmem>>)
      "tpu.region"() ({
        %run_scoped3A = tpu.sem_alloc : memref<!tpu.dma_semaphore, #tpu.memory_space<semaphore_mem>>
        %dma_start3A_115 = arith.constant 0 : i32
        %dma_start3A_116 = tpu.memref_slice %arg9[%add3A_76, %dma_start3A_115] : memref<40x128xi32, #tpu.memory_space<vmem>> -> memref<1x128xi32, #tpu.memory_space<vmem>>
        %dma_start3A_117 = tpu.memref_squeeze %dma_start3A_116 : memref<1x128xi32, #tpu.memory_space<vmem>> -> memref<128xi32, #tpu.memory_space<vmem>>
        %dma_start3A_118 = arith.constant 0 : i32
        %dma_start3A_119 = arith.constant 0 : i32
        %dma_start3A_120 = tpu.memref_slice %arg12[%dma_start3A_118, %dma_start3A_119] : memref<10240x128xf32, #tpu.memory_space<vmem_shared>> -> memref<10240x128xf32, #tpu.memory_space<vmem_shared>>
        tpu.enqueue_indirect_dma source(%arg10 : memref<128x128xf32, #tpu.memory_space<vmem>>) target(%dma_start3A_120 : memref<10240x128xf32, #tpu.memory_space<vmem_shared>>) offsets(%dma_start3A_117 : memref<128xi32, #tpu.memory_space<vmem>>) semaphore(%run_scoped3A : memref<!tpu.dma_semaphore, #tpu.memory_space<semaphore_mem>>) {add = true}
        %dma_wait3A_121 = arith.constant 0 : i32
        %dma_wait3A_122 = tpu.memref_slice %arg9[%add3A_76, %dma_wait3A_121] : memref<40x128xi32, #tpu.memory_space<vmem>> -> memref<1x128xi32, #tpu.memory_space<vmem>>
        %dma_wait3A_123 = tpu.memref_squeeze %dma_wait3A_122 : memref<1x128xi32, #tpu.memory_space<vmem>> -> memref<128xi32, #tpu.memory_space<vmem>>
        %dma_wait3A_124 = arith.constant 0 : i32
        %dma_wait3A_125 = arith.constant 0 : i32
        %dma_wait3A_126 = tpu.memref_slice %arg12[%dma_wait3A_124, %dma_wait3A_125] : memref<10240x128xf32, #tpu.memory_space<vmem_shared>> -> memref<10240x128xf32, #tpu.memory_space<vmem_shared>>
        tpu.wait_indirect_dma semaphore(%run_scoped3A : memref<!tpu.dma_semaphore, #tpu.memory_space<semaphore_mem>>) src(%arg10 : memref<128x128xf32, #tpu.memory_space<vmem>>) dst(%dma_wait3A_126 : memref<10240x128xf32, #tpu.memory_space<vmem_shared>>)
        tpu.yield
      }) : () -> ()
      %add3A_84 = arith.constant 2 : i32
      %add3A_85 = arith.addi %add3A_76, %add3A_84 : i32
      %min3A = arith.constant 39 : i32
      %min3A_86 = arith.minsi %add3A_85, %min3A : i32
      %dma_start3A_87 = arith.constant 0 : i32
      %dma_start3A_88 = tpu.memref_slice %arg8[%min3A_86, %dma_start3A_87] : memref<40x128xi32, #tpu.memory_space<vmem>> -> memref<1x128xi32, #tpu.memory_space<vmem>>
      %dma_start3A_89 = tpu.memref_squeeze %dma_start3A_88 : memref<1x128xi32, #tpu.memory_space<vmem>> -> memref<128xi32, #tpu.memory_space<vmem>>
      %dma_start3A_90 = arith.constant 0 : i32
      %dma_start3A_91 = arith.constant 0 : i32
      %dma_start3A_92 = tpu.memref_slice %arg2[%dma_start3A_90, %dma_start3A_91] : memref<10240x128xf32, #tpu.memory_space<hbm>> -> memref<10240x128xf32, #tpu.memory_space<hbm>>
      tpu.enqueue_indirect_dma source(%dma_start3A_92 : memref<10240x128xf32, #tpu.memory_space<hbm>>) target(%arg10 : memref<128x128xf32, #tpu.memory_space<vmem>>) offsets(%dma_start3A_89 : memref<128xi32, #tpu.memory_space<vmem>>) semaphore(%arg13 : memref<!tpu.dma_semaphore, #tpu.memory_space<semaphore_mem>>)
      %mul3A_93 = arith.constant 2 : i32
      %mul3A_94 = arith.muli %scan3A_71, %mul3A_93 : i32
      %add3A_95 = arith.constant 1 : i32
      %add3A_96 = arith.addi %mul3A_94, %add3A_95 : i32
      %dma_wait3A_97 = arith.constant 0 : i32
      %dma_wait3A_98 = arith.constant 0 : i32
      %dma_wait3A_99 = tpu.memref_slice %arg8[%dma_wait3A_97, %dma_wait3A_98] : memref<40x128xi32, #tpu.memory_space<vmem>> -> memref<1x128xi32, #tpu.memory_space<vmem>>
      %dma_wait3A_100 = tpu.memref_squeeze %dma_wait3A_99 : memref<1x128xi32, #tpu.memory_space<vmem>> -> memref<128xi32, #tpu.memory_space<vmem>>
      %dma_wait3A_101 = arith.constant 0 : i32
      %dma_wait3A_102 = arith.constant 0 : i32
      %dma_wait3A_103 = tpu.memref_slice %arg2[%dma_wait3A_101, %dma_wait3A_102] : memref<10240x128xf32, #tpu.memory_space<hbm>> -> memref<10240x128xf32, #tpu.memory_space<hbm>>
      tpu.wait_indirect_dma semaphore(%arg14 : memref<!tpu.dma_semaphore, #tpu.memory_space<semaphore_mem>>) src(%dma_wait3A_103 : memref<10240x128xf32, #tpu.memory_space<hbm>>) dst(%arg11 : memref<128x128xf32, #tpu.memory_space<vmem>>)
      "tpu.region"() ({
        %run_scoped3A = tpu.sem_alloc : memref<!tpu.dma_semaphore, #tpu.memory_space<semaphore_mem>>
        %dma_start3A_115 = arith.constant 0 : i32
        %dma_start3A_116 = tpu.memref_slice %arg9[%add3A_96, %dma_start3A_115] : memref<40x128xi32, #tpu.memory_space<vmem>> -> memref<1x128xi32, #tpu.memory_space<vmem>>
        %dma_start3A_117 = tpu.memref_squeeze %dma_start3A_116 : memref<1x128xi32, #tpu.memory_space<vmem>> -> memref<128xi32, #tpu.memory_space<vmem>>
        %dma_start3A_118 = arith.constant 0 : i32
        %dma_start3A_119 = arith.constant 0 : i32
        %dma_start3A_120 = tpu.memref_slice %arg12[%dma_start3A_118, %dma_start3A_119] : memref<10240x128xf32, #tpu.memory_space<vmem_shared>> -> memref<10240x128xf32, #tpu.memory_space<vmem_shared>>
        tpu.enqueue_indirect_dma source(%arg11 : memref<128x128xf32, #tpu.memory_space<vmem>>) target(%dma_start3A_120 : memref<10240x128xf32, #tpu.memory_space<vmem_shared>>) offsets(%dma_start3A_117 : memref<128xi32, #tpu.memory_space<vmem>>) semaphore(%run_scoped3A : memref<!tpu.dma_semaphore, #tpu.memory_space<semaphore_mem>>) {add = true}
        %dma_wait3A_121 = arith.constant 0 : i32
        %dma_wait3A_122 = tpu.memref_slice %arg9[%add3A_96, %dma_wait3A_121] : memref<40x128xi32, #tpu.memory_space<vmem>> -> memref<1x128xi32, #tpu.memory_space<vmem>>
        %dma_wait3A_123 = tpu.memref_squeeze %dma_wait3A_122 : memref<1x128xi32, #tpu.memory_space<vmem>> -> memref<128xi32, #tpu.memory_space<vmem>>
        %dma_wait3A_124 = arith.constant 0 : i32
        %dma_wait3A_125 = arith.constant 0 : i32
        %dma_wait3A_126 = tpu.memref_slice %arg12[%dma_wait3A_124, %dma_wait3A_125] : memref<10240x128xf32, #tpu.memory_space<vmem_shared>> -> memref<10240x128xf32, #tpu.memory_space<vmem_shared>>
        tpu.wait_indirect_dma semaphore(%run_scoped3A : memref<!tpu.dma_semaphore, #tpu.memory_space<semaphore_mem>>) src(%arg11 : memref<128x128xf32, #tpu.memory_space<vmem>>) dst(%dma_wait3A_126 : memref<10240x128xf32, #tpu.memory_space<vmem_shared>>)
        tpu.yield
      }) : () -> ()
      %add3A_104 = arith.constant 2 : i32
      %add3A_105 = arith.addi %add3A_96, %add3A_104 : i32
      %min3A_106 = arith.constant 39 : i32
      %min3A_107 = arith.minsi %add3A_105, %min3A_106 : i32
      %dma_start3A_108 = arith.constant 0 : i32
      %dma_start3A_109 = tpu.memref_slice %arg8[%min3A_107, %dma_start3A_108] : memref<40x128xi32, #tpu.memory_space<vmem>> -> memref<1x128xi32, #tpu.memory_space<vmem>>
      %dma_start3A_110 = tpu.memref_squeeze %dma_start3A_109 : memref<1x128xi32, #tpu.memory_space<vmem>> -> memref<128xi32, #tpu.memory_space<vmem>>
      %dma_start3A_111 = arith.constant 0 : i32
      %dma_start3A_112 = arith.constant 0 : i32
      %dma_start3A_113 = tpu.memref_slice %arg2[%dma_start3A_111, %dma_start3A_112] : memref<10240x128xf32, #tpu.memory_space<hbm>> -> memref<10240x128xf32, #tpu.memory_space<hbm>>
      tpu.enqueue_indirect_dma source(%dma_start3A_113 : memref<10240x128xf32, #tpu.memory_space<hbm>>) target(%arg11 : memref<128x128xf32, #tpu.memory_space<vmem>>) offsets(%dma_start3A_110 : memref<128xi32, #tpu.memory_space<vmem>>) semaphore(%arg14 : memref<!tpu.dma_semaphore, #tpu.memory_space<semaphore_mem>>)
      %scan3A_114 = arith.constant 0 : i32
      scf.yield %scan3A_114 : i32
    }
    %scan3A_55 = arith.constant 20 : i32
    %dma_wait3A_56 = arith.constant 0 : i32
    %dma_wait3A_57 = arith.constant 0 : i32
    %dma_wait3A_58 = tpu.memref_slice %arg8[%dma_wait3A_56, %dma_wait3A_57] : memref<40x128xi32, #tpu.memory_space<vmem>> -> memref<1x128xi32, #tpu.memory_space<vmem>>
    %dma_wait3A_59 = tpu.memref_squeeze %dma_wait3A_58 : memref<1x128xi32, #tpu.memory_space<vmem>> -> memref<128xi32, #tpu.memory_space<vmem>>
    %dma_wait3A_60 = arith.constant 0 : i32
    %dma_wait3A_61 = arith.constant 0 : i32
    %dma_wait3A_62 = tpu.memref_slice %arg2[%dma_wait3A_60, %dma_wait3A_61] : memref<10240x128xf32, #tpu.memory_space<hbm>> -> memref<10240x128xf32, #tpu.memory_space<hbm>>
    tpu.wait_indirect_dma semaphore(%arg13 : memref<!tpu.dma_semaphore, #tpu.memory_space<semaphore_mem>>) src(%dma_wait3A_62 : memref<10240x128xf32, #tpu.memory_space<hbm>>) dst(%arg10 : memref<128x128xf32, #tpu.memory_space<vmem>>)
    %dma_wait3A_63 = arith.constant 0 : i32
    %dma_wait3A_64 = arith.constant 0 : i32
    %dma_wait3A_65 = tpu.memref_slice %arg8[%dma_wait3A_63, %dma_wait3A_64] : memref<40x128xi32, #tpu.memory_space<vmem>> -> memref<1x128xi32, #tpu.memory_space<vmem>>
    %dma_wait3A_66 = tpu.memref_squeeze %dma_wait3A_65 : memref<1x128xi32, #tpu.memory_space<vmem>> -> memref<128xi32, #tpu.memory_space<vmem>>
    %dma_wait3A_67 = arith.constant 0 : i32
    %dma_wait3A_68 = arith.constant 0 : i32
    %dma_wait3A_69 = tpu.memref_slice %arg2[%dma_wait3A_67, %dma_wait3A_68] : memref<10240x128xf32, #tpu.memory_space<hbm>> -> memref<10240x128xf32, #tpu.memory_space<hbm>>
    tpu.wait_indirect_dma semaphore(%arg14 : memref<!tpu.dma_semaphore, #tpu.memory_space<semaphore_mem>>) src(%dma_wait3A_69 : memref<10240x128xf32, #tpu.memory_space<hbm>>) dst(%arg11 : memref<128x128xf32, #tpu.memory_space<vmem>>)
    %barrier3A_70 = arith.constant 0 : index
    tpu.barrier barrier_id(%barrier3A_70)
    "tpu.region"() ({
      %run_scoped3A = tpu.sem_alloc : memref<!tpu.dma_semaphore, #tpu.memory_space<semaphore_mem>>
      %dma_start3A_71 = arith.constant 0 : i32
      %dma_start3A_72 = tpu.memref_slice %arg7[%arg0, %multiple_of3A, %dma_start3A_71] : memref<2x10240x128xf32, #tpu.memory_space<hbm>> -> memref<1x640x128xf32, #tpu.memory_space<hbm>>
      %dma_start3A_73 = tpu.memref_squeeze %dma_start3A_72 : memref<1x640x128xf32, #tpu.memory_space<hbm>> -> memref<640x128xf32, #tpu.memory_space<hbm>>
      %dma_start3A_74 = arith.constant 0 : i32
      %dma_start3A_75 = tpu.memref_slice %arg12[%multiple_of3A, %dma_start3A_74] : memref<10240x128xf32, #tpu.memory_space<vmem_shared>> -> memref<640x128xf32, #tpu.memory_space<vmem_shared>>
      tpu.enqueue_dma source(%dma_start3A_75 : memref<640x128xf32, #tpu.memory_space<vmem_shared>>) target(%dma_start3A_73 : memref<640x128xf32, #tpu.memory_space<hbm>>) target_semaphore(%run_scoped3A : memref<!tpu.dma_semaphore, #tpu.memory_space<semaphore_mem>>)
      %dma_wait3A_76 = arith.constant 0 : i32
      %dma_wait3A_77 = tpu.memref_slice %arg7[%arg0, %multiple_of3A, %dma_wait3A_76] : memref<2x10240x128xf32, #tpu.memory_space<hbm>> -> memref<1x640x128xf32, #tpu.memory_space<hbm>>
      %dma_wait3A_78 = tpu.memref_squeeze %dma_wait3A_77 : memref<1x640x128xf32, #tpu.memory_space<hbm>> -> memref<640x128xf32, #tpu.memory_space<hbm>>
      %dma_wait3A_79 = arith.constant 0 : i32
      %dma_wait3A_80 = tpu.memref_slice %arg12[%multiple_of3A, %dma_wait3A_79] : memref<10240x128xf32, #tpu.memory_space<vmem_shared>> -> memref<640x128xf32, #tpu.memory_space<vmem_shared>>
      tpu.wait_dma2 semaphore(%run_scoped3A : memref<!tpu.dma_semaphore, #tpu.memory_space<semaphore_mem>>) src(%dma_wait3A_80 : memref<640x128xf32, #tpu.memory_space<vmem_shared>>) dst(%dma_wait3A_78 : memref<640x128xf32, #tpu.memory_space<hbm>>)
      tpu.yield
    }) : () -> ()
    return
  }
}

module attributes {stable_mosaic.version = 14 : i64} {
  func.func @_mm_body(%arg0: i32, %arg1: memref<512x128xf32, #tpu.memory_space<vmem>>, %arg2: memref<128x128xf32, #tpu.memory_space<vmem>>, %arg3: memref<512x128xf32, #tpu.memory_space<vmem>>) attributes {dimension_semantics = [#tpu.dimension_semantics<arbitrary>], iteration_bounds = array<i64: 20>, scalar_prefetch = 0 : i64, scratch_operands = 0 : i64, tpu.core_type = #tpu.core_type<tc>, window_params = [{transform_indices = @transform_0, window_bounds = array<i64: 512, 128>}, {pipeline_mode = #tpu.pipeline_mode<synchronous>, transform_indices = @transform_1, window_bounds = array<i64: 128, 128>}, {transform_indices = @transform_2, window_bounds = array<i64: 512, 128>}]} {
    %get3A = arith.constant 0 : index
    %get3A_0 = arith.constant 0 : index
    %get3A_1 = vector.load %arg1[%get3A, %get3A_0] : memref<512x128xf32, #tpu.memory_space<vmem>>, vector<512x128xf32>
    %get3A_2 = arith.constant 0 : index
    %get3A_3 = arith.constant 0 : index
    %get3A_4 = vector.load %arg2[%get3A_2, %get3A_3] : memref<128x128xf32, #tpu.memory_space<vmem>>, vector<128x128xf32>
    %dot_general3A = arith.constant dense<0.000000e+00> : vector<512x128xf32>
    %dot_general3A_5 = tpu.matmul %get3A_1, %get3A_4, %dot_general3A {dimension_numbers = #tpu.dot_dimension_numbers<[1], [0], [0], [1], [0, 0, 1, 1], [], []>, transpose_lhs_hint = false} : vector<512x128xf32>, vector<128x128xf32>, vector<512x128xf32> -> vector<512x128xf32>
    %swap3A = arith.constant 0 : index
    %swap3A_6 = arith.constant 0 : index
    %swap3A_7 = vector.load %arg3[%swap3A, %swap3A_6] : memref<512x128xf32, #tpu.memory_space<vmem>>, vector<512x128xf32>
    tpu.vector_store %arg3[%swap3A, %swap3A_6], %dot_general3A_5 {strides = array<i32>} : memref<512x128xf32, #tpu.memory_space<vmem>>, vector<512x128xf32>,
    return
  }
  func.func @transform_0(%arg0: i32) -> (i32, i32) {
    %c0_i32 = arith.constant 0 : i32
    %c0_i32_0 = arith.constant 0 : i32
    return %arg0, %c0_i32 : i32, i32
  }
  func.func @transform_1(%arg0: i32) -> (i32, i32) {
    %c0_i32 = arith.constant 0 : i32
    %c0_i32_0 = arith.constant 0 : i32
    %c0_i32_1 = arith.constant 0 : i32
    return %c0_i32, %c0_i32_0 : i32, i32
  }
  func.func @transform_2(%arg0: i32) -> (i32, i32) {
    %c0_i32 = arith.constant 0 : i32
    %c0_i32_0 = arith.constant 0 : i32
    return %arg0, %c0_i32 : i32, i32
  }
}

module attributes {stable_mosaic.version = 14 : i64} {
  func.func @_mid_body(%arg0: i32, %arg1: memref<2x512x128xf32, #tpu.memory_space<vmem>>, %arg2: memref<512x8xf32, #tpu.memory_space<vmem>>, %arg3: memref<512x8xf32, #tpu.memory_space<vmem>>, %arg4: memref<1x128xf32, #tpu.memory_space<vmem>>, %arg5: memref<128x128xf32, #tpu.memory_space<vmem>>, %arg6: memref<512x128xf32, #tpu.memory_space<vmem>>) attributes {dimension_semantics = [#tpu.dimension_semantics<arbitrary>], iteration_bounds = array<i64: 20>, scalar_prefetch = 0 : i64, scratch_operands = 0 : i64, tpu.core_type = #tpu.core_type<tc>, window_params = [{transform_indices = @transform_0, window_bounds = array<i64: 2, 512, 128>}, {transform_indices = @transform_1, window_bounds = array<i64: 512, 8>}, {transform_indices = @transform_2, window_bounds = array<i64: 512, 8>}, {pipeline_mode = #tpu.pipeline_mode<synchronous>, transform_indices = @transform_3, window_bounds = array<i64: 1, 128>}, {pipeline_mode = #tpu.pipeline_mode<synchronous>, transform_indices = @transform_4, window_bounds = array<i64: 128, 128>}, {transform_indices = @transform_5, window_bounds = array<i64: 512, 128>}]} {
    %get3A = arith.constant 0 : index
    %get3A_0 = arith.constant 0 : index
    %get3A_1 = arith.constant 0 : index
    %get3A_2 = vector.load %arg1[%get3A, %get3A_0, %get3A_1] : memref<2x512x128xf32, #tpu.memory_space<vmem>>, vector<1x512x128xf32>
    %get3A_3 = vector.shape_cast %get3A_2 : vector<1x512x128xf32> to vector<512x128xf32>
    %get3A_4 = arith.constant 1 : index
    %get3A_5 = arith.constant 0 : index
    %get3A_6 = arith.constant 0 : index
    %get3A_7 = vector.load %arg1[%get3A_4, %get3A_5, %get3A_6] : memref<2x512x128xf32, #tpu.memory_space<vmem>>, vector<1x512x128xf32>
    %get3A_8 = vector.shape_cast %get3A_7 : vector<1x512x128xf32> to vector<512x128xf32>
    %add3A = arith.addf %get3A_3, %get3A_8 : vector<512x128xf32>
    %get3A_9 = arith.constant 0 : index
    %get3A_10 = arith.constant 0 : index
    %get3A_11 = vector.load %arg2[%get3A_9, %get3A_10] : memref<512x8xf32, #tpu.memory_space<vmem>>, vector<512x1xf32>
    %mul3A = vector.broadcast %get3A_11 : vector<512x1xf32> to vector<512x128xf32>
    %mul3A_12 = arith.mulf %add3A, %mul3A : vector<512x128xf32>
    %get3A_13 = arith.constant 0 : index
    %get3A_14 = arith.constant 0 : index
    %get3A_15 = vector.load %arg4[%get3A_13, %get3A_14] : memref<1x128xf32, #tpu.memory_space<vmem>>, vector<1x128xf32>
    %add3A_16 = vector.broadcast %get3A_15 : vector<1x128xf32> to vector<512x128xf32>
    %add3A_17 = arith.addf %mul3A_12, %add3A_16 : vector<512x128xf32>
    %max3A = arith.constant 0.000000e+00 : f32
    %max3A_18 = vector.broadcast %max3A : f32 to vector<512x128xf32>
    %max3A_19 = arith.maximumf %add3A_17, %max3A_18 : vector<512x128xf32>
    %get3A_20 = arith.constant 0 : index
    %get3A_21 = arith.constant 0 : index
    %get3A_22 = vector.load %arg5[%get3A_20, %get3A_21] : memref<128x128xf32, #tpu.memory_space<vmem>>, vector<128x128xf32>
    %dot_general3A = arith.constant dense<0.000000e+00> : vector<512x128xf32>
    %dot_general3A_23 = tpu.matmul %max3A_19, %get3A_22, %dot_general3A {dimension_numbers = #tpu.dot_dimension_numbers<[1], [0], [0], [1], [0, 0, 1, 1], [], []>, transpose_lhs_hint = false} : vector<512x128xf32>, vector<128x128xf32>, vector<512x128xf32> -> vector<512x128xf32>
    %get3A_24 = arith.constant 0 : index
    %get3A_25 = arith.constant 0 : index
    %get3A_26 = vector.load %arg3[%get3A_24, %get3A_25] : memref<512x8xf32, #tpu.memory_space<vmem>>, vector<512x1xf32>
    %mul3A_27 = vector.broadcast %get3A_26 : vector<512x1xf32> to vector<512x128xf32>
    %mul3A_28 = arith.mulf %dot_general3A_23, %mul3A_27 : vector<512x128xf32>
    %swap3A = arith.constant 0 : index
    %swap3A_29 = arith.constant 0 : index
    %swap3A_30 = vector.load %arg6[%swap3A, %swap3A_29] : memref<512x128xf32, #tpu.memory_space<vmem>>, vector<512x128xf32>
    tpu.vector_store %arg6[%swap3A, %swap3A_29], %mul3A_28 {strides = array<i32>} : memref<512x128xf32, #tpu.memory_space<vmem>>, vector<512x128xf32>,
    return
  }
  func.func @transform_0(%arg0: i32) -> (i32, i32, i32) {
    %c0_i32 = arith.constant 0 : i32
    %c0_i32_0 = arith.constant 0 : i32
    %c0_i32_1 = arith.constant 0 : i32
    return %c0_i32, %arg0, %c0_i32_0 : i32, i32, i32
  }
  func.func @transform_1(%arg0: i32) -> (i32, i32) {
    %c0_i32 = arith.constant 0 : i32
    %c0_i32_0 = arith.constant 0 : i32
    return %arg0, %c0_i32 : i32, i32
  }
  func.func @transform_2(%arg0: i32) -> (i32, i32) {
    %c0_i32 = arith.constant 0 : i32
    %c0_i32_0 = arith.constant 0 : i32
    return %arg0, %c0_i32 : i32, i32
  }
  func.func @transform_3(%arg0: i32) -> (i32, i32) {
    %c0_i32 = arith.constant 0 : i32
    %c0_i32_0 = arith.constant 0 : i32
    %c0_i32_1 = arith.constant 0 : i32
    return %c0_i32, %c0_i32_0 : i32, i32
  }
  func.func @transform_4(%arg0: i32) -> (i32, i32) {
    %c0_i32 = arith.constant 0 : i32
    %c0_i32_0 = arith.constant 0 : i32
    %c0_i32_1 = arith.constant 0 : i32
    return %c0_i32, %c0_i32_0 : i32, i32
  }
  func.func @transform_5(%arg0: i32) -> (i32, i32) {
    %c0_i32 = arith.constant 0 : i32
    %c0_i32_0 = arith.constant 0 : i32
    return %arg0, %c0_i32 : i32, i32
  }
}

module attributes {stable_mosaic.version = 14 : i64} {
  func.func @_norms_scale_body(%arg0: i32, %arg1: memref<2x512x128xf32, #tpu.memory_space<vmem>>, %arg2: memref<2x512x128xf32, #tpu.memory_space<vmem>>, %arg3: memref<512x128xf32, #tpu.memory_space<vmem>>, %arg4: memref<512x8xf32, #tpu.memory_space<vmem>>, %arg5: memref<512x8xf32, #tpu.memory_space<vmem>>, %arg6: memref<512x128xf32, #tpu.memory_space<vmem>>) attributes {dimension_semantics = [#tpu.dimension_semantics<arbitrary>], iteration_bounds = array<i64: 20>, scalar_prefetch = 0 : i64, scratch_operands = 0 : i64, tpu.core_type = #tpu.core_type<tc>, window_params = [{transform_indices = @transform_0, window_bounds = array<i64: 2, 512, 128>}, {transform_indices = @transform_1, window_bounds = array<i64: 2, 512, 128>}, {transform_indices = @transform_2, window_bounds = array<i64: 512, 128>}, {transform_indices = @transform_3, window_bounds = array<i64: 512, 8>}, {transform_indices = @transform_4, window_bounds = array<i64: 512, 8>}, {transform_indices = @transform_5, window_bounds = array<i64: 512, 128>}]} {
    %get3A = arith.constant 0 : index
    %get3A_0 = arith.constant 0 : index
    %get3A_1 = arith.constant 0 : index
    %get3A_2 = vector.load %arg1[%get3A, %get3A_0, %get3A_1] : memref<2x512x128xf32, #tpu.memory_space<vmem>>, vector<1x512x1xf32>
    %get3A_3 = vector.shape_cast %get3A_2 : vector<1x512x1xf32> to vector<512x1xf32>
    %get3A_4 = arith.constant 1 : index
    %get3A_5 = arith.constant 0 : index
    %get3A_6 = arith.constant 0 : index
    %get3A_7 = vector.load %arg1[%get3A_4, %get3A_5, %get3A_6] : memref<2x512x128xf32, #tpu.memory_space<vmem>>, vector<1x512x1xf32>
    %get3A_8 = vector.shape_cast %get3A_7 : vector<1x512x1xf32> to vector<512x1xf32>
    %add3A = arith.addf %get3A_3, %get3A_8 : vector<512x1xf32>
    %get3A_9 = arith.constant 0 : index
    %get3A_10 = arith.constant 0 : index
    %get3A_11 = arith.constant 0 : index
    %get3A_12 = vector.load %arg2[%get3A_9, %get3A_10, %get3A_11] : memref<2x512x128xf32, #tpu.memory_space<vmem>>, vector<1x512x1xf32>
    %get3A_13 = vector.shape_cast %get3A_12 : vector<1x512x1xf32> to vector<512x1xf32>
    %get3A_14 = arith.constant 1 : index
    %get3A_15 = arith.constant 0 : index
    %get3A_16 = arith.constant 0 : index
    %get3A_17 = vector.load %arg2[%get3A_14, %get3A_15, %get3A_16] : memref<2x512x128xf32, #tpu.memory_space<vmem>>, vector<1x512x1xf32>
    %get3A_18 = vector.shape_cast %get3A_17 : vector<1x512x1xf32> to vector<512x1xf32>
    %add3A_19 = arith.addf %get3A_13, %get3A_18 : vector<512x1xf32>
    %gt3A = arith.constant 0.000000e+00 : f32
    %gt3A_20 = vector.broadcast %gt3A : f32 to vector<512x1xf32>
    %gt3A_21 = arith.cmpf ogt, %add3A, %gt3A_20 : vector<512x1xf32>
    %max3A = arith.constant 1.000000e+00 : f32
    %max3A_22 = vector.broadcast %max3A : f32 to vector<512x1xf32>
    %max3A_23 = arith.maximumf %add3A, %max3A_22 : vector<512x1xf32>
    %rsqrt3A = math.rsqrt %max3A_23 : vector<512x1xf32>
    %jit3A = arith.constant 0.000000e+00 : f32
    %broadcast_in_dim3A = vector.broadcast %jit3A : f32 to vector<512x1xf32>
    %select_n3A = arith.select %gt3A_21, %rsqrt3A, %broadcast_in_dim3A : vector<512x1xi1>, vector<512x1xf32>
    %gt3A_24 = arith.constant 0.000000e+00 : f32
    %gt3A_25 = vector.broadcast %gt3A_24 : f32 to vector<512x1xf32>
    %gt3A_26 = arith.cmpf ogt, %add3A_19, %gt3A_25 : vector<512x1xf32>
    %max3A_27 = arith.constant 1.000000e+00 : f32
    %max3A_28 = vector.broadcast %max3A_27 : f32 to vector<512x1xf32>
    %max3A_29 = arith.maximumf %add3A_19, %max3A_28 : vector<512x1xf32>
    %rsqrt3A_30 = math.rsqrt %max3A_29 : vector<512x1xf32>
    %jit3A_31 = arith.constant 0.000000e+00 : f32
    %broadcast_in_dim3A_32 = vector.broadcast %jit3A_31 : f32 to vector<512x1xf32>
    %select_n3A_33 = arith.select %gt3A_26, %rsqrt3A_30, %broadcast_in_dim3A_32 : vector<512x1xi1>, vector<512x1xf32>
    %broadcast_in_dim3A_34 = vector.shape_cast %select_n3A : vector<512x1xf32> to vector<512x1xf32>
    %broadcast_in_dim3A_35 = vector.broadcast %broadcast_in_dim3A_34 : vector<512x1xf32> to vector<512x8xf32>
    %swap3A = arith.constant 0 : index
    %swap3A_36 = arith.constant 0 : index
    %swap3A_37 = vector.load %arg4[%swap3A, %swap3A_36] : memref<512x8xf32, #tpu.memory_space<vmem>>, vector<512x8xf32>
    tpu.vector_store %arg4[%swap3A, %swap3A_36], %broadcast_in_dim3A_35 {strides = array<i32>} : memref<512x8xf32, #tpu.memory_space<vmem>>, vector<512x8xf32>,
    %broadcast_in_dim3A_38 = vector.shape_cast %select_n3A_33 : vector<512x1xf32> to vector<512x1xf32>
    %broadcast_in_dim3A_39 = vector.broadcast %broadcast_in_dim3A_38 : vector<512x1xf32> to vector<512x8xf32>
    %swap3A_40 = arith.constant 0 : index
    %swap3A_41 = arith.constant 0 : index
    %swap3A_42 = vector.load %arg5[%swap3A_40, %swap3A_41] : memref<512x8xf32, #tpu.memory_space<vmem>>, vector<512x8xf32>
    tpu.vector_store %arg5[%swap3A_40, %swap3A_41], %broadcast_in_dim3A_39 {strides = array<i32>} : memref<512x8xf32, #tpu.memory_space<vmem>>, vector<512x8xf32>,
    %get3A_43 = arith.constant 0 : index
    %get3A_44 = arith.constant 0 : index
    %get3A_45 = vector.load %arg3[%get3A_43, %get3A_44] : memref<512x128xf32, #tpu.memory_space<vmem>>, vector<512x128xf32>
    %mul3A = vector.broadcast %select_n3A : vector<512x1xf32> to vector<512x128xf32>
    %mul3A_46 = arith.mulf %get3A_45, %mul3A : vector<512x128xf32>
    %swap3A_47 = arith.constant 0 : index
    %swap3A_48 = arith.constant 0 : index
    %swap3A_49 = vector.load %arg6[%swap3A_47, %swap3A_48] : memref<512x128xf32, #tpu.memory_space<vmem>>, vector<512x128xf32>
    tpu.vector_store %arg6[%swap3A_47, %swap3A_48], %mul3A_46 {strides = array<i32>} : memref<512x128xf32, #tpu.memory_space<vmem>>, vector<512x128xf32>,
    return
  }
  func.func @transform_0(%arg0: i32) -> (i32, i32, i32) {
    %c0_i32 = arith.constant 0 : i32
    %c0_i32_0 = arith.constant 0 : i32
    %c0_i32_1 = arith.constant 0 : i32
    return %c0_i32, %arg0, %c0_i32_0 : i32, i32, i32
  }
  func.func @transform_1(%arg0: i32) -> (i32, i32, i32) {
    %c0_i32 = arith.constant 0 : i32
    %c0_i32_0 = arith.constant 0 : i32
    %c0_i32_1 = arith.constant 0 : i32
    return %c0_i32, %arg0, %c0_i32_0 : i32, i32, i32
  }
  func.func @transform_2(%arg0: i32) -> (i32, i32) {
    %c0_i32 = arith.constant 0 : i32
    %c0_i32_0 = arith.constant 0 : i32
    return %arg0, %c0_i32 : i32, i32
  }
  func.func @transform_3(%arg0: i32) -> (i32, i32) {
    %c0_i32 = arith.constant 0 : i32
    %c0_i32_0 = arith.constant 0 : i32
    return %arg0, %c0_i32 : i32, i32
  }
  func.func @transform_4(%arg0: i32) -> (i32, i32) {
    %c0_i32 = arith.constant 0 : i32
    %c0_i32_0 = arith.constant 0 : i32
    return %arg0, %c0_i32 : i32, i32
  }
  func.func @transform_5(%arg0: i32) -> (i32, i32) {
    %c0_i32 = arith.constant 0 : i32
    %c0_i32_0 = arith.constant 0 : i32
    return %arg0, %c0_i32 : i32, i32
  }
}

module attributes {stable_mosaic.version = 14 : i64} {
  func.func @_pre_final_body(%arg0: i32, %arg1: memref<2x512x128xf32, #tpu.memory_space<vmem>>, %arg2: memref<512x8xf32, #tpu.memory_space<vmem>>, %arg3: memref<512x8xf32, #tpu.memory_space<vmem>>, %arg4: memref<1x128xf32, #tpu.memory_space<vmem>>, %arg5: memref<512x128xf32, #tpu.memory_space<vmem>>) attributes {dimension_semantics = [#tpu.dimension_semantics<arbitrary>], iteration_bounds = array<i64: 20>, scalar_prefetch = 0 : i64, scratch_operands = 0 : i64, tpu.core_type = #tpu.core_type<tc>, window_params = [{transform_indices = @transform_0, window_bounds = array<i64: 2, 512, 128>}, {transform_indices = @transform_1, window_bounds = array<i64: 512, 8>}, {transform_indices = @transform_2, window_bounds = array<i64: 512, 8>}, {pipeline_mode = #tpu.pipeline_mode<synchronous>, transform_indices = @transform_3, window_bounds = array<i64: 1, 128>}, {transform_indices = @transform_4, window_bounds = array<i64: 512, 128>}]} {
    %get3A = arith.constant 0 : index
    %get3A_0 = arith.constant 0 : index
    %get3A_1 = arith.constant 0 : index
    %get3A_2 = vector.load %arg1[%get3A, %get3A_0, %get3A_1] : memref<2x512x128xf32, #tpu.memory_space<vmem>>, vector<1x512x128xf32>
    %get3A_3 = vector.shape_cast %get3A_2 : vector<1x512x128xf32> to vector<512x128xf32>
    %get3A_4 = arith.constant 1 : index
    %get3A_5 = arith.constant 0 : index
    %get3A_6 = arith.constant 0 : index
    %get3A_7 = vector.load %arg1[%get3A_4, %get3A_5, %get3A_6] : memref<2x512x128xf32, #tpu.memory_space<vmem>>, vector<1x512x128xf32>
    %get3A_8 = vector.shape_cast %get3A_7 : vector<1x512x128xf32> to vector<512x128xf32>
    %add3A = arith.addf %get3A_3, %get3A_8 : vector<512x128xf32>
    %get3A_9 = arith.constant 0 : index
    %get3A_10 = arith.constant 0 : index
    %get3A_11 = vector.load %arg2[%get3A_9, %get3A_10] : memref<512x8xf32, #tpu.memory_space<vmem>>, vector<512x1xf32>
    %mul3A = vector.broadcast %get3A_11 : vector<512x1xf32> to vector<512x128xf32>
    %mul3A_12 = arith.mulf %add3A, %mul3A : vector<512x128xf32>
    %get3A_13 = arith.constant 0 : index
    %get3A_14 = arith.constant 0 : index
    %get3A_15 = vector.load %arg4[%get3A_13, %get3A_14] : memref<1x128xf32, #tpu.memory_space<vmem>>, vector<1x128xf32>
    %add3A_16 = vector.broadcast %get3A_15 : vector<1x128xf32> to vector<512x128xf32>
    %add3A_17 = arith.addf %mul3A_12, %add3A_16 : vector<512x128xf32>
    %max3A = arith.constant 0.000000e+00 : f32
    %max3A_18 = vector.broadcast %max3A : f32 to vector<512x128xf32>
    %max3A_19 = arith.maximumf %add3A_17, %max3A_18 : vector<512x128xf32>
    %get3A_20 = arith.constant 0 : index
    %get3A_21 = arith.constant 0 : index
    %get3A_22 = vector.load %arg3[%get3A_20, %get3A_21] : memref<512x8xf32, #tpu.memory_space<vmem>>, vector<512x1xf32>
    %mul3A_23 = vector.broadcast %get3A_22 : vector<512x1xf32> to vector<512x128xf32>
    %mul3A_24 = arith.mulf %max3A_19, %mul3A_23 : vector<512x128xf32>
    %swap3A = arith.constant 0 : index
    %swap3A_25 = arith.constant 0 : index
    %swap3A_26 = vector.load %arg5[%swap3A, %swap3A_25] : memref<512x128xf32, #tpu.memory_space<vmem>>, vector<512x128xf32>
    tpu.vector_store %arg5[%swap3A, %swap3A_25], %mul3A_24 {strides = array<i32>} : memref<512x128xf32, #tpu.memory_space<vmem>>, vector<512x128xf32>,
    return
  }
  func.func @transform_0(%arg0: i32) -> (i32, i32, i32) {
    %c0_i32 = arith.constant 0 : i32
    %c0_i32_0 = arith.constant 0 : i32
    %c0_i32_1 = arith.constant 0 : i32
    return %c0_i32, %arg0, %c0_i32_0 : i32, i32, i32
  }
  func.func @transform_1(%arg0: i32) -> (i32, i32) {
    %c0_i32 = arith.constant 0 : i32
    %c0_i32_0 = arith.constant 0 : i32
    return %arg0, %c0_i32 : i32, i32
  }
  func.func @transform_2(%arg0: i32) -> (i32, i32) {
    %c0_i32 = arith.constant 0 : i32
    %c0_i32_0 = arith.constant 0 : i32
    return %arg0, %c0_i32 : i32, i32
  }
  func.func @transform_3(%arg0: i32) -> (i32, i32) {
    %c0_i32 = arith.constant 0 : i32
    %c0_i32_0 = arith.constant 0 : i32
    %c0_i32_1 = arith.constant 0 : i32
    return %c0_i32, %c0_i32_0 : i32, i32
  }
  func.func @transform_4(%arg0: i32) -> (i32, i32) {
    %c0_i32 = arith.constant 0 : i32
    %c0_i32_0 = arith.constant 0 : i32
    return %arg0, %c0_i32 : i32, i32
  }
}

module attributes {stable_mosaic.version = 14 : i64} {
  func.func @_final_body(%arg0: i32, %arg1: memref<2x512x128xf32, #tpu.memory_space<vmem>>, %arg2: memref<512x8xf32, #tpu.memory_space<vmem>>, %arg3: memref<1x64xf32, #tpu.memory_space<vmem>>, %arg4: memref<128x64xf32, #tpu.memory_space<vmem>>, %arg5: memref<512x64xf32, #tpu.memory_space<vmem>>) attributes {dimension_semantics = [#tpu.dimension_semantics<arbitrary>], iteration_bounds = array<i64: 20>, scalar_prefetch = 0 : i64, scratch_operands = 0 : i64, tpu.core_type = #tpu.core_type<tc>, window_params = [{transform_indices = @transform_0, window_bounds = array<i64: 2, 512, 128>}, {transform_indices = @transform_1, window_bounds = array<i64: 512, 8>}, {pipeline_mode = #tpu.pipeline_mode<synchronous>, transform_indices = @transform_2, window_bounds = array<i64: 1, 64>}, {pipeline_mode = #tpu.pipeline_mode<synchronous>, transform_indices = @transform_3, window_bounds = array<i64: 128, 64>}, {transform_indices = @transform_4, window_bounds = array<i64: 512, 64>}]} {
    %get3A = arith.constant 0 : index
    %get3A_0 = arith.constant 0 : index
    %get3A_1 = arith.constant 0 : index
    %get3A_2 = vector.load %arg1[%get3A, %get3A_0, %get3A_1] : memref<2x512x128xf32, #tpu.memory_space<vmem>>, vector<1x512x128xf32>
    %get3A_3 = vector.shape_cast %get3A_2 : vector<1x512x128xf32> to vector<512x128xf32>
    %get3A_4 = arith.constant 1 : index
    %get3A_5 = arith.constant 0 : index
    %get3A_6 = arith.constant 0 : index
    %get3A_7 = vector.load %arg1[%get3A_4, %get3A_5, %get3A_6] : memref<2x512x128xf32, #tpu.memory_space<vmem>>, vector<1x512x128xf32>
    %get3A_8 = vector.shape_cast %get3A_7 : vector<1x512x128xf32> to vector<512x128xf32>
    %add3A = arith.addf %get3A_3, %get3A_8 : vector<512x128xf32>
    %get3A_9 = arith.constant 0 : index
    %get3A_10 = arith.constant 0 : index
    %get3A_11 = vector.load %arg2[%get3A_9, %get3A_10] : memref<512x8xf32, #tpu.memory_space<vmem>>, vector<512x1xf32>
    %mul3A = vector.broadcast %get3A_11 : vector<512x1xf32> to vector<512x128xf32>
    %mul3A_12 = arith.mulf %add3A, %mul3A : vector<512x128xf32>
    %get3A_13 = arith.constant 0 : index
    %get3A_14 = arith.constant 0 : index
    %get3A_15 = vector.load %arg4[%get3A_13, %get3A_14] : memref<128x64xf32, #tpu.memory_space<vmem>>, vector<128x64xf32>
    %dot_general3A = arith.constant dense<0.000000e+00> : vector<512x64xf32>
    %dot_general3A_16 = tpu.matmul %mul3A_12, %get3A_15, %dot_general3A {dimension_numbers = #tpu.dot_dimension_numbers<[1], [0], [0], [1], [0, 0, 1, 1], [], []>, transpose_lhs_hint = false} : vector<512x128xf32>, vector<128x64xf32>, vector<512x64xf32> -> vector<512x64xf32>
    %get3A_17 = arith.constant 0 : index
    %get3A_18 = arith.constant 0 : index
    %get3A_19 = vector.load %arg3[%get3A_17, %get3A_18] : memref<1x64xf32, #tpu.memory_space<vmem>>, vector<1x64xf32>
    %add3A_20 = vector.broadcast %get3A_19 : vector<1x64xf32> to vector<512x64xf32>
    %add3A_21 = arith.addf %dot_general3A_16, %add3A_20 : vector<512x64xf32>
    %swap3A = arith.constant 0 : index
    %swap3A_22 = arith.constant 0 : index
    %swap3A_23 = vector.load %arg5[%swap3A, %swap3A_22] : memref<512x64xf32, #tpu.memory_space<vmem>>, vector<512x64xf32>
    tpu.vector_store %arg5[%swap3A, %swap3A_22], %add3A_21 {strides = array<i32>} : memref<512x64xf32, #tpu.memory_space<vmem>>, vector<512x64xf32>,
    return
  }
  func.func @transform_0(%arg0: i32) -> (i32, i32, i32) {
    %c0_i32 = arith.constant 0 : i32
    %c0_i32_0 = arith.constant 0 : i32
    %c0_i32_1 = arith.constant 0 : i32
    return %c0_i32, %arg0, %c0_i32_0 : i32, i32, i32
  }
  func.func @transform_1(%arg0: i32) -> (i32, i32) {
    %c0_i32 = arith.constant 0 : i32
    %c0_i32_0 = arith.constant 0 : i32
    return %arg0, %c0_i32 : i32, i32
  }
  func.func @transform_2(%arg0: i32) -> (i32, i32) {
    %c0_i32 = arith.constant 0 : i32
    %c0_i32_0 = arith.constant 0 : i32
    %c0_i32_1 = arith.constant 0 : i32
    return %c0_i32, %c0_i32_0 : i32, i32
  }
  func.func @transform_3(%arg0: i32) -> (i32, i32) {
    %c0_i32 = arith.constant 0 : i32
    %c0_i32_0 = arith.constant 0 : i32
    %c0_i32_1 = arith.constant 0 : i32
    return %c0_i32, %c0_i32_0 : i32, i32
  }
  func.func @transform_4(%arg0: i32) -> (i32, i32) {
    %c0_i32 = arith.constant 0 : i32
    %c0_i32_0 = arith.constant 0 : i32
    return %arg0, %c0_i32 : i32, i32
  }
}

</mosaic_0001>

<sc_bundles>
// kernel: kernel.11.cloned.1.call-start
scs
__scs_entry_jumppad:
0x0: {  	(pc) =	sbr.rel $0x88, $3  }
0x1: {  	(tag) =	ssettag $0x0;
	lr =	simm.s32 $0x1  }
0x2: {  	[smem:$0x3F99] =	sst lr;
	_ =	strace $0xD0000000  }
0x3: {  	_ = 	snop  }
0x4: {  	_ = 	snop  }
0x5: {  	_ = 	snop  }
0x6: {  	_ = 	snop  }
0x7: {  	_ = 	snop  }
__scs_overlays_trampoline_lowered:
0x8: {  	[smem:$0x3FA8] =	sst s0  }
0x9: {  	[smem:$0x3FA9] =	sst s1  }
0xa: {  	[smem:$0x3FAA] =	sst s2  }
0xb: {  	[smem:$0x3FAB] =	sst s3  }
0xc: {  	[smem:$0x3FAC] =	sst s4  }
0xd: {  	[smem:$0x3FAD] =	sst s5  }
0xe: {  	[smem:$0x3FAE] =	sst s6  }
0xf: {  	[smem:$0x3FAF] =	sst s7  }
0x10: {  	[smem:$0x3FB0] =	sst s8  }
0x11: {  	[smem:$0x3FB1] =	sst s9;
	s0 =	simm.s32 @!p0 $0x0  }
0x12: {  	s1 =	sld [smem:$0x3F97];
	s0 =	simm.s32 @p0 $0x1  }
0x13: {  	[smem:$0x3FB2] =	sst s0;
	s0 =	simm.s32 @!p1 $0x0  }
0x14: {  	s2 =	sld [smem:$0x3F96];
	s0 =	simm.s32 @p1 $0x1  }
0x15: {  	[smem:$0x3FB3] =	sst s0;
	s0 =	simm.s32 @!p2 $0x0  }
0x16: {  	s3 =	sld [smem:$0x3FDB];
	s0 =	simm.s32 @p2 $0x1  }
0x17: {  	s4 =	simm.s32 $0x1BF5;
	[smem:$0x3FB5] =	sst s0  }
0x18: {  	s0 =	sld [smem:$0x3F98];
	_ =	swait.ge [sflag:s4], $0x0  }
0x19: {  	s7 =	sld [smem:$0x3F99]  }
0x1a: {  	s8 =	sadd.s32 $0xFFFFE003, lr  }
0x1b: {  	s9 =	sadd.s32 $0xFFFFFEF7, lr;
	s5 =	simm.s32 $0xFFFFFFFF;
	p2 =	slt.u32 s8, $0xFFFFF086  }
0x1c: {  	p1 =	slt.u32 s9, $0xF7A;
	s5 =	simm.s32 @!p2 $0x0  }
0x1d: {  	s5 =	simm.s32 @p1 $0x1;
	p0 =	seq.s32 s7, s2  }
0x1e: {  	s7 =	smul.u32 @!p0 $0xF7A, s2;
	p2 =	seq.s32 @!p0 s5, $0x0  }
0x1f: {  	s9 =	smul.u32 $0xF7A, s1;
	s8 =	simm.s32 @!p0 $0x1BF5;
	p2 =	por !p2, p0  }
0x20: {  	[sflag:s8] =	ssyncset.s32 @!p0 $0xFFFFF086;
	s6 =	sadd.s32 @!p0 s3, s7;
	s7 =	simm.s32 @!p0 $0x108  }
0x21: {  	s3 =	sadd.s32 s3, s9;
	s6 =	sadd.s32 @!p0 $0x88, s6;
	s7 =	simm.s32 @p2 $0x1082  }
0x22: {  	[simem:s7], [sflag:s8] =	dma.local @!p0 [hbm:s6], $0xF7A  }
0x23: {  	s9 =	sor.u32 $0xD0000000, s2;
	s6 =	simm.s32 $0x108;
	_ =	swait.ge @!p0 [sflag:s8], $0x0  }
0x24: {  	s3 =	sadd.s32 $0x88, s3;
	s6 =	simm.s32 @!p1 $0x1082;
	[sflag:s4] =	ssyncset.s32 $0xFFFFF086  }
0x25: {  	[simem:s6], [sflag:s4] =	dma.local [hbm:s3], $0xF7A  }
0x26: {  	[smem:$0x3F99] =	sst s1;
	(tag) =	ssettag s2;
	_ =	strace s9  }
0x27: {  	s1 =	sld [smem:$0x3FA9]  }
0x28: {  	s2 =	sld [smem:$0x3FAA]  }
0x29: {  	s4 =	sld [smem:$0x3FAC]  }
0x2a: {  	p0 =	seq.s32 s5, $0x0;
	s5 =	sld [smem:$0x3FAD]  }
0x2b: {  	s6 =	sld [smem:$0x3FAE]  }
0x2c: {  	s7 =	sld [smem:$0x3FAF]  }
0x2d: {  	s3 =	simm.s32 $0x108;
	s8 =	sld [smem:$0x3FB0]  }
0x2e: {  	s3 =	simm.s32 @!p0 $0x1082;
	s9 =	sld [smem:$0x3FB1]  }
0x2f: {  	lr =	sadd.s32 s0, s3;
	s0 =	sld [smem:$0x3FA8]  }
0x30: {  	s3 =	sld [smem:$0x3FAB]  }
0x31: {  	[smem:$0x3FB4] =	sst s10  }
0x32: {  	s10 =	sld [smem:$0x3FB2];
	_ =	sdelay $0x3  }
0x33: {  	p0 =	seq.s32 s10, $0x1;
	s10 =	sld [smem:$0x3FB4];
	_ =	sdelay $0x3  }
0x34: {  	[smem:$0x3FB4] =	sst s10  }
0x35: {  	s10 =	sld [smem:$0x3FB3];
	_ =	sdelay $0x3  }
0x36: {  	p1 =	seq.s32 s10, $0x1;
	s10 =	sld [smem:$0x3FB4];
	_ =	sdelay $0x3  }
0x37: {  	[smem:$0x3FB4] =	sst s10  }
0x38: {  	s10 =	sld [smem:$0x3FB5]  }
0x39: {  	_ = 	snop;
	(pc) =	sbr.ind lr, $3  }
0x3a: {  	_ = 	snop  }
0x3b: {  	_ = 	snop  }
0x3c: {  	p2 =	seq.s32 s10, $0x1;
	s10 =	sld [smem:$0x3FB4]  }
0x3d: {  	_ =	shalt  }
0x3e: {  	_ =	shalt  }
0x3f: {  	_ =	shalt  }
0x40: {  	_ =	shalt  }
0x41: {  	_ =	shalt  }
0x42: {  	_ =	shalt  }
0x43: {  	_ =	shalt  }
0x44: {  	_ =	shalt  }
0x45: {  	_ =	shalt  }
0x46: {  	_ =	shalt  }
0x47: {  	_ =	shalt  }
0x48: {  	_ =	shalt  }
0x49: {  	_ =	shalt  }
0x4a: {  	_ =	shalt  }
0x4b: {  	_ =	shalt  }
0x4c: {  	_ =	shalt  }
0x4d: {  	_ =	shalt  }
0x4e: {  	_ =	shalt  }
0x4f: {  	_ =	shalt  }
0x50: {  	_ =	shalt  }
0x51: {  	_ =	shalt  }
0x52: {  	_ =	shalt  }
0x53: {  	_ =	shalt  }
0x54: {  	_ =	shalt  }
0x55: {  	_ =	shalt  }
0x56: {  	_ =	shalt  }
0x57: {  	_ =	shalt  }
0x58: {  	_ =	shalt  }
0x59: {  	_ =	shalt  }
0x5a: {  	_ =	shalt  }
0x5b: {  	_ =	shalt  }
0x5c: {  	_ =	shalt  }
0x5d: {  	_ =	shalt  }
0x5e: {  	_ =	shalt  }
0x5f: {  	_ =	shalt  }
0x60: {  	_ =	shalt  }
0x61: {  	_ =	shalt  }
0x62: {  	_ =	shalt  }
0x63: {  	_ =	shalt  }
0x64: {  	_ =	shalt  }
0x65: {  	_ =	shalt  }
0x66: {  	_ =	shalt  }
0x67: {  	_ =	shalt  }
0x68: {  	_ =	shalt  }
0x69: {  	_ =	shalt  }
0x6a: {  	_ =	shalt  }
0x6b: {  	_ =	shalt  }
0x6c: {  	_ =	shalt  }
0x6d: {  	_ =	shalt  }
0x6e: {  	_ =	shalt  }
0x6f: {  	_ =	shalt  }
0x70: {  	_ =	shalt  }
0x71: {  	_ =	shalt  }
0x72: {  	_ =	shalt  }
0x73: {  	_ =	shalt  }
0x74: {  	_ =	shalt  }
0x75: {  	_ =	shalt  }
0x76: {  	_ =	shalt  }
0x77: {  	_ =	shalt  }
0x78: {  	_ =	shalt  }
0x79: {  	_ =	shalt  }
0x7a: {  	_ =	shalt  }
0x7b: {  	_ =	shalt  }
0x7c: {  	_ =	shalt  }
0x7d: {  	_ =	shalt  }
0x7e: {  	_ =	shalt  }
0x7f: {  	_ =	shalt  }
0x80: {  	_ =	shalt  }
0x81: {  	_ =	shalt  }
0x82: {  	_ =	shalt  }
0x83: {  	_ =	shalt  }
0x84: {  	_ =	shalt  }
0x85: {  	_ =	shalt  }
0x86: {  	_ =	shalt  }
0x87: {  	_ =	shalt  }
.Lfunc_end0:
.L_simem_size_0:
called_computation_lowered:
.L_overlay_start_0:
0x88: {  	s2 =	sld [smem:$0x3FD9]  }
0x89: {  	s3 =	sld [smem:$0x3FFE];
	_ =	sdelay $0x1  }
0x8a: {  	s1 =	srdreg.scid  }
0x8b: {  	s0 =	sand.u32 $0x1, s1  }
0x8c: {  	s17 =	sshll.u32 s0, $0xA;
	s2 =	sadd.s32 s3, s2  }
0x8d: {  	s2 =	sadd.s32 s2, s17  }
0x8e: {  	[smem:$0x3FC0] =	sst s2  }
0x8f: {  	_ = 	snop  }
0x90: {  	s2 =	sld [smem:$0x3FD0];
	(tm) =	ssettm $0x1  }
0x91: {  	s18 =	sld [smem:$0x3FFB];
	_ =	sdelay $0x3  }
0x92: {  	_ =	strace s18  }
0x93: {  	s3 =	sld [smem:$0x3FFC];
	_ =	sdelay $0x3  }
0x94: {  	_ =	strace s3  }
0x95: {  	s3 =	sld [smem:$0x3FFD];
	_ =	sdelay $0x3  }
0x96: {  	_ =	strace s3  }
0x97: {  	_ =	strace $0x8FFFFFFF  }
0x98: {  	s19 =	sld [smem:$0x3FDB];
	_ =	sdelay $0x1  }
0x99: {  	s4 =	simm.s32 $_scs_section_size  }
0x9a: {  	s5 =	simm.s32 $_size__tile_overlayer_lowered;
	s6 =	simm.s32 $_tile_overlayer_lowered  }
0x9b: {  	s22 =	simm.s32 $0x1BFF;
	s21 =	sshll.u32 s6, $0x1;
	s3 =	sadd.s32 s4, s19  }
0x9c: {  	s7 =	simm.s32 $0x0;
	s20 =	sshll.u32 s5, $0x1;
	s5 =	sadd.s32 s21, s3  }
0x9d: {  	[timem:s7], [sflag:s22] =	dma.local [hbm:s5], s20  }
0x9e: {  	_ =	swait.ge [sflag:s22], s20  }
0x9f: {  	s4 =	ssub.s32 $0x0, s20;
	[sflag:s22] =	ssyncset.done $0x0  }
0xa0: {  	[sflag:s22] =	ssyncadd.s32 s4;
	_ =	sdelay $0x1  }
0xa1: {  	s23 =	simm.s32 $0x1B8B  }
0xa2: {  	_ =	swait.ge [sflag:s23], $0x1  }
0xa3: {  	[sflag:s23] =	ssyncset.done $0x0  }
0xa4: {  	s25 =	simm.s32 $0x1B8E;
	s24 =	sld [smem:$0x3FFE];
	[sflag:s23] =	ssyncadd.s32 $0xFFFFFFFF  }
0xa5: {  	s26 =	simm.s32 $execute0_lowered;
	[smem:$0x3FD2] =	sst s25  }
0xa6: {  	s5 =	sshll.u32 s26, $0x1;
	_ =	strace $0x80000046;
	[dreg:$0x1] =	wrdreg $0xFFFFFFFF  }
0xa7: {  	s28 =	simm.s32 $_size_execute0_lowered;
	s3 =	sadd.s32 s3, s5;
	[dreg:$0x0] =	wrdreg $0x0  }
0xa8: {  	s5 =	sshll.u32 s28, $0x1;
	[dreg:$0x2] =	wrdreg s3  }
0xa9: {  	[dreg:$0x3] =	wrdreg s5  }
0xaa: {  	[dreg:$0x4] =	wrdreg $0xC0  }
0xab: {  	_ =	task [dreg:s7], $0x5FFFF  }
0xac: {  	[dreg:$0x1] =	wrdreg $0xFFFFFFFF  }
0xad: {  	[dreg:$0x0] =	wrdreg $0x60  }
0xae: {  	[dreg:$0x2] =	wrdreg s24  }
0xaf: {  	[dreg:$0x3] =	wrdreg s2  }
0xb0: {  	[dreg:$0x4] =	wrdreg $0x54000  }
0xb1: {  	[dreg:$0x5] =	wrdreg $0x9  }
0xb2: {  	_ =	task.clear_ibuf [dreg:s7], $0x6FFFF;
	_ =	strace $0x90000046  }
0xb3: {  	s29 =	simm.s32 $0x9;
	_ =	strace $0x80000048  }
0xb4: {  	_ =	swait.ge [sflag:s29], $0x1  }
0xb5: {  	[sflag:s29] =	ssyncadd.s32 $0xFFFFFFFF  }
0xb6: {  	_ =	strace $0x90000048  }
0xb7: {  	_ =	sfence  }
0xb8: {  	s30 =	sld [smem:$0x0];
	_ =	sdelay $0x2  }
0xb9: {  	s31 =	sshll.u32 s1, $0xD;
	s1 =	sshrl.u32 s1, $0x2  }
0xba: {  	s3 =	sand.u32 $0x4000, s31;
	s1 =	sadd.s32 s1, s30  }
0xbb: {  	s0 =	sor.u32 s3, s0;
	s1 =	sshll.u32 s1, $0x11  }
0xbc: {  	s0 =	sor.u32 s1, s0  }
0xbd: {  	s0 =	sadd.s32 $0x8F2B, s0  }
0xbe: {  	[sflag:s0] =	ssyncadd.remote.s32 $0x1  }
0xbf: {  	_ =	sfence.sel $0xFFFF  }
0xc0: {  	[dreg:$0x0] =	wrdreg $0xFFFFFFFF;
	(pc) =	sbr.abs _section_cstart, $3  }
0xc1: {  	[dreg:$0x1] =	wrdreg $0xFFFFFFFF  }
0xc2: {  	_ =	task.clear_ibuf [dreg:s7], $0x2FFFF;
	_ =	strace $0x9FFFFFFF  }
0xc3: {  	(tm) =	ssettm $0x7FFFFFFF  }
tec
execute0_lowered:
.L_overlay_start_1:
0x0: {  	(tag) =	ssettag $0x1  }
0x1: {  	s6 =	rddreg [dreg:$0x0]  }
0x2: {  	s10 =	rddreg [dreg:$0x1]  }
0x3: {  	s1 =	rddreg [dreg:$0x2]  }
0x4: {  	s0 =	rddreg [dreg:$0x3]  }
0x5: {  	s3 =	simm.s32 $0x0;
	s2 =	srdreg.scid;
	s17 =	simm.s32 $0x80  }
0x6: {  	s18 =	simm.s32 $0x0;
	[smem:$0x7FF] =	sst s3;
	s7 =	sand.u32 $0x1, s2  }
0x7: {  	s2 =	stileid.u32;
	s11 =	sadd.s32 $0x2E00, s6;
	s8 =	smul.u32 $0x140000, s7  }
0x8: {  	s4 =	sadd.s32 $0xF600, s6;
	_ =	strace $0x80000047;
	s9 =	smul.u32 $0x14000, s2  }
0x9: {  	s5 =	sshll.u32 s2, $0x1;
	s28 =	smul.u32 $0x50000, s2;
	s15 =	sshll.u32 s2, $0x6  }
0xa: {  	s12 =	sor.u32 s7, s5;
	s5 =	sadd.s32 $0xCE00, s6;
	s7 =	ssub.s32 $0x2, s7  }
0xb: {  	s15 =	sor.u32 $0x1C01, s15;
	s8 =	sadd.s32 s9, s8;
	s26 =	smul.u32 $0x2800, s12  }
0xc: {  	s29 =	sshrl.u32 s7, $0x1;
	s30 =	sshrl.u32 s28, $0x2;
	s8 =	sshrl.u32 s8, $0x3  }
0xd: {  	s14 =	ssub.s32 s7, s29;
	s16 =	sadd.s32 s30, s1;
	s13 =	sadd.s32 s8, s6  }
0xe: {  	s9 =	sshrl.u32 s26, $0x3;
	s12 =	smax.u32 s14, $0x1;
	s14 =	simm.s32 $0x1  }
0xf: {  	s16 =	sshrl.u32 s16, $0x3;
	s31 =	sadd.s32 $0x280, s9;
	s6 =	sadd.s32 s11, s9  }
0x10: {  	s8 =	sadd.s32 $0xFE00, s13;
	s9 =	sadd.s32 s10, s9;
	s7 =	sadd.s32 s11, s31  }
0x11: {  	s10 =	sadd.s32 s10, s31;
	s11 =	sadd.s32 $0x5FE00, s13;
	s13 =	simm.s32 $0x1400  }
.LBB2_1:
0x12: {  	[tilespmem:s13], [sflag:$0x1] =	stream.linear.gather [hbm4b:s4+s3], $0x4000, $0x38;
	[tilespmem:$0x19400] =	vst v63  }
0x13: {  	_ =	swait.ge [sflag:s14], $0x4000  }
0x14: {  	[sflag:s14] =	ssyncset.done $0x0  }
0x15: {  	[sflag:s14] =	ssyncadd.s32 $0xFFFFC000  }
0x16: {  	[spmem:s16], [sflag:s15] =	dma.local [hbm:s5], $0x2800  }
0x17: {  	_ =	swait.ge [sflag:s14], $0x2800  }
0x18: {  	[sflag:s14] =	ssyncset.done $0x0  }
0x19: {  	[sflag:s14] =	ssyncadd.s32 $0xFFFFD800  }
0x1a: {  	[bflag:$0x0] =	sbarrier.arrive $0xFFFF  }
0x1b: {  	[tilespmem:s3], [sflag:$0x1] =	stream.linear.gather [hbm4b:s6+s3], $0x1400, $0x38;
	[tilespmem:$0x19400] =	vst v63  }
0x1c: {  	_ =	swait.ge [sflag:s14], $0x1400  }
0x1d: {  	[sflag:s14] =	ssyncset.done $0x0  }
0x1e: {  	s19 =	simm.s32 $0x0;
	[sflag:s14] =	ssyncadd.s32 $0xFFFFEC00  }
0x1f: {  	[spmem:s1] =	stream.indirect.scatter.add.f32 [tilespmem:s13], [sflag:$0x1], $0x80, s19, s17, $0xb8;
	[tilespmem:$0x19400] =	vst v63  }
0x20: {  	_ =	swait.ge [sflag:s14], $0x4000  }
0x21: {  	s19 =	simm.s32 $0x200;
	[sflag:s14] =	ssyncset.done $0x0  }
.LBB2_2:
0x22: {  	s20 =	sshra.s32 s19, $0x2;
	[sflag:s14] =	ssyncadd.s32 $0xFFFFC000;
	p0 =	sne.s32 s19, $0x4E00  }
0x23: {  	[spmem:s1] =	stream.indirect.scatter.add.f32 [tilespmem:s13], [sflag:$0x1], $0x80, s20, s17, $0xb8;
	[tilespmem:$0x19400] =	vst v63  }
.Ltmp0:
0x24: {  	_ = 	snop;
	(pc) =	sbr.rel @p0 .LBB2_2-.Ltmp0, $4  }
0x25: {  	_ = 	snop  }
0x26: {  	s19 =	sadd.s32 $0x200, s19  }
0x27: {  	_ =	swait.ge [sflag:s14], $0x4000  }
0x28: {  	[sflag:s14] =	ssyncset.done $0x0  }
0x29: {  	[sflag:s14] =	ssyncadd.s32 $0xFFFFC000;
	s19 =	simm.s32 $0x0  }
0x2a: {  	[tilespmem:s19], [sflag:$0x1] =	stream.linear.gather [hbm4b:s7+s19], $0x1400, $0x38;
	[tilespmem:$0x19400] =	vst v63  }
0x2b: {  	_ =	swait.ge [sflag:s14], $0x1400  }
0x2c: {  	[sflag:s14] =	ssyncset.done $0x0  }
0x2d: {  	s31 =	simm.s32 $0x0;
	[sflag:s14] =	ssyncadd.s32 $0xFFFFEC00  }
0x2e: {  	[spmem:s1] =	stream.indirect.scatter.add.f32 [tilespmem:s13], [sflag:$0x1], $0x80, s31, s17, $0xb8;
	[tilespmem:$0x19400] =	vst v63  }
0x2f: {  	_ =	swait.ge [sflag:s14], $0x4000  }
0x30: {  	s19 =	simm.s32 $0x200;
	[sflag:s14] =	ssyncset.done $0x0  }
.LBB2_4:
0x31: {  	s20 =	sshra.s32 s19, $0x2;
	[sflag:s14] =	ssyncadd.s32 $0xFFFFC000;
	p0 =	sne.s32 s19, $0x4E00  }
0x32: {  	[spmem:s1] =	stream.indirect.scatter.add.f32 [tilespmem:s13], [sflag:$0x1], $0x80, s20, s17, $0xb8;
	[tilespmem:$0x19400] =	vst v63  }
.Ltmp1:
0x33: {  	_ = 	snop;
	(pc) =	sbr.rel @p0 .LBB2_4-.Ltmp1, $4  }
0x34: {  	_ = 	snop  }
0x35: {  	s19 =	sadd.s32 $0x200, s19  }
0x36: {  	_ =	swait.ge [sflag:s14], $0x4000  }
0x37: {  	[sflag:s14] =	ssyncset.done $0x0  }
0x38: {  	[sflag:s14] =	ssyncadd.s32 $0xFFFFC000  }
0x39: {  	[bflag:$0x0] =	sbarrier.arrive $0xFFFF  }
0x3a: {  	[hbm:s8], [sflag:s15] =	dma.local [spmem:s16], $0x2800  }
0x3b: {  	_ =	swait.ge [sflag:s14], $0x2800  }
0x3c: {  	[sflag:s14] =	ssyncset.done $0x0  }
0x3d: {  	[sflag:s14] =	ssyncadd.s32 $0xFFFFD800  }
0x3e: {  	[bflag:$0x0] =	sbarrier.arrive $0xFFFF  }
0x3f: {  	[spmem:s16], [sflag:s15] =	dma.local [hbm:s5], $0x2800  }
0x40: {  	_ =	swait.ge [sflag:s14], $0x2800  }
0x41: {  	[sflag:s14] =	ssyncset.done $0x0  }
0x42: {  	[sflag:s14] =	ssyncadd.s32 $0xFFFFD800  }
0x43: {  	s19 =	simm.s32 $0x0;
	[bflag:$0x0] =	sbarrier.arrive $0xFFFF  }
0x44: {  	[tilespmem:s19], [sflag:$0x1] =	stream.linear.gather [hbm4b:s9+s19], $0x1400, $0x38;
	[tilespmem:$0x19400] =	vst v63  }
0x45: {  	_ =	swait.ge [sflag:s14], $0x1400  }
0x46: {  	[sflag:s14] =	ssyncset.done $0x0  }
0x47: {  	s31 =	simm.s32 $0x0;
	[sflag:s14] =	ssyncadd.s32 $0xFFFFEC00  }
0x48: {  	[spmem:s1] =	stream.indirect.scatter.add.f32 [tilespmem:s13], [sflag:$0x1], $0x80, s31, s17, $0xb8;
	[tilespmem:$0x19400] =	vst v63  }
0x49: {  	_ =	swait.ge [sflag:s14], $0x4000  }
0x4a: {  	s19 =	simm.s32 $0x200;
	[sflag:s14] =	ssyncset.done $0x0  }
.LBB2_6:
0x4b: {  	s20 =	sshra.s32 s19, $0x2;
	[sflag:s14] =	ssyncadd.s32 $0xFFFFC000;
	p0 =	sne.s32 s19, $0x4E00  }
0x4c: {  	[spmem:s1] =	stream.indirect.scatter.add.f32 [tilespmem:s13], [sflag:$0x1], $0x80, s20, s17, $0xb8;
	[tilespmem:$0x19400] =	vst v63  }
.Ltmp2:
0x4d: {  	_ = 	snop;
	(pc) =	sbr.rel @p0 .LBB2_6-.Ltmp2, $4  }
0x4e: {  	_ = 	snop  }
0x4f: {  	s19 =	sadd.s32 $0x200, s19  }
0x50: {  	_ =	swait.ge [sflag:s14], $0x4000  }
0x51: {  	[sflag:s14] =	ssyncset.done $0x0  }
0x52: {  	[sflag:s14] =	ssyncadd.s32 $0xFFFFC000;
	s19 =	simm.s32 $0x0  }
0x53: {  	[tilespmem:s19], [sflag:$0x1] =	stream.linear.gather [hbm4b:s10+s19], $0x1400, $0x38;
	[tilespmem:$0x19400] =	vst v63  }
0x54: {  	_ =	swait.ge [sflag:s14], $0x1400  }
0x55: {  	[sflag:s14] =	ssyncset.done $0x0  }
0x56: {  	s31 =	simm.s32 $0x0;
	[sflag:s14] =	ssyncadd.s32 $0xFFFFEC00  }
0x57: {  	[spmem:s1] =	stream.indirect.scatter.add.f32 [tilespmem:s13], [sflag:$0x1], $0x80, s31, s17, $0xb8;
	[tilespmem:$0x19400] =	vst v63  }
0x58: {  	_ =	swait.ge [sflag:s14], $0x4000  }
0x59: {  	s19 =	simm.s32 $0x200;
	[sflag:s14] =	ssyncset.done $0x0  }
.LBB2_8:
0x5a: {  	s20 =	sshra.s32 s19, $0x2;
	[sflag:s14] =	ssyncadd.s32 $0xFFFFC000;
	p0 =	sne.s32 s19, $0x4E00  }
0x5b: {  	[spmem:s1] =	stream.indirect.scatter.add.f32 [tilespmem:s13], [sflag:$0x1], $0x80, s20, s17, $0xb8;
	[tilespmem:$0x19400] =	vst v63  }
.Ltmp3:
0x5c: {  	_ = 	snop;
	(pc) =	sbr.rel @p0 .LBB2_8-.Ltmp3, $4  }
0x5d: {  	_ = 	snop  }
0x5e: {  	s19 =	sadd.s32 $0x200, s19  }
0x5f: {  	_ =	swait.ge [sflag:s14], $0x4000  }
0x60: {  	[sflag:s14] =	ssyncset.done $0x0  }
0x61: {  	[sflag:s14] =	ssyncadd.s32 $0xFFFFC000;
	s18 =	sadd.s32 $0x1, s18  }
0x62: {  	[bflag:$0x0] =	sbarrier.arrive $0xFFFF;
	p0 =	sne.s32 s18, s12  }
0x63: {  	[hbm:s11], [sflag:s15] =	dma.local [spmem:s16], $0x2800  }
.Ltmp4:
0x64: {  	_ =	swait.ge [sflag:s14], $0x2800;
	(pc) =	sbr.rel @p0 .LBB2_1-.Ltmp4, $3  }
0x65: {  	[sflag:s14] =	ssyncset.done $0x0  }
0x66: {  	[sflag:s14] =	ssyncadd.s32 $0xFFFFD800  }
0x67: {  	[bflag:$0x0] =	sbarrier.arrive $0xFFFF;
	_ =	sdelay $0x1  }
0x68: {  	_ =	sfence.sel $0x180000  }
0x69: {  	[bflag:$0x0] =	sbarrier.arrive $0xFFFF  }
0x6a: {  	p0 =	sne.s32 s2, $0x0;
	_ =	strace $0x90000047  }
0x6b: {  	s0 =	sadd.s32 @!p0 $0x100000, s0;
	[bflag:$0x2] =	sbarrier.arrive $0xFFFF  }
0x6c: {  	[sflag:s0] =	ssyncadd.tile.s32 @!p0 $0x1;
	_ =	shalt  }
.Lfunc_end2:
_tile_overlayer_lowered:
.L_overlay_start_2:
0x6d: {  	(tag) =	ssettag $0x2  }
0x6e: {  	s0 =	rddreg [dreg:$0x0];
	s2 =	stileid.u32  }
0x6f: {  	s1 =	rddreg [dreg:$0x1];
	p0 =	sne.s32 s2, $0x0  }
0x70: {  	s3 =	rddreg [dreg:$0x2];
	[bflag:$0x3] =	sbarrier.arrive $0xFFFF;
	s2 =	simm.s32 @!p0 $0x1C01  }
0x71: {  	[timem:s3], [sflag:s2] =	dma.local @!p0 [hbm:s0], s1  }
0x72: {  	s0 =	simm.s32 @!p0 $0x1  }
0x73: {  	_ =	swait.ge @!p0 [sflag:s0], s1  }
0x74: {  	s1 =	ssub.s32 @!p0 $0x0, s1;
	[sflag:s0] =	ssyncset.done @!p0 $0x0  }
0x75: {  	[sflag:s0] =	ssyncadd.s32 @!p0 s1  }
0x76: {  	[bflag:$0x3] =	sbarrier.arrive $0xFFFF  }
0x77: {  	_ =	shalt  }

// kernel: kernel.14.cloned.1.call-start
scs
__scs_entry_jumppad:
0x0: {  	(pc) =	sbr.rel $0x88, $3  }
0x1: {  	(tag) =	ssettag $0x0;
	lr =	simm.s32 $0x1  }
0x2: {  	[smem:$0x3F99] =	sst lr;
	_ =	strace $0xD0000000  }
0x3: {  	_ = 	snop  }
0x4: {  	_ = 	snop  }
0x5: {  	_ = 	snop  }
0x6: {  	_ = 	snop  }
0x7: {  	_ = 	snop  }
__scs_overlays_trampoline_lowered:
0x8: {  	[smem:$0x3FA8] =	sst s0  }
0x9: {  	[smem:$0x3FA9] =	sst s1  }
0xa: {  	[smem:$0x3FAA] =	sst s2  }
0xb: {  	[smem:$0x3FAB] =	sst s3  }
0xc: {  	[smem:$0x3FAC] =	sst s4  }
0xd: {  	[smem:$0x3FAD] =	sst s5  }
0xe: {  	[smem:$0x3FAE] =	sst s6  }
0xf: {  	[smem:$0x3FAF] =	sst s7  }
0x10: {  	[smem:$0x3FB0] =	sst s8  }
0x11: {  	[smem:$0x3FB1] =	sst s9;
	s0 =	simm.s32 @!p0 $0x0  }
0x12: {  	s1 =	sld [smem:$0x3F97];
	s0 =	simm.s32 @p0 $0x1  }
0x13: {  	[smem:$0x3FB2] =	sst s0;
	s0 =	simm.s32 @!p1 $0x0  }
0x14: {  	s2 =	sld [smem:$0x3F96];
	s0 =	simm.s32 @p1 $0x1  }
0x15: {  	[smem:$0x3FB3] =	sst s0;
	s0 =	simm.s32 @!p2 $0x0  }
0x16: {  	s3 =	sld [smem:$0x3FDB];
	s0 =	simm.s32 @p2 $0x1  }
0x17: {  	s4 =	simm.s32 $0x1BF5;
	[smem:$0x3FB5] =	sst s0  }
0x18: {  	s0 =	sld [smem:$0x3F98];
	_ =	swait.ge [sflag:s4], $0x0  }
0x19: {  	s7 =	sld [smem:$0x3F99]  }
0x1a: {  	s8 =	sadd.s32 $0xFFFFE003, lr  }
0x1b: {  	s9 =	sadd.s32 $0xFFFFFEF7, lr;
	s5 =	simm.s32 $0xFFFFFFFF;
	p2 =	slt.u32 s8, $0xFFFFF086  }
0x1c: {  	p1 =	slt.u32 s9, $0xF7A;
	s5 =	simm.s32 @!p2 $0x0  }
0x1d: {  	s5 =	simm.s32 @p1 $0x1;
	p0 =	seq.s32 s7, s2  }
0x1e: {  	s7 =	smul.u32 @!p0 $0xF7A, s2;
	p2 =	seq.s32 @!p0 s5, $0x0  }
0x1f: {  	s9 =	smul.u32 $0xF7A, s1;
	s8 =	simm.s32 @!p0 $0x1BF5;
	p2 =	por !p2, p0  }
0x20: {  	[sflag:s8] =	ssyncset.s32 @!p0 $0xFFFFF086;
	s6 =	sadd.s32 @!p0 s3, s7;
	s7 =	simm.s32 @!p0 $0x108  }
0x21: {  	s3 =	sadd.s32 s3, s9;
	s6 =	sadd.s32 @!p0 $0x88, s6;
	s7 =	simm.s32 @p2 $0x1082  }
0x22: {  	[simem:s7], [sflag:s8] =	dma.local @!p0 [hbm:s6], $0xF7A  }
0x23: {  	s9 =	sor.u32 $0xD0000000, s2;
	s6 =	simm.s32 $0x108;
	_ =	swait.ge @!p0 [sflag:s8], $0x0  }
0x24: {  	s3 =	sadd.s32 $0x88, s3;
	s6 =	simm.s32 @!p1 $0x1082;
	[sflag:s4] =	ssyncset.s32 $0xFFFFF086  }
0x25: {  	[simem:s6], [sflag:s4] =	dma.local [hbm:s3], $0xF7A  }
0x26: {  	[smem:$0x3F99] =	sst s1;
	(tag) =	ssettag s2;
	_ =	strace s9  }
0x27: {  	s1 =	sld [smem:$0x3FA9]  }
0x28: {  	s2 =	sld [smem:$0x3FAA]  }
0x29: {  	s4 =	sld [smem:$0x3FAC]  }
0x2a: {  	p0 =	seq.s32 s5, $0x0;
	s5 =	sld [smem:$0x3FAD]  }
0x2b: {  	s6 =	sld [smem:$0x3FAE]  }
0x2c: {  	s7 =	sld [smem:$0x3FAF]  }
0x2d: {  	s3 =	simm.s32 $0x108;
	s8 =	sld [smem:$0x3FB0]  }
0x2e: {  	s3 =	simm.s32 @!p0 $0x1082;
	s9 =	sld [smem:$0x3FB1]  }
0x2f: {  	lr =	sadd.s32 s0, s3;
	s0 =	sld [smem:$0x3FA8]  }
0x30: {  	s3 =	sld [smem:$0x3FAB]  }
0x31: {  	[smem:$0x3FB4] =	sst s10  }
0x32: {  	s10 =	sld [smem:$0x3FB2];
	_ =	sdelay $0x3  }
0x33: {  	p0 =	seq.s32 s10, $0x1;
	s10 =	sld [smem:$0x3FB4];
	_ =	sdelay $0x3  }
0x34: {  	[smem:$0x3FB4] =	sst s10  }
0x35: {  	s10 =	sld [smem:$0x3FB3];
	_ =	sdelay $0x3  }
0x36: {  	p1 =	seq.s32 s10, $0x1;
	s10 =	sld [smem:$0x3FB4];
	_ =	sdelay $0x3  }
0x37: {  	[smem:$0x3FB4] =	sst s10  }
0x38: {  	s10 =	sld [smem:$0x3FB5]  }
0x39: {  	_ = 	snop;
	(pc) =	sbr.ind lr, $3  }
0x3a: {  	_ = 	snop  }
0x3b: {  	_ = 	snop  }
0x3c: {  	p2 =	seq.s32 s10, $0x1;
	s10 =	sld [smem:$0x3FB4]  }
0x3d: {  	_ =	shalt  }
0x3e: {  	_ =	shalt  }
0x3f: {  	_ =	shalt  }
0x40: {  	_ =	shalt  }
0x41: {  	_ =	shalt  }
0x42: {  	_ =	shalt  }
0x43: {  	_ =	shalt  }
0x44: {  	_ =	shalt  }
0x45: {  	_ =	shalt  }
0x46: {  	_ =	shalt  }
0x47: {  	_ =	shalt  }
0x48: {  	_ =	shalt  }
0x49: {  	_ =	shalt  }
0x4a: {  	_ =	shalt  }
0x4b: {  	_ =	shalt  }
0x4c: {  	_ =	shalt  }
0x4d: {  	_ =	shalt  }
0x4e: {  	_ =	shalt  }
0x4f: {  	_ =	shalt  }
0x50: {  	_ =	shalt  }
0x51: {  	_ =	shalt  }
0x52: {  	_ =	shalt  }
0x53: {  	_ =	shalt  }
0x54: {  	_ =	shalt  }
0x55: {  	_ =	shalt  }
0x56: {  	_ =	shalt  }
0x57: {  	_ =	shalt  }
0x58: {  	_ =	shalt  }
0x59: {  	_ =	shalt  }
0x5a: {  	_ =	shalt  }
0x5b: {  	_ =	shalt  }
0x5c: {  	_ =	shalt  }
0x5d: {  	_ =	shalt  }
0x5e: {  	_ =	shalt  }
0x5f: {  	_ =	shalt  }
0x60: {  	_ =	shalt  }
0x61: {  	_ =	shalt  }
0x62: {  	_ =	shalt  }
0x63: {  	_ =	shalt  }
0x64: {  	_ =	shalt  }
0x65: {  	_ =	shalt  }
0x66: {  	_ =	shalt  }
0x67: {  	_ =	shalt  }
0x68: {  	_ =	shalt  }
0x69: {  	_ =	shalt  }
0x6a: {  	_ =	shalt  }
0x6b: {  	_ =	shalt  }
0x6c: {  	_ =	shalt  }
0x6d: {  	_ =	shalt  }
0x6e: {  	_ =	shalt  }
0x6f: {  	_ =	shalt  }
0x70: {  	_ =	shalt  }
0x71: {  	_ =	shalt  }
0x72: {  	_ =	shalt  }
0x73: {  	_ =	shalt  }
0x74: {  	_ =	shalt  }
0x75: {  	_ =	shalt  }
0x76: {  	_ =	shalt  }
0x77: {  	_ =	shalt  }
0x78: {  	_ =	shalt  }
0x79: {  	_ =	shalt  }
0x7a: {  	_ =	shalt  }
0x7b: {  	_ =	shalt  }
0x7c: {  	_ =	shalt  }
0x7d: {  	_ =	shalt  }
0x7e: {  	_ =	shalt  }
0x7f: {  	_ =	shalt  }
0x80: {  	_ =	shalt  }
0x81: {  	_ =	shalt  }
0x82: {  	_ =	shalt  }
0x83: {  	_ =	shalt  }
0x84: {  	_ =	shalt  }
0x85: {  	_ =	shalt  }
0x86: {  	_ =	shalt  }
0x87: {  	_ =	shalt  }
.Lfunc_end0:
.L_simem_size_0:
called_computation.1_lowered:
.L_overlay_start_0:
0x88: {  	s2 =	sld [smem:$0x3FD9]  }
0x89: {  	s3 =	sld [smem:$0x3FFE];
	_ =	sdelay $0x1  }
0x8a: {  	s1 =	srdreg.scid  }
0x8b: {  	s0 =	sand.u32 $0x1, s1  }
0x8c: {  	s17 =	sshll.u32 s0, $0xA;
	s2 =	sadd.s32 s3, s2  }
0x8d: {  	s2 =	sadd.s32 s2, s17  }
0x8e: {  	[smem:$0x3FC0] =	sst s2  }
0x8f: {  	_ = 	snop  }
0x90: {  	s2 =	sld [smem:$0x3FD0];
	(tm) =	ssettm $0x1  }
0x91: {  	s18 =	sld [smem:$0x3FFB];
	_ =	sdelay $0x3  }
0x92: {  	_ =	strace s18  }
0x93: {  	s3 =	sld [smem:$0x3FFC];
	_ =	sdelay $0x3  }
0x94: {  	_ =	strace s3  }
0x95: {  	s3 =	sld [smem:$0x3FFD];
	_ =	sdelay $0x3  }
0x96: {  	_ =	strace s3  }
0x97: {  	_ =	strace $0x8FFFFFFF  }
0x98: {  	s19 =	sld [smem:$0x3FDB];
	_ =	sdelay $0x1  }
0x99: {  	s4 =	simm.s32 $_scs_section_size  }
0x9a: {  	s5 =	simm.s32 $_size__tile_overlayer_lowered;
	s6 =	simm.s32 $_tile_overlayer_lowered  }
0x9b: {  	s22 =	simm.s32 $0x1BFF;
	s21 =	sshll.u32 s6, $0x1;
	s3 =	sadd.s32 s4, s19  }
0x9c: {  	s7 =	simm.s32 $0x0;
	s20 =	sshll.u32 s5, $0x1;
	s5 =	sadd.s32 s21, s3  }
0x9d: {  	[timem:s7], [sflag:s22] =	dma.local [hbm:s5], s20  }
0x9e: {  	_ =	swait.ge [sflag:s22], s20  }
0x9f: {  	s4 =	ssub.s32 $0x0, s20;
	[sflag:s22] =	ssyncset.done $0x0  }
0xa0: {  	[sflag:s22] =	ssyncadd.s32 s4;
	_ =	sdelay $0x1  }
0xa1: {  	s23 =	simm.s32 $0x1B8B  }
0xa2: {  	_ =	swait.ge [sflag:s23], $0x1  }
0xa3: {  	[sflag:s23] =	ssyncset.done $0x0  }
0xa4: {  	s25 =	simm.s32 $0x1B8E;
	s24 =	sld [smem:$0x3FFE];
	[sflag:s23] =	ssyncadd.s32 $0xFFFFFFFF  }
0xa5: {  	s26 =	simm.s32 $execute0_lowered;
	[smem:$0x3FD2] =	sst s25  }
0xa6: {  	s5 =	sshll.u32 s26, $0x1;
	_ =	strace $0x80000049;
	[dreg:$0x1] =	wrdreg $0xFFFFFFFF  }
0xa7: {  	s28 =	simm.s32 $_size_execute0_lowered;
	s3 =	sadd.s32 s3, s5;
	[dreg:$0x0] =	wrdreg $0x0  }
0xa8: {  	s5 =	sshll.u32 s28, $0x1;
	[dreg:$0x2] =	wrdreg s3  }
0xa9: {  	[dreg:$0x3] =	wrdreg s5  }
0xaa: {  	[dreg:$0x4] =	wrdreg $0xC0  }
0xab: {  	_ =	task [dreg:s7], $0x5FFFF  }
0xac: {  	[dreg:$0x1] =	wrdreg $0xFFFFFFFF  }
0xad: {  	[dreg:$0x0] =	wrdreg $0x60  }
0xae: {  	[dreg:$0x2] =	wrdreg s24  }
0xaf: {  	[dreg:$0x3] =	wrdreg s2  }
0xb0: {  	[dreg:$0x4] =	wrdreg $0xA8000  }
0xb1: {  	[dreg:$0x5] =	wrdreg $0x9  }
0xb2: {  	_ =	task.clear_ibuf [dreg:s7], $0x6FFFF;
	_ =	strace $0x90000049  }
0xb3: {  	s29 =	simm.s32 $0x9;
	_ =	strace $0x8000004B  }
0xb4: {  	_ =	swait.ge [sflag:s29], $0x1  }
0xb5: {  	[sflag:s29] =	ssyncadd.s32 $0xFFFFFFFF  }
0xb6: {  	_ =	strace $0x9000004B  }
0xb7: {  	_ =	sfence  }
0xb8: {  	s30 =	sld [smem:$0x0];
	_ =	sdelay $0x2  }
0xb9: {  	s31 =	sshll.u32 s1, $0xD;
	s1 =	sshrl.u32 s1, $0x2  }
0xba: {  	s3 =	sand.u32 $0x4000, s31;
	s1 =	sadd.s32 s1, s30  }
0xbb: {  	s0 =	sor.u32 s3, s0;
	s1 =	sshll.u32 s1, $0x11  }
0xbc: {  	s0 =	sor.u32 s1, s0  }
0xbd: {  	s0 =	sadd.s32 $0x8F2B, s0  }
0xbe: {  	[sflag:s0] =	ssyncadd.remote.s32 $0x1  }
0xbf: {  	_ =	sfence.sel $0xFFFF  }
0xc0: {  	[dreg:$0x0] =	wrdreg $0xFFFFFFFF;
	(pc) =	sbr.abs _section_cstart, $3  }
0xc1: {  	[dreg:$0x1] =	wrdreg $0xFFFFFFFF  }
0xc2: {  	_ =	task.clear_ibuf [dreg:s7], $0x2FFFF;
	_ =	strace $0x9FFFFFFF  }
0xc3: {  	(tm) =	ssettm $0x7FFFFFFF  }
tec
execute0_lowered:
.L_overlay_start_1:
0x0: {  	(tag) =	ssettag $0x1  }
0x1: {  	s6 =	rddreg [dreg:$0x0]  }
0x2: {  	s10 =	rddreg [dreg:$0x1]  }
0x3: {  	s1 =	rddreg [dreg:$0x2];
	s2 =	srdreg.scid  }
0x4: {  	s0 =	rddreg [dreg:$0x3];
	s3 =	simm.s32 $0x0;
	s15 =	simm.s32 $0x1400  }
0x5: {  	s16 =	simm.s32 $0x80;
	s17 =	simm.s32 $0x2800;
	s18 =	simm.s32 $0x6800  }
0x6: {  	s19 =	simm.s32 $0x1;
	s20 =	simm.s32 $0x2;
	s21 =	simm.s32 $0x2600  }
0x7: {  	s22 =	simm.s32 $0x1300;
	s5 =	sand.u32 $0x1, s2;
	s2 =	stileid.u32  }
0x8: {  	s28 =	simm.s32 $0x0;
	[smem:$0x7FF] =	sst s3;
	s7 =	smul.u32 $0x140000, s5  }
0x9: {  	s4 =	sadd.s32 $0xF600, s6;
	s9 =	sadd.s32 $0x2E00, s6;
	s8 =	smul.u32 $0x14000, s2  }
0xa: {  	_ =	strace $0x8000004A;
	s23 =	sshll.u32 s2, $0x1;
	s11 =	ssub.s32 $0x2, s5  }
0xb: {  	s24 =	smul.u32 $0x50000, s2;
	s26 =	sshll.u32 s2, $0x6;
	s5 =	sor.u32 s5, s23  }
0xc: {  	s12 =	sshrl.u32 s11, $0x1;
	s23 =	simm.s32 $0x2680;
	s7 =	sadd.s32 s8, s7  }
0xd: {  	s13 =	smul.u32 $0x2800, s5;
	s5 =	sadd.s32 $0xCE00, s6;
	s12 =	ssub.s32 s11, s12  }
0xe: {  	s25 =	sshrl.u32 s24, $0x2;
	s24 =	simm.s32 $0x1380;
	s7 =	sshrl.u32 s7, $0x3  }
0xf: {  	s30 =	sadd.s32 s25, s1;
	s12 =	smax.u32 s12, $0x1;
	s25 =	simm.s32 $0x2700  }
0x10: {  	s14 =	sadd.s32 s7, s6;
	s29 =	sshrl.u32 s13, $0x3;
	s6 =	sor.u32 $0x1C03, s26  }
0x11: {  	s13 =	sshrl.u32 s30, $0x3;
	s26 =	simm.s32 $0x2780;
	s31 =	sadd.s32 $0x280, s29  }
0x12: {  	s7 =	sadd.s32 s9, s29;
	s8 =	sadd.s32 s10, s29;
	s11 =	sadd.s32 $0x37600, s14  }
0x13: {  	s14 =	simm.s32 $0x3;
	s9 =	sadd.s32 s9, s31;
	s10 =	sadd.s32 s10, s31  }
.LBB2_1:
0x14: {  	[spmem:s13], [sflag:s6] =	dma.local [hbm:s5], $0x2800  }
0x15: {  	_ =	swait.ge [sflag:s14], $0x2800  }
0x16: {  	[sflag:s14] =	ssyncset.done $0x0  }
0x17: {  	[sflag:s14] =	ssyncadd.s32 $0xFFFFD800  }
0x18: {  	[bflag:$0x0] =	sbarrier.arrive $0xFFFF  }
0x19: {  	[tilespmem:s3], [sflag:$0x3] =	stream.linear.gather [hbm4b:s7+s3], $0x1400, $0x38;
	[tilespmem:$0x1E800] =	vst v63  }
0x1a: {  	_ =	swait.ge [sflag:s14], $0x1400  }
0x1b: {  	[sflag:s14] =	ssyncset.done $0x0  }
0x1c: {  	[sflag:s14] =	ssyncadd.s32 $0xFFFFEC00  }
0x1d: {  	[tilespmem:s15], [sflag:$0x3] =	stream.linear.gather [hbm4b:s8+s3], $0x1400, $0x38;
	[tilespmem:$0x1E800] =	vst v63  }
0x1e: {  	_ =	swait.ge [sflag:s14], $0x1400  }
0x1f: {  	[sflag:s14] =	ssyncset.done $0x0  }
0x20: {  	[sflag:s14] =	ssyncadd.s32 $0xFFFFEC00  }
0x21: {  	[tilespmem:s17], [sflag:$0x1] =	stream.indirect.gather [hbm4b:s4+s16], $0x80, s3, s16, $0xb8;
	[tilespmem:$0x1E800] =	vst v63  }
0x22: {  	_ = 	snop  }
0x23: {  	[tilespmem:s18], [sflag:$0x2] =	stream.indirect.gather [hbm4b:s4+s16], $0x80, s16, s16, $0xb8;
	[tilespmem:$0x1E800] =	vst v63  }
0x24: {  	_ =	swait.ge [sflag:s19], $0x4000  }
0x25: {  	[sflag:s19] =	ssyncset.done $0x0  }
0x26: {  	s29 =	simm.s32 $0x1400;
	[sflag:s19] =	ssyncadd.s32 $0xFFFFC000  }
0x27: {  	[spmem:s1] =	stream.indirect.scatter.add.f32 [tilespmem:s17], [sflag:$0x3], $0x80, s29, s16, $0xb8;
	[tilespmem:$0x1E800] =	vst v63  }
0x28: {  	_ =	swait.ge [sflag:s14], $0x4000  }
0x29: {  	[sflag:s14] =	ssyncset.done $0x0  }
0x2a: {  	s29 =	simm.s32 $0x100;
	[sflag:s14] =	ssyncadd.s32 $0xFFFFC000  }
0x2b: {  	[tilespmem:s17], [sflag:$0x1] =	stream.indirect.gather [hbm4b:s4+s16], $0x80, s29, s16, $0xb8;
	[tilespmem:$0x1E800] =	vst v63  }
0x2c: {  	_ =	swait.ge [sflag:s20], $0x4000  }
0x2d: {  	[sflag:s20] =	ssyncset.done $0x0  }
0x2e: {  	s29 =	simm.s32 $0x1480;
	[sflag:s20] =	ssyncadd.s32 $0xFFFFC000  }
0x2f: {  	[spmem:s1] =	stream.indirect.scatter.add.f32 [tilespmem:s18], [sflag:$0x3], $0x80, s29, s16, $0xb8;
	[tilespmem:$0x1E800] =	vst v63  }
0x30: {  	_ =	swait.ge [sflag:s14], $0x4000  }
0x31: {  	[sflag:s14] =	ssyncset.done $0x0  }
0x32: {  	s30 =	simm.s32 $0x180;
	s29 =	simm.s32 $0x400;
	[sflag:s14] =	ssyncadd.s32 $0xFFFFC000  }
.LBB2_2:
0x33: {  	[tilespmem:s18], [sflag:$0x2] =	stream.indirect.gather [hbm4b:s4+s16], $0x80, s30, s16, $0xb8;
	[tilespmem:$0x1E800] =	vst v63  }
0x34: {  	s30 =	smov.u32 s29  }
0x35: {  	p0 =	sne.s32 s29, $0x4400;
	s29 =	sadd.s32 $0x400, s29;
	_ =	swait.ge [sflag:s19], $0x4000  }
0x36: {  	s30 =	sshra.s32 s30, $0x2;
	[sflag:s19] =	ssyncset.done $0x0  }
0x37: {  	s31 =	sadd.s32 $0x1400, s30;
	[sflag:s19] =	ssyncadd.s32 $0xFFFFC000  }
0x38: {  	[spmem:s1] =	stream.indirect.scatter.add.f32 [tilespmem:s17], [sflag:$0x3], $0x80, s31, s16, $0xb8;
	[tilespmem:$0x1E800] =	vst v63  }
0x39: {  	_ =	swait.ge [sflag:s14], $0x4000  }
0x3a: {  	[sflag:s14] =	ssyncset.done $0x0  }
0x3b: {  	s31 =	sadd.s32 $0x100, s30;
	[sflag:s14] =	ssyncadd.s32 $0xFFFFC000  }
0x3c: {  	[tilespmem:s17], [sflag:$0x1] =	stream.indirect.gather [hbm4b:s4+s16], $0x80, s31, s16, $0xb8;
	[tilespmem:$0x1E800] =	vst v63  }
0x3d: {  	_ =	swait.ge [sflag:s20], $0x4000  }
0x3e: {  	[sflag:s20] =	ssyncset.done $0x0  }
.Ltmp0:
0x3f: {  	s31 =	sadd.s32 $0x1480, s30;
	[sflag:s20] =	ssyncadd.s32 $0xFFFFC000;
	(pc) =	sbr.rel @p0 .LBB2_2-.Ltmp0, $4  }
0x40: {  	[spmem:s1] =	stream.indirect.scatter.add.f32 [tilespmem:s18], [sflag:$0x3], $0x80, s31, s16, $0xb8;
	[tilespmem:$0x1E800] =	vst v63  }
0x41: {  	_ =	swait.ge [sflag:s14], $0x4000  }
0x42: {  	[sflag:s14] =	ssyncset.done $0x0  }
0x43: {  	s30 =	sadd.s32 $0x180, s30;
	[sflag:s14] =	ssyncadd.s32 $0xFFFFC000  }
0x44: {  	[tilespmem:s18], [sflag:$0x2] =	stream.indirect.gather [hbm4b:s4+s16], $0x80, s30, s16, $0xb8;
	[tilespmem:$0x1E800] =	vst v63  }
0x45: {  	_ =	swait.ge [sflag:s19], $0x4000  }
0x46: {  	[sflag:s19] =	ssyncset.done $0x0  }
0x47: {  	[sflag:s19] =	ssyncadd.s32 $0xFFFFC000  }
0x48: {  	[spmem:s1] =	stream.indirect.scatter.add.f32 [tilespmem:s17], [sflag:$0x3], $0x80, s21, s16, $0xb8;
	[tilespmem:$0x1E800] =	vst v63  }
0x49: {  	_ =	swait.ge [sflag:s14], $0x4000  }
0x4a: {  	[sflag:s14] =	ssyncset.done $0x0  }
0x4b: {  	[sflag:s14] =	ssyncadd.s32 $0xFFFFC000  }
0x4c: {  	[tilespmem:s17], [sflag:$0x1] =	stream.indirect.gather [hbm4b:s4+s16], $0x80, s22, s16, $0xb8;
	[tilespmem:$0x1E800] =	vst v63  }
0x4d: {  	_ =	swait.ge [sflag:s20], $0x4000  }
0x4e: {  	[sflag:s20] =	ssyncset.done $0x0  }
0x4f: {  	[sflag:s20] =	ssyncadd.s32 $0xFFFFC000  }
0x50: {  	[spmem:s1] =	stream.indirect.scatter.add.f32 [tilespmem:s18], [sflag:$0x3], $0x80, s23, s16, $0xb8;
	[tilespmem:$0x1E800] =	vst v63  }
0x51: {  	_ =	swait.ge [sflag:s14], $0x4000  }
0x52: {  	[sflag:s14] =	ssyncset.done $0x0  }
0x53: {  	[sflag:s14] =	ssyncadd.s32 $0xFFFFC000  }
0x54: {  	[tilespmem:s18], [sflag:$0x2] =	stream.indirect.gather [hbm4b:s4+s16], $0x80, s24, s16, $0xb8;
	[tilespmem:$0x1E800] =	vst v63  }
0x55: {  	_ =	swait.ge [sflag:s19], $0x4000  }
0x56: {  	[sflag:s19] =	ssyncset.done $0x0  }
0x57: {  	[sflag:s19] =	ssyncadd.s32 $0xFFFFC000  }
0x58: {  	[spmem:s1] =	stream.indirect.scatter.add.f32 [tilespmem:s17], [sflag:$0x3], $0x80, s25, s16, $0xb8;
	[tilespmem:$0x1E800] =	vst v63  }
0x59: {  	_ =	swait.ge [sflag:s14], $0x4000  }
0x5a: {  	[sflag:s14] =	ssyncset.done $0x0  }
0x5b: {  	[sflag:s14] =	ssyncadd.s32 $0xFFFFC000  }
0x5c: {  	[tilespmem:s17], [sflag:$0x1] =	stream.indirect.gather [hbm4b:s4+s16], $0x80, s24, s16, $0xb8;
	[tilespmem:$0x1E800] =	vst v63  }
0x5d: {  	_ =	swait.ge [sflag:s20], $0x4000  }
0x5e: {  	[sflag:s20] =	ssyncset.done $0x0  }
0x5f: {  	[sflag:s20] =	ssyncadd.s32 $0xFFFFC000  }
0x60: {  	[spmem:s1] =	stream.indirect.scatter.add.f32 [tilespmem:s18], [sflag:$0x3], $0x80, s26, s16, $0xb8;
	[tilespmem:$0x1E800] =	vst v63  }
0x61: {  	_ =	swait.ge [sflag:s14], $0x4000  }
0x62: {  	[sflag:s14] =	ssyncset.done $0x0  }
0x63: {  	[sflag:s14] =	ssyncadd.s32 $0xFFFFC000  }
0x64: {  	[tilespmem:s18], [sflag:$0x2] =	stream.indirect.gather [hbm4b:s4+s16], $0x80, s24, s16, $0xb8;
	[tilespmem:$0x1E800] =	vst v63  }
0x65: {  	_ =	swait.ge [sflag:s19], $0x4000  }
0x66: {  	[sflag:s19] =	ssyncset.done $0x0  }
0x67: {  	[sflag:s19] =	ssyncadd.s32 $0xFFFFC000  }
0x68: {  	_ =	swait.ge [sflag:s20], $0x4000  }
0x69: {  	[sflag:s20] =	ssyncset.done $0x0  }
0x6a: {  	s29 =	simm.s32 $0x0;
	[sflag:s20] =	ssyncadd.s32 $0xFFFFC000  }
0x6b: {  	[tilespmem:s29], [sflag:$0x3] =	stream.linear.gather [hbm4b:s9+s29], $0x1400, $0x38;
	[tilespmem:$0x1E800] =	vst v63  }
0x6c: {  	_ =	swait.ge [sflag:s14], $0x1400  }
0x6d: {  	[sflag:s14] =	ssyncset.done $0x0  }
0x6e: {  	[sflag:s14] =	ssyncadd.s32 $0xFFFFEC00  }
0x6f: {  	[tilespmem:s15], [sflag:$0x3] =	stream.linear.gather [hbm4b:s10+s29], $0x1400, $0x38;
	[tilespmem:$0x1E800] =	vst v63  }
0x70: {  	_ =	swait.ge [sflag:s14], $0x1400  }
0x71: {  	[sflag:s14] =	ssyncset.done $0x0  }
0x72: {  	[sflag:s14] =	ssyncadd.s32 $0xFFFFEC00  }
0x73: {  	[tilespmem:s17], [sflag:$0x1] =	stream.indirect.gather [hbm4b:s4+s16], $0x80, s29, s16, $0xb8;
	[tilespmem:$0x1E800] =	vst v63  }
0x74: {  	_ = 	snop  }
0x75: {  	[tilespmem:s18], [sflag:$0x2] =	stream.indirect.gather [hbm4b:s4+s16], $0x80, s16, s16, $0xb8;
	[tilespmem:$0x1E800] =	vst v63  }
0x76: {  	_ =	swait.ge [sflag:s19], $0x4000  }
0x77: {  	[sflag:s19] =	ssyncset.done $0x0  }
0x78: {  	s29 =	simm.s32 $0x1400;
	[sflag:s19] =	ssyncadd.s32 $0xFFFFC000  }
0x79: {  	[spmem:s1] =	stream.indirect.scatter.add.f32 [tilespmem:s17], [sflag:$0x3], $0x80, s29, s16, $0xb8;
	[tilespmem:$0x1E800] =	vst v63  }
0x7a: {  	_ =	swait.ge [sflag:s14], $0x4000  }
0x7b: {  	[sflag:s14] =	ssyncset.done $0x0  }
0x7c: {  	s29 =	simm.s32 $0x100;
	[sflag:s14] =	ssyncadd.s32 $0xFFFFC000  }
0x7d: {  	[tilespmem:s17], [sflag:$0x1] =	stream.indirect.gather [hbm4b:s4+s16], $0x80, s29, s16, $0xb8;
	[tilespmem:$0x1E800] =	vst v63  }
0x7e: {  	_ =	swait.ge [sflag:s20], $0x4000  }
0x7f: {  	[sflag:s20] =	ssyncset.done $0x0  }
0x80: {  	s29 =	simm.s32 $0x1480;
	[sflag:s20] =	ssyncadd.s32 $0xFFFFC000  }
0x81: {  	[spmem:s1] =	stream.indirect.scatter.add.f32 [tilespmem:s18], [sflag:$0x3], $0x80, s29, s16, $0xb8;
	[tilespmem:$0x1E800] =	vst v63  }
0x82: {  	_ =	swait.ge [sflag:s14], $0x4000  }
0x83: {  	[sflag:s14] =	ssyncset.done $0x0  }
0x84: {  	s30 =	simm.s32 $0x180;
	s29 =	simm.s32 $0x400;
	[sflag:s14] =	ssyncadd.s32 $0xFFFFC000  }
.LBB2_4:
0x85: {  	[tilespmem:s18], [sflag:$0x2] =	stream.indirect.gather [hbm4b:s4+s16], $0x80, s30, s16, $0xb8;
	[tilespmem:$0x1E800] =	vst v63  }
0x86: {  	s30 =	smov.u32 s29  }
0x87: {  	p0 =	sne.s32 s29, $0x4400;
	s29 =	sadd.s32 $0x400, s29;
	_ =	swait.ge [sflag:s19], $0x4000  }
0x88: {  	s30 =	sshra.s32 s30, $0x2;
	[sflag:s19] =	ssyncset.done $0x0  }
0x89: {  	s31 =	sadd.s32 $0x1400, s30;
	[sflag:s19] =	ssyncadd.s32 $0xFFFFC000  }
0x8a: {  	[spmem:s1] =	stream.indirect.scatter.add.f32 [tilespmem:s17], [sflag:$0x3], $0x80, s31, s16, $0xb8;
	[tilespmem:$0x1E800] =	vst v63  }
0x8b: {  	_ =	swait.ge [sflag:s14], $0x4000  }
0x8c: {  	[sflag:s14] =	ssyncset.done $0x0  }
0x8d: {  	s31 =	sadd.s32 $0x100, s30;
	[sflag:s14] =	ssyncadd.s32 $0xFFFFC000  }
0x8e: {  	[tilespmem:s17], [sflag:$0x1] =	stream.indirect.gather [hbm4b:s4+s16], $0x80, s31, s16, $0xb8;
	[tilespmem:$0x1E800] =	vst v63  }
0x8f: {  	_ =	swait.ge [sflag:s20], $0x4000  }
0x90: {  	[sflag:s20] =	ssyncset.done $0x0  }
.Ltmp1:
0x91: {  	s31 =	sadd.s32 $0x1480, s30;
	[sflag:s20] =	ssyncadd.s32 $0xFFFFC000;
	(pc) =	sbr.rel @p0 .LBB2_4-.Ltmp1, $4  }
0x92: {  	[spmem:s1] =	stream.indirect.scatter.add.f32 [tilespmem:s18], [sflag:$0x3], $0x80, s31, s16, $0xb8;
	[tilespmem:$0x1E800] =	vst v63  }
0x93: {  	_ =	swait.ge [sflag:s14], $0x4000  }
0x94: {  	[sflag:s14] =	ssyncset.done $0x0  }
0x95: {  	s30 =	sadd.s32 $0x180, s30;
	[sflag:s14] =	ssyncadd.s32 $0xFFFFC000  }
0x96: {  	[tilespmem:s18], [sflag:$0x2] =	stream.indirect.gather [hbm4b:s4+s16], $0x80, s30, s16, $0xb8;
	[tilespmem:$0x1E800] =	vst v63  }
0x97: {  	_ =	swait.ge [sflag:s19], $0x4000  }
0x98: {  	[sflag:s19] =	ssyncset.done $0x0  }
0x99: {  	[sflag:s19] =	ssyncadd.s32 $0xFFFFC000  }
0x9a: {  	[spmem:s1] =	stream.indirect.scatter.add.f32 [tilespmem:s17], [sflag:$0x3], $0x80, s21, s16, $0xb8;
	[tilespmem:$0x1E800] =	vst v63  }
0x9b: {  	_ =	swait.ge [sflag:s14], $0x4000  }
0x9c: {  	[sflag:s14] =	ssyncset.done $0x0  }
0x9d: {  	[sflag:s14] =	ssyncadd.s32 $0xFFFFC000  }
0x9e: {  	[tilespmem:s17], [sflag:$0x1] =	stream.indirect.gather [hbm4b:s4+s16], $0x80, s22, s16, $0xb8;
	[tilespmem:$0x1E800] =	vst v63  }
0x9f: {  	_ =	swait.ge [sflag:s20], $0x4000  }
0xa0: {  	[sflag:s20] =	ssyncset.done $0x0  }
0xa1: {  	[sflag:s20] =	ssyncadd.s32 $0xFFFFC000  }
0xa2: {  	[spmem:s1] =	stream.indirect.scatter.add.f32 [tilespmem:s18], [sflag:$0x3], $0x80, s23, s16, $0xb8;
	[tilespmem:$0x1E800] =	vst v63  }
0xa3: {  	_ =	swait.ge [sflag:s14], $0x4000  }
0xa4: {  	[sflag:s14] =	ssyncset.done $0x0  }
0xa5: {  	[sflag:s14] =	ssyncadd.s32 $0xFFFFC000  }
0xa6: {  	[tilespmem:s18], [sflag:$0x2] =	stream.indirect.gather [hbm4b:s4+s16], $0x80, s24, s16, $0xb8;
	[tilespmem:$0x1E800] =	vst v63  }
0xa7: {  	_ =	swait.ge [sflag:s19], $0x4000  }
0xa8: {  	[sflag:s19] =	ssyncset.done $0x0  }
0xa9: {  	[sflag:s19] =	ssyncadd.s32 $0xFFFFC000  }
0xaa: {  	[spmem:s1] =	stream.indirect.scatter.add.f32 [tilespmem:s17], [sflag:$0x3], $0x80, s25, s16, $0xb8;
	[tilespmem:$0x1E800] =	vst v63  }
0xab: {  	_ =	swait.ge [sflag:s14], $0x4000  }
0xac: {  	[sflag:s14] =	ssyncset.done $0x0  }
0xad: {  	[sflag:s14] =	ssyncadd.s32 $0xFFFFC000  }
0xae: {  	[tilespmem:s17], [sflag:$0x1] =	stream.indirect.gather [hbm4b:s4+s16], $0x80, s24, s16, $0xb8;
	[tilespmem:$0x1E800] =	vst v63  }
0xaf: {  	_ =	swait.ge [sflag:s20], $0x4000  }
0xb0: {  	[sflag:s20] =	ssyncset.done $0x0  }
0xb1: {  	[sflag:s20] =	ssyncadd.s32 $0xFFFFC000  }
0xb2: {  	[spmem:s1] =	stream.indirect.scatter.add.f32 [tilespmem:s18], [sflag:$0x3], $0x80, s26, s16, $0xb8;
	[tilespmem:$0x1E800] =	vst v63  }
0xb3: {  	_ =	swait.ge [sflag:s14], $0x4000  }
0xb4: {  	[sflag:s14] =	ssyncset.done $0x0  }
0xb5: {  	[sflag:s14] =	ssyncadd.s32 $0xFFFFC000  }
0xb6: {  	[tilespmem:s18], [sflag:$0x2] =	stream.indirect.gather [hbm4b:s4+s16], $0x80, s24, s16, $0xb8;
	[tilespmem:$0x1E800] =	vst v63  }
0xb7: {  	_ =	swait.ge [sflag:s19], $0x4000  }
0xb8: {  	[sflag:s19] =	ssyncset.done $0x0  }
0xb9: {  	[sflag:s19] =	ssyncadd.s32 $0xFFFFC000  }
0xba: {  	_ =	swait.ge [sflag:s20], $0x4000  }
0xbb: {  	s28 =	sadd.s32 $0x1, s28;
	[sflag:s20] =	ssyncset.done $0x0  }
0xbc: {  	p0 =	sne.s32 s28, s12;
	[sflag:s20] =	ssyncadd.s32 $0xFFFFC000  }
.Ltmp2:
0xbd: {  	[bflag:$0x0] =	sbarrier.arrive $0xFFFF;
	(pc) =	sbr.rel @p0 .LBB2_1-.Ltmp2, $4  }
0xbe: {  	[hbm:s11], [sflag:s6] =	dma.local [spmem:s13], $0x2800  }
0xbf: {  	_ =	swait.ge [sflag:s14], $0x2800  }
0xc0: {  	[sflag:s14] =	ssyncset.done $0x0  }
0xc1: {  	[sflag:s14] =	ssyncadd.s32 $0xFFFFD800  }
0xc2: {  	_ =	sfence.sel $0x180000  }
0xc3: {  	[bflag:$0x0] =	sbarrier.arrive $0xFFFF  }
0xc4: {  	p0 =	sne.s32 s2, $0x0;
	_ =	strace $0x9000004A  }
0xc5: {  	s0 =	sadd.s32 @!p0 $0x100000, s0;
	[bflag:$0x2] =	sbarrier.arrive $0xFFFF  }
0xc6: {  	[sflag:s0] =	ssyncadd.tile.s32 @!p0 $0x1;
	_ =	shalt  }
.Lfunc_end2:
_tile_overlayer_lowered:
.L_overlay_start_2:
0xc7: {  	(tag) =	ssettag $0x2  }
0xc8: {  	s0 =	rddreg [dreg:$0x0];
	s2 =	stileid.u32  }
0xc9: {  	s1 =	rddreg [dreg:$0x1];
	p0 =	sne.s32 s2, $0x0  }
0xca: {  	s3 =	rddreg [dreg:$0x2];
	[bflag:$0x3] =	sbarrier.arrive $0xFFFF;
	s2 =	simm.s32 @!p0 $0x1C03  }
0xcb: {  	[timem:s3], [sflag:s2] =	dma.local @!p0 [hbm:s0], s1  }
0xcc: {  	s0 =	simm.s32 @!p0 $0x3  }
0xcd: {  	_ =	swait.ge @!p0 [sflag:s0], s1  }
0xce: {  	s1 =	ssub.s32 @!p0 $0x0, s1;
	[sflag:s0] =	ssyncset.done @!p0 $0x0  }
0xcf: {  	[sflag:s0] =	ssyncadd.s32 @!p0 s1  }
0xd0: {  	[bflag:$0x3] =	sbarrier.arrive $0xFFFF  }
0xd1: {  	_ =	shalt  }

// kernel: kernel.17.cloned.1.call-start
scs
__scs_entry_jumppad:
0x0: {  	(pc) =	sbr.rel $0x88, $3  }
0x1: {  	(tag) =	ssettag $0x0;
	lr =	simm.s32 $0x1  }
0x2: {  	[smem:$0x3F99] =	sst lr;
	_ =	strace $0xD0000000  }
0x3: {  	_ = 	snop  }
0x4: {  	_ = 	snop  }
0x5: {  	_ = 	snop  }
0x6: {  	_ = 	snop  }
0x7: {  	_ = 	snop  }
__scs_overlays_trampoline_lowered:
0x8: {  	[smem:$0x3FA8] =	sst s0  }
0x9: {  	[smem:$0x3FA9] =	sst s1  }
0xa: {  	[smem:$0x3FAA] =	sst s2  }
0xb: {  	[smem:$0x3FAB] =	sst s3  }
0xc: {  	[smem:$0x3FAC] =	sst s4  }
0xd: {  	[smem:$0x3FAD] =	sst s5  }
0xe: {  	[smem:$0x3FAE] =	sst s6  }
0xf: {  	[smem:$0x3FAF] =	sst s7  }
0x10: {  	[smem:$0x3FB0] =	sst s8  }
0x11: {  	[smem:$0x3FB1] =	sst s9;
	s0 =	simm.s32 @!p0 $0x0  }
0x12: {  	s1 =	sld [smem:$0x3F97];
	s0 =	simm.s32 @p0 $0x1  }
0x13: {  	[smem:$0x3FB2] =	sst s0;
	s0 =	simm.s32 @!p1 $0x0  }
0x14: {  	s2 =	sld [smem:$0x3F96];
	s0 =	simm.s32 @p1 $0x1  }
0x15: {  	[smem:$0x3FB3] =	sst s0;
	s0 =	simm.s32 @!p2 $0x0  }
0x16: {  	s3 =	sld [smem:$0x3FDB];
	s0 =	simm.s32 @p2 $0x1  }
0x17: {  	s4 =	simm.s32 $0x1BF5;
	[smem:$0x3FB5] =	sst s0  }
0x18: {  	s0 =	sld [smem:$0x3F98];
	_ =	swait.ge [sflag:s4], $0x0  }
0x19: {  	s7 =	sld [smem:$0x3F99]  }
0x1a: {  	s8 =	sadd.s32 $0xFFFFE003, lr  }
0x1b: {  	s9 =	sadd.s32 $0xFFFFFEF7, lr;
	s5 =	simm.s32 $0xFFFFFFFF;
	p2 =	slt.u32 s8, $0xFFFFF086  }
0x1c: {  	p1 =	slt.u32 s9, $0xF7A;
	s5 =	simm.s32 @!p2 $0x0  }
0x1d: {  	s5 =	simm.s32 @p1 $0x1;
	p0 =	seq.s32 s7, s2  }
0x1e: {  	s7 =	smul.u32 @!p0 $0xF7A, s2;
	p2 =	seq.s32 @!p0 s5, $0x0  }
0x1f: {  	s9 =	smul.u32 $0xF7A, s1;
	s8 =	simm.s32 @!p0 $0x1BF5;
	p2 =	por !p2, p0  }
0x20: {  	[sflag:s8] =	ssyncset.s32 @!p0 $0xFFFFF086;
	s6 =	sadd.s32 @!p0 s3, s7;
	s7 =	simm.s32 @!p0 $0x108  }
0x21: {  	s3 =	sadd.s32 s3, s9;
	s6 =	sadd.s32 @!p0 $0x88, s6;
	s7 =	simm.s32 @p2 $0x1082  }
0x22: {  	[simem:s7], [sflag:s8] =	dma.local @!p0 [hbm:s6], $0xF7A  }
0x23: {  	s9 =	sor.u32 $0xD0000000, s2;
	s6 =	simm.s32 $0x108;
	_ =	swait.ge @!p0 [sflag:s8], $0x0  }
0x24: {  	s3 =	sadd.s32 $0x88, s3;
	s6 =	simm.s32 @!p1 $0x1082;
	[sflag:s4] =	ssyncset.s32 $0xFFFFF086  }
0x25: {  	[simem:s6], [sflag:s4] =	dma.local [hbm:s3], $0xF7A  }
0x26: {  	[smem:$0x3F99] =	sst s1;
	(tag) =	ssettag s2;
	_ =	strace s9  }
0x27: {  	s1 =	sld [smem:$0x3FA9]  }
0x28: {  	s2 =	sld [smem:$0x3FAA]  }
0x29: {  	s4 =	sld [smem:$0x3FAC]  }
0x2a: {  	p0 =	seq.s32 s5, $0x0;
	s5 =	sld [smem:$0x3FAD]  }
0x2b: {  	s6 =	sld [smem:$0x3FAE]  }
0x2c: {  	s7 =	sld [smem:$0x3FAF]  }
0x2d: {  	s3 =	simm.s32 $0x108;
	s8 =	sld [smem:$0x3FB0]  }
0x2e: {  	s3 =	simm.s32 @!p0 $0x1082;
	s9 =	sld [smem:$0x3FB1]  }
0x2f: {  	lr =	sadd.s32 s0, s3;
	s0 =	sld [smem:$0x3FA8]  }
0x30: {  	s3 =	sld [smem:$0x3FAB]  }
0x31: {  	[smem:$0x3FB4] =	sst s10  }
0x32: {  	s10 =	sld [smem:$0x3FB2];
	_ =	sdelay $0x3  }
0x33: {  	p0 =	seq.s32 s10, $0x1;
	s10 =	sld [smem:$0x3FB4];
	_ =	sdelay $0x3  }
0x34: {  	[smem:$0x3FB4] =	sst s10  }
0x35: {  	s10 =	sld [smem:$0x3FB3];
	_ =	sdelay $0x3  }
0x36: {  	p1 =	seq.s32 s10, $0x1;
	s10 =	sld [smem:$0x3FB4];
	_ =	sdelay $0x3  }
0x37: {  	[smem:$0x3FB4] =	sst s10  }
0x38: {  	s10 =	sld [smem:$0x3FB5]  }
0x39: {  	_ = 	snop;
	(pc) =	sbr.ind lr, $3  }
0x3a: {  	_ = 	snop  }
0x3b: {  	_ = 	snop  }
0x3c: {  	p2 =	seq.s32 s10, $0x1;
	s10 =	sld [smem:$0x3FB4]  }
0x3d: {  	_ =	shalt  }
0x3e: {  	_ =	shalt  }
0x3f: {  	_ =	shalt  }
0x40: {  	_ =	shalt  }
0x41: {  	_ =	shalt  }
0x42: {  	_ =	shalt  }
0x43: {  	_ =	shalt  }
0x44: {  	_ =	shalt  }
0x45: {  	_ =	shalt  }
0x46: {  	_ =	shalt  }
0x47: {  	_ =	shalt  }
0x48: {  	_ =	shalt  }
0x49: {  	_ =	shalt  }
0x4a: {  	_ =	shalt  }
0x4b: {  	_ =	shalt  }
0x4c: {  	_ =	shalt  }
0x4d: {  	_ =	shalt  }
0x4e: {  	_ =	shalt  }
0x4f: {  	_ =	shalt  }
0x50: {  	_ =	shalt  }
0x51: {  	_ =	shalt  }
0x52: {  	_ =	shalt  }
0x53: {  	_ =	shalt  }
0x54: {  	_ =	shalt  }
0x55: {  	_ =	shalt  }
0x56: {  	_ =	shalt  }
0x57: {  	_ =	shalt  }
0x58: {  	_ =	shalt  }
0x59: {  	_ =	shalt  }
0x5a: {  	_ =	shalt  }
0x5b: {  	_ =	shalt  }
0x5c: {  	_ =	shalt  }
0x5d: {  	_ =	shalt  }
0x5e: {  	_ =	shalt  }
0x5f: {  	_ =	shalt  }
0x60: {  	_ =	shalt  }
0x61: {  	_ =	shalt  }
0x62: {  	_ =	shalt  }
0x63: {  	_ =	shalt  }
0x64: {  	_ =	shalt  }
0x65: {  	_ =	shalt  }
0x66: {  	_ =	shalt  }
0x67: {  	_ =	shalt  }
0x68: {  	_ =	shalt  }
0x69: {  	_ =	shalt  }
0x6a: {  	_ =	shalt  }
0x6b: {  	_ =	shalt  }
0x6c: {  	_ =	shalt  }
0x6d: {  	_ =	shalt  }
0x6e: {  	_ =	shalt  }
0x6f: {  	_ =	shalt  }
0x70: {  	_ =	shalt  }
0x71: {  	_ =	shalt  }
0x72: {  	_ =	shalt  }
0x73: {  	_ =	shalt  }
0x74: {  	_ =	shalt  }
0x75: {  	_ =	shalt  }
0x76: {  	_ =	shalt  }
0x77: {  	_ =	shalt  }
0x78: {  	_ =	shalt  }
0x79: {  	_ =	shalt  }
0x7a: {  	_ =	shalt  }
0x7b: {  	_ =	shalt  }
0x7c: {  	_ =	shalt  }
0x7d: {  	_ =	shalt  }
0x7e: {  	_ =	shalt  }
0x7f: {  	_ =	shalt  }
0x80: {  	_ =	shalt  }
0x81: {  	_ =	shalt  }
0x82: {  	_ =	shalt  }
0x83: {  	_ =	shalt  }
0x84: {  	_ =	shalt  }
0x85: {  	_ =	shalt  }
0x86: {  	_ =	shalt  }
0x87: {  	_ =	shalt  }
.Lfunc_end0:
.L_simem_size_0:
called_computation.2_lowered:
.L_overlay_start_0:
0x88: {  	s2 =	sld [smem:$0x3FD9]  }
0x89: {  	s3 =	sld [smem:$0x3FFE];
	_ =	sdelay $0x1  }
0x8a: {  	s1 =	srdreg.scid  }
0x8b: {  	s0 =	sand.u32 $0x1, s1  }
0x8c: {  	s17 =	sshll.u32 s0, $0xA;
	s2 =	sadd.s32 s3, s2  }
0x8d: {  	s2 =	sadd.s32 s2, s17  }
0x8e: {  	[smem:$0x3FC0] =	sst s2  }
0x8f: {  	_ = 	snop  }
0x90: {  	s2 =	sld [smem:$0x3FD0];
	(tm) =	ssettm $0x1  }
0x91: {  	s18 =	sld [smem:$0x3FFB];
	_ =	sdelay $0x3  }
0x92: {  	_ =	strace s18  }
0x93: {  	s3 =	sld [smem:$0x3FFC];
	_ =	sdelay $0x3  }
0x94: {  	_ =	strace s3  }
0x95: {  	s3 =	sld [smem:$0x3FFD];
	_ =	sdelay $0x3  }
0x96: {  	_ =	strace s3  }
0x97: {  	_ =	strace $0x8FFFFFFF  }
0x98: {  	s19 =	sld [smem:$0x3FDB];
	_ =	sdelay $0x1  }
0x99: {  	s4 =	simm.s32 $_scs_section_size  }
0x9a: {  	s5 =	simm.s32 $_size__tile_overlayer_lowered;
	s6 =	simm.s32 $_tile_overlayer_lowered  }
0x9b: {  	s22 =	simm.s32 $0x1BFF;
	s21 =	sshll.u32 s6, $0x1;
	s3 =	sadd.s32 s4, s19  }
0x9c: {  	s7 =	simm.s32 $0x0;
	s20 =	sshll.u32 s5, $0x1;
	s5 =	sadd.s32 s21, s3  }
0x9d: {  	[timem:s7], [sflag:s22] =	dma.local [hbm:s5], s20  }
0x9e: {  	_ =	swait.ge [sflag:s22], s20  }
0x9f: {  	s4 =	ssub.s32 $0x0, s20;
	[sflag:s22] =	ssyncset.done $0x0  }
0xa0: {  	[sflag:s22] =	ssyncadd.s32 s4;
	_ =	sdelay $0x1  }
0xa1: {  	s23 =	simm.s32 $0x1B8B  }
0xa2: {  	_ =	swait.ge [sflag:s23], $0x1  }
0xa3: {  	[sflag:s23] =	ssyncset.done $0x0  }
0xa4: {  	s25 =	simm.s32 $0x1B8E;
	s24 =	sld [smem:$0x3FFE];
	[sflag:s23] =	ssyncadd.s32 $0xFFFFFFFF  }
0xa5: {  	s26 =	simm.s32 $execute0_lowered;
	[smem:$0x3FD2] =	sst s25  }
0xa6: {  	s5 =	sshll.u32 s26, $0x1;
	_ =	strace $0x8000004C;
	[dreg:$0x1] =	wrdreg $0xFFFFFFFF  }
0xa7: {  	s28 =	simm.s32 $_size_execute0_lowered;
	s3 =	sadd.s32 s3, s5;
	[dreg:$0x0] =	wrdreg $0x0  }
0xa8: {  	s5 =	sshll.u32 s28, $0x1;
	[dreg:$0x2] =	wrdreg s3  }
0xa9: {  	[dreg:$0x3] =	wrdreg s5  }
0xaa: {  	[dreg:$0x4] =	wrdreg $0xC0  }
0xab: {  	_ =	task [dreg:s7], $0x5FFFF  }
0xac: {  	[dreg:$0x1] =	wrdreg $0xFFFFFFFF  }
0xad: {  	[dreg:$0x0] =	wrdreg $0x60  }
0xae: {  	[dreg:$0x2] =	wrdreg s24  }
0xaf: {  	[dreg:$0x3] =	wrdreg s2  }
0xb0: {  	[dreg:$0x4] =	wrdreg $0xA8000  }
0xb1: {  	[dreg:$0x5] =	wrdreg $0x9  }
0xb2: {  	_ =	task.clear_ibuf [dreg:s7], $0x6FFFF;
	_ =	strace $0x9000004C  }
0xb3: {  	s29 =	simm.s32 $0x9;
	_ =	strace $0x8000004E  }
0xb4: {  	_ =	swait.ge [sflag:s29], $0x1  }
0xb5: {  	[sflag:s29] =	ssyncadd.s32 $0xFFFFFFFF  }
0xb6: {  	_ =	strace $0x9000004E  }
0xb7: {  	_ =	sfence  }
0xb8: {  	s30 =	sld [smem:$0x0];
	_ =	sdelay $0x2  }
0xb9: {  	s31 =	sshll.u32 s1, $0xD;
	s1 =	sshrl.u32 s1, $0x2  }
0xba: {  	s3 =	sand.u32 $0x4000, s31;
	s1 =	sadd.s32 s1, s30  }
0xbb: {  	s0 =	sor.u32 s3, s0;
	s1 =	sshll.u32 s1, $0x11  }
0xbc: {  	s0 =	sor.u32 s1, s0  }
0xbd: {  	s0 =	sadd.s32 $0x8F2B, s0  }
0xbe: {  	[sflag:s0] =	ssyncadd.remote.s32 $0x1  }
0xbf: {  	_ =	sfence.sel $0xFFFF  }
0xc0: {  	[dreg:$0x0] =	wrdreg $0xFFFFFFFF;
	(pc) =	sbr.abs _section_cstart, $3  }
0xc1: {  	[dreg:$0x1] =	wrdreg $0xFFFFFFFF  }
0xc2: {  	_ =	task.clear_ibuf [dreg:s7], $0x2FFFF;
	_ =	strace $0x9FFFFFFF  }
0xc3: {  	(tm) =	ssettm $0x7FFFFFFF  }
tec
execute0_lowered:
.L_overlay_start_1:
0x0: {  	(tag) =	ssettag $0x1  }
0x1: {  	s6 =	rddreg [dreg:$0x0]  }
0x2: {  	s10 =	rddreg [dreg:$0x1]  }
0x3: {  	s1 =	rddreg [dreg:$0x2];
	s2 =	srdreg.scid  }
0x4: {  	s0 =	rddreg [dreg:$0x3];
	s3 =	simm.s32 $0x0;
	s15 =	simm.s32 $0x1400  }
0x5: {  	s16 =	simm.s32 $0x80;
	s17 =	simm.s32 $0x2800;
	s18 =	simm.s32 $0x6800  }
0x6: {  	s19 =	simm.s32 $0x1;
	s20 =	simm.s32 $0x2;
	s21 =	simm.s32 $0x2600  }
0x7: {  	s22 =	simm.s32 $0x1300;
	s5 =	sand.u32 $0x1, s2;
	s2 =	stileid.u32  }
0x8: {  	s28 =	simm.s32 $0x0;
	[smem:$0x7FF] =	sst s3;
	s7 =	smul.u32 $0x140000, s5  }
0x9: {  	s4 =	sadd.s32 $0xF600, s6;
	s9 =	sadd.s32 $0x2E00, s6;
	s8 =	smul.u32 $0x14000, s2  }
0xa: {  	_ =	strace $0x8000004D;
	s23 =	sshll.u32 s2, $0x1;
	s11 =	ssub.s32 $0x2, s5  }
0xb: {  	s24 =	smul.u32 $0x50000, s2;
	s26 =	sshll.u32 s2, $0x6;
	s5 =	sor.u32 s5, s23  }
0xc: {  	s12 =	sshrl.u32 s11, $0x1;
	s23 =	simm.s32 $0x2680;
	s7 =	sadd.s32 s8, s7  }
0xd: {  	s13 =	smul.u32 $0x2800, s5;
	s5 =	sadd.s32 $0xCE00, s6;
	s12 =	ssub.s32 s11, s12  }
0xe: {  	s25 =	sshrl.u32 s24, $0x2;
	s24 =	simm.s32 $0x1380;
	s7 =	sshrl.u32 s7, $0x3  }
0xf: {  	s30 =	sadd.s32 s25, s1;
	s12 =	smax.u32 s12, $0x1;
	s25 =	simm.s32 $0x2700  }
0x10: {  	s14 =	sadd.s32 s7, s6;
	s29 =	sshrl.u32 s13, $0x3;
	s6 =	sor.u32 $0x1C03, s26  }
0x11: {  	s13 =	sshrl.u32 s30, $0x3;
	s26 =	simm.s32 $0x2780;
	s31 =	sadd.s32 $0x280, s29  }
0x12: {  	s7 =	sadd.s32 s9, s29;
	s8 =	sadd.s32 s10, s29;
	s11 =	sadd.s32 $0x37600, s14  }
0x13: {  	s14 =	simm.s32 $0x3;
	s9 =	sadd.s32 s9, s31;
	s10 =	sadd.s32 s10, s31  }
.LBB2_1:
0x14: {  	[spmem:s13], [sflag:s6] =	dma.local [hbm:s5], $0x2800  }
0x15: {  	_ =	swait.ge [sflag:s14], $0x2800  }
0x16: {  	[sflag:s14] =	ssyncset.done $0x0  }
0x17: {  	[sflag:s14] =	ssyncadd.s32 $0xFFFFD800  }
0x18: {  	[bflag:$0x0] =	sbarrier.arrive $0xFFFF  }
0x19: {  	[tilespmem:s3], [sflag:$0x3] =	stream.linear.gather [hbm4b:s7+s3], $0x1400, $0x38;
	[tilespmem:$0x1E800] =	vst v63  }
0x1a: {  	_ =	swait.ge [sflag:s14], $0x1400  }
0x1b: {  	[sflag:s14] =	ssyncset.done $0x0  }
0x1c: {  	[sflag:s14] =	ssyncadd.s32 $0xFFFFEC00  }
0x1d: {  	[tilespmem:s15], [sflag:$0x3] =	stream.linear.gather [hbm4b:s8+s3], $0x1400, $0x38;
	[tilespmem:$0x1E800] =	vst v63  }
0x1e: {  	_ =	swait.ge [sflag:s14], $0x1400  }
0x1f: {  	[sflag:s14] =	ssyncset.done $0x0  }
0x20: {  	[sflag:s14] =	ssyncadd.s32 $0xFFFFEC00  }
0x21: {  	[tilespmem:s17], [sflag:$0x1] =	stream.indirect.gather [hbm4b:s4+s16], $0x80, s3, s16, $0xb8;
	[tilespmem:$0x1E800] =	vst v63  }
0x22: {  	_ = 	snop  }
0x23: {  	[tilespmem:s18], [sflag:$0x2] =	stream.indirect.gather [hbm4b:s4+s16], $0x80, s16, s16, $0xb8;
	[tilespmem:$0x1E800] =	vst v63  }
0x24: {  	_ =	swait.ge [sflag:s19], $0x4000  }
0x25: {  	[sflag:s19] =	ssyncset.done $0x0  }
0x26: {  	s29 =	simm.s32 $0x1400;
	[sflag:s19] =	ssyncadd.s32 $0xFFFFC000  }
0x27: {  	[spmem:s1] =	stream.indirect.scatter.add.f32 [tilespmem:s17], [sflag:$0x3], $0x80, s29, s16, $0xb8;
	[tilespmem:$0x1E800] =	vst v63  }
0x28: {  	_ =	swait.ge [sflag:s14], $0x4000  }
0x29: {  	[sflag:s14] =	ssyncset.done $0x0  }
0x2a: {  	s29 =	simm.s32 $0x100;
	[sflag:s14] =	ssyncadd.s32 $0xFFFFC000  }
0x2b: {  	[tilespmem:s17], [sflag:$0x1] =	stream.indirect.gather [hbm4b:s4+s16], $0x80, s29, s16, $0xb8;
	[tilespmem:$0x1E800] =	vst v63  }
0x2c: {  	_ =	swait.ge [sflag:s20], $0x4000  }
0x2d: {  	[sflag:s20] =	ssyncset.done $0x0  }
0x2e: {  	s29 =	simm.s32 $0x1480;
	[sflag:s20] =	ssyncadd.s32 $0xFFFFC000  }
0x2f: {  	[spmem:s1] =	stream.indirect.scatter.add.f32 [tilespmem:s18], [sflag:$0x3], $0x80, s29, s16, $0xb8;
	[tilespmem:$0x1E800] =	vst v63  }
0x30: {  	_ =	swait.ge [sflag:s14], $0x4000  }
0x31: {  	[sflag:s14] =	ssyncset.done $0x0  }
0x32: {  	s30 =	simm.s32 $0x180;
	s29 =	simm.s32 $0x400;
	[sflag:s14] =	ssyncadd.s32 $0xFFFFC000  }
.LBB2_2:
0x33: {  	[tilespmem:s18], [sflag:$0x2] =	stream.indirect.gather [hbm4b:s4+s16], $0x80, s30, s16, $0xb8;
	[tilespmem:$0x1E800] =	vst v63  }
0x34: {  	s30 =	smov.u32 s29  }
0x35: {  	p0 =	sne.s32 s29, $0x4400;
	s29 =	sadd.s32 $0x400, s29;
	_ =	swait.ge [sflag:s19], $0x4000  }
0x36: {  	s30 =	sshra.s32 s30, $0x2;
	[sflag:s19] =	ssyncset.done $0x0  }
0x37: {  	s31 =	sadd.s32 $0x1400, s30;
	[sflag:s19] =	ssyncadd.s32 $0xFFFFC000  }
0x38: {  	[spmem:s1] =	stream.indirect.scatter.add.f32 [tilespmem:s17], [sflag:$0x3], $0x80, s31, s16, $0xb8;
	[tilespmem:$0x1E800] =	vst v63  }
0x39: {  	_ =	swait.ge [sflag:s14], $0x4000  }
0x3a: {  	[sflag:s14] =	ssyncset.done $0x0  }
0x3b: {  	s31 =	sadd.s32 $0x100, s30;
	[sflag:s14] =	ssyncadd.s32 $0xFFFFC000  }
0x3c: {  	[tilespmem:s17], [sflag:$0x1] =	stream.indirect.gather [hbm4b:s4+s16], $0x80, s31, s16, $0xb8;
	[tilespmem:$0x1E800] =	vst v63  }
0x3d: {  	_ =	swait.ge [sflag:s20], $0x4000  }
0x3e: {  	[sflag:s20] =	ssyncset.done $0x0  }
.Ltmp0:
0x3f: {  	s31 =	sadd.s32 $0x1480, s30;
	[sflag:s20] =	ssyncadd.s32 $0xFFFFC000;
	(pc) =	sbr.rel @p0 .LBB2_2-.Ltmp0, $4  }
0x40: {  	[spmem:s1] =	stream.indirect.scatter.add.f32 [tilespmem:s18], [sflag:$0x3], $0x80, s31, s16, $0xb8;
	[tilespmem:$0x1E800] =	vst v63  }
0x41: {  	_ =	swait.ge [sflag:s14], $0x4000  }
0x42: {  	[sflag:s14] =	ssyncset.done $0x0  }
0x43: {  	s30 =	sadd.s32 $0x180, s30;
	[sflag:s14] =	ssyncadd.s32 $0xFFFFC000  }
0x44: {  	[tilespmem:s18], [sflag:$0x2] =	stream.indirect.gather [hbm4b:s4+s16], $0x80, s30, s16, $0xb8;
	[tilespmem:$0x1E800] =	vst v63  }
0x45: {  	_ =	swait.ge [sflag:s19], $0x4000  }
0x46: {  	[sflag:s19] =	ssyncset.done $0x0  }
0x47: {  	[sflag:s19] =	ssyncadd.s32 $0xFFFFC000  }
0x48: {  	[spmem:s1] =	stream.indirect.scatter.add.f32 [tilespmem:s17], [sflag:$0x3], $0x80, s21, s16, $0xb8;
	[tilespmem:$0x1E800] =	vst v63  }
0x49: {  	_ =	swait.ge [sflag:s14], $0x4000  }
0x4a: {  	[sflag:s14] =	ssyncset.done $0x0  }
0x4b: {  	[sflag:s14] =	ssyncadd.s32 $0xFFFFC000  }
0x4c: {  	[tilespmem:s17], [sflag:$0x1] =	stream.indirect.gather [hbm4b:s4+s16], $0x80, s22, s16, $0xb8;
	[tilespmem:$0x1E800] =	vst v63  }
0x4d: {  	_ =	swait.ge [sflag:s20], $0x4000  }
0x4e: {  	[sflag:s20] =	ssyncset.done $0x0  }
0x4f: {  	[sflag:s20] =	ssyncadd.s32 $0xFFFFC000  }
0x50: {  	[spmem:s1] =	stream.indirect.scatter.add.f32 [tilespmem:s18], [sflag:$0x3], $0x80, s23, s16, $0xb8;
	[tilespmem:$0x1E800] =	vst v63  }
0x51: {  	_ =	swait.ge [sflag:s14], $0x4000  }
0x52: {  	[sflag:s14] =	ssyncset.done $0x0  }
0x53: {  	[sflag:s14] =	ssyncadd.s32 $0xFFFFC000  }
0x54: {  	[tilespmem:s18], [sflag:$0x2] =	stream.indirect.gather [hbm4b:s4+s16], $0x80, s24, s16, $0xb8;
	[tilespmem:$0x1E800] =	vst v63  }
0x55: {  	_ =	swait.ge [sflag:s19], $0x4000  }
0x56: {  	[sflag:s19] =	ssyncset.done $0x0  }
0x57: {  	[sflag:s19] =	ssyncadd.s32 $0xFFFFC000  }
0x58: {  	[spmem:s1] =	stream.indirect.scatter.add.f32 [tilespmem:s17], [sflag:$0x3], $0x80, s25, s16, $0xb8;
	[tilespmem:$0x1E800] =	vst v63  }
0x59: {  	_ =	swait.ge [sflag:s14], $0x4000  }
0x5a: {  	[sflag:s14] =	ssyncset.done $0x0  }
0x5b: {  	[sflag:s14] =	ssyncadd.s32 $0xFFFFC000  }
0x5c: {  	[tilespmem:s17], [sflag:$0x1] =	stream.indirect.gather [hbm4b:s4+s16], $0x80, s24, s16, $0xb8;
	[tilespmem:$0x1E800] =	vst v63  }
0x5d: {  	_ =	swait.ge [sflag:s20], $0x4000  }
0x5e: {  	[sflag:s20] =	ssyncset.done $0x0  }
0x5f: {  	[sflag:s20] =	ssyncadd.s32 $0xFFFFC000  }
0x60: {  	[spmem:s1] =	stream.indirect.scatter.add.f32 [tilespmem:s18], [sflag:$0x3], $0x80, s26, s16, $0xb8;
	[tilespmem:$0x1E800] =	vst v63  }
0x61: {  	_ =	swait.ge [sflag:s14], $0x4000  }
0x62: {  	[sflag:s14] =	ssyncset.done $0x0  }
0x63: {  	[sflag:s14] =	ssyncadd.s32 $0xFFFFC000  }
0x64: {  	[tilespmem:s18], [sflag:$0x2] =	stream.indirect.gather [hbm4b:s4+s16], $0x80, s24, s16, $0xb8;
	[tilespmem:$0x1E800] =	vst v63  }
0x65: {  	_ =	swait.ge [sflag:s19], $0x4000  }
0x66: {  	[sflag:s19] =	ssyncset.done $0x0  }
0x67: {  	[sflag:s19] =	ssyncadd.s32 $0xFFFFC000  }
0x68: {  	_ =	swait.ge [sflag:s20], $0x4000  }
0x69: {  	[sflag:s20] =	ssyncset.done $0x0  }
0x6a: {  	s29 =	simm.s32 $0x0;
	[sflag:s20] =	ssyncadd.s32 $0xFFFFC000  }
0x6b: {  	[tilespmem:s29], [sflag:$0x3] =	stream.linear.gather [hbm4b:s9+s29], $0x1400, $0x38;
	[tilespmem:$0x1E800] =	vst v63  }
0x6c: {  	_ =	swait.ge [sflag:s14], $0x1400  }
0x6d: {  	[sflag:s14] =	ssyncset.done $0x0  }
0x6e: {  	[sflag:s14] =	ssyncadd.s32 $0xFFFFEC00  }
0x6f: {  	[tilespmem:s15], [sflag:$0x3] =	stream.linear.gather [hbm4b:s10+s29], $0x1400, $0x38;
	[tilespmem:$0x1E800] =	vst v63  }
0x70: {  	_ =	swait.ge [sflag:s14], $0x1400  }
0x71: {  	[sflag:s14] =	ssyncset.done $0x0  }
0x72: {  	[sflag:s14] =	ssyncadd.s32 $0xFFFFEC00  }
0x73: {  	[tilespmem:s17], [sflag:$0x1] =	stream.indirect.gather [hbm4b:s4+s16], $0x80, s29, s16, $0xb8;
	[tilespmem:$0x1E800] =	vst v63  }
0x74: {  	_ = 	snop  }
0x75: {  	[tilespmem:s18], [sflag:$0x2] =	stream.indirect.gather [hbm4b:s4+s16], $0x80, s16, s16, $0xb8;
	[tilespmem:$0x1E800] =	vst v63  }
0x76: {  	_ =	swait.ge [sflag:s19], $0x4000  }
0x77: {  	[sflag:s19] =	ssyncset.done $0x0  }
0x78: {  	s29 =	simm.s32 $0x1400;
	[sflag:s19] =	ssyncadd.s32 $0xFFFFC000  }
0x79: {  	[spmem:s1] =	stream.indirect.scatter.add.f32 [tilespmem:s17], [sflag:$0x3], $0x80, s29, s16, $0xb8;
	[tilespmem:$0x1E800] =	vst v63  }
0x7a: {  	_ =	swait.ge [sflag:s14], $0x4000  }
0x7b: {  	[sflag:s14] =	ssyncset.done $0x0  }
0x7c: {  	s29 =	simm.s32 $0x100;
	[sflag:s14] =	ssyncadd.s32 $0xFFFFC000  }
0x7d: {  	[tilespmem:s17], [sflag:$0x1] =	stream.indirect.gather [hbm4b:s4+s16], $0x80, s29, s16, $0xb8;
	[tilespmem:$0x1E800] =	vst v63  }
0x7e: {  	_ =	swait.ge [sflag:s20], $0x4000  }
0x7f: {  	[sflag:s20] =	ssyncset.done $0x0  }
0x80: {  	s29 =	simm.s32 $0x1480;
	[sflag:s20] =	ssyncadd.s32 $0xFFFFC000  }
0x81: {  	[spmem:s1] =	stream.indirect.scatter.add.f32 [tilespmem:s18], [sflag:$0x3], $0x80, s29, s16, $0xb8;
	[tilespmem:$0x1E800] =	vst v63  }
0x82: {  	_ =	swait.ge [sflag:s14], $0x4000  }
0x83: {  	[sflag:s14] =	ssyncset.done $0x0  }
0x84: {  	s30 =	simm.s32 $0x180;
	s29 =	simm.s32 $0x400;
	[sflag:s14] =	ssyncadd.s32 $0xFFFFC000  }
.LBB2_4:
0x85: {  	[tilespmem:s18], [sflag:$0x2] =	stream.indirect.gather [hbm4b:s4+s16], $0x80, s30, s16, $0xb8;
	[tilespmem:$0x1E800] =	vst v63  }
0x86: {  	s30 =	smov.u32 s29  }
0x87: {  	p0 =	sne.s32 s29, $0x4400;
	s29 =	sadd.s32 $0x400, s29;
	_ =	swait.ge [sflag:s19], $0x4000  }
0x88: {  	s30 =	sshra.s32 s30, $0x2;
	[sflag:s19] =	ssyncset.done $0x0  }
0x89: {  	s31 =	sadd.s32 $0x1400, s30;
	[sflag:s19] =	ssyncadd.s32 $0xFFFFC000  }
0x8a: {  	[spmem:s1] =	stream.indirect.scatter.add.f32 [tilespmem:s17], [sflag:$0x3], $0x80, s31, s16, $0xb8;
	[tilespmem:$0x1E800] =	vst v63  }
0x8b: {  	_ =	swait.ge [sflag:s14], $0x4000  }
0x8c: {  	[sflag:s14] =	ssyncset.done $0x0  }
0x8d: {  	s31 =	sadd.s32 $0x100, s30;
	[sflag:s14] =	ssyncadd.s32 $0xFFFFC000  }
0x8e: {  	[tilespmem:s17], [sflag:$0x1] =	stream.indirect.gather [hbm4b:s4+s16], $0x80, s31, s16, $0xb8;
	[tilespmem:$0x1E800] =	vst v63  }
0x8f: {  	_ =	swait.ge [sflag:s20], $0x4000  }
0x90: {  	[sflag:s20] =	ssyncset.done $0x0  }
.Ltmp1:
0x91: {  	s31 =	sadd.s32 $0x1480, s30;
	[sflag:s20] =	ssyncadd.s32 $0xFFFFC000;
	(pc) =	sbr.rel @p0 .LBB2_4-.Ltmp1, $4  }
0x92: {  	[spmem:s1] =	stream.indirect.scatter.add.f32 [tilespmem:s18], [sflag:$0x3], $0x80, s31, s16, $0xb8;
	[tilespmem:$0x1E800] =	vst v63  }
0x93: {  	_ =	swait.ge [sflag:s14], $0x4000  }
0x94: {  	[sflag:s14] =	ssyncset.done $0x0  }
0x95: {  	s30 =	sadd.s32 $0x180, s30;
	[sflag:s14] =	ssyncadd.s32 $0xFFFFC000  }
0x96: {  	[tilespmem:s18], [sflag:$0x2] =	stream.indirect.gather [hbm4b:s4+s16], $0x80, s30, s16, $0xb8;
	[tilespmem:$0x1E800] =	vst v63  }
0x97: {  	_ =	swait.ge [sflag:s19], $0x4000  }
0x98: {  	[sflag:s19] =	ssyncset.done $0x0  }
0x99: {  	[sflag:s19] =	ssyncadd.s32 $0xFFFFC000  }
0x9a: {  	[spmem:s1] =	stream.indirect.scatter.add.f32 [tilespmem:s17], [sflag:$0x3], $0x80, s21, s16, $0xb8;
	[tilespmem:$0x1E800] =	vst v63  }
0x9b: {  	_ =	swait.ge [sflag:s14], $0x4000  }
0x9c: {  	[sflag:s14] =	ssyncset.done $0x0  }
0x9d: {  	[sflag:s14] =	ssyncadd.s32 $0xFFFFC000  }
0x9e: {  	[tilespmem:s17], [sflag:$0x1] =	stream.indirect.gather [hbm4b:s4+s16], $0x80, s22, s16, $0xb8;
	[tilespmem:$0x1E800] =	vst v63  }
0x9f: {  	_ =	swait.ge [sflag:s20], $0x4000  }
0xa0: {  	[sflag:s20] =	ssyncset.done $0x0  }
0xa1: {  	[sflag:s20] =	ssyncadd.s32 $0xFFFFC000  }
0xa2: {  	[spmem:s1] =	stream.indirect.scatter.add.f32 [tilespmem:s18], [sflag:$0x3], $0x80, s23, s16, $0xb8;
	[tilespmem:$0x1E800] =	vst v63  }
0xa3: {  	_ =	swait.ge [sflag:s14], $0x4000  }
0xa4: {  	[sflag:s14] =	ssyncset.done $0x0  }
0xa5: {  	[sflag:s14] =	ssyncadd.s32 $0xFFFFC000  }
0xa6: {  	[tilespmem:s18], [sflag:$0x2] =	stream.indirect.gather [hbm4b:s4+s16], $0x80, s24, s16, $0xb8;
	[tilespmem:$0x1E800] =	vst v63  }
0xa7: {  	_ =	swait.ge [sflag:s19], $0x4000  }
0xa8: {  	[sflag:s19] =	ssyncset.done $0x0  }
0xa9: {  	[sflag:s19] =	ssyncadd.s32 $0xFFFFC000  }
0xaa: {  	[spmem:s1] =	stream.indirect.scatter.add.f32 [tilespmem:s17], [sflag:$0x3], $0x80, s25, s16, $0xb8;
	[tilespmem:$0x1E800] =	vst v63  }
0xab: {  	_ =	swait.ge [sflag:s14], $0x4000  }
0xac: {  	[sflag:s14] =	ssyncset.done $0x0  }
0xad: {  	[sflag:s14] =	ssyncadd.s32 $0xFFFFC000  }
0xae: {  	[tilespmem:s17], [sflag:$0x1] =	stream.indirect.gather [hbm4b:s4+s16], $0x80, s24, s16, $0xb8;
	[tilespmem:$0x1E800] =	vst v63  }
0xaf: {  	_ =	swait.ge [sflag:s20], $0x4000  }
0xb0: {  	[sflag:s20] =	ssyncset.done $0x0  }
0xb1: {  	[sflag:s20] =	ssyncadd.s32 $0xFFFFC000  }
0xb2: {  	[spmem:s1] =	stream.indirect.scatter.add.f32 [tilespmem:s18], [sflag:$0x3], $0x80, s26, s16, $0xb8;
	[tilespmem:$0x1E800] =	vst v63  }
0xb3: {  	_ =	swait.ge [sflag:s14], $0x4000  }
0xb4: {  	[sflag:s14] =	ssyncset.done $0x0  }
0xb5: {  	[sflag:s14] =	ssyncadd.s32 $0xFFFFC000  }
0xb6: {  	[tilespmem:s18], [sflag:$0x2] =	stream.indirect.gather [hbm4b:s4+s16], $0x80, s24, s16, $0xb8;
	[tilespmem:$0x1E800] =	vst v63  }
0xb7: {  	_ =	swait.ge [sflag:s19], $0x4000  }
0xb8: {  	[sflag:s19] =	ssyncset.done $0x0  }
0xb9: {  	[sflag:s19] =	ssyncadd.s32 $0xFFFFC000  }
0xba: {  	_ =	swait.ge [sflag:s20], $0x4000  }
0xbb: {  	s28 =	sadd.s32 $0x1, s28;
	[sflag:s20] =	ssyncset.done $0x0  }
0xbc: {  	p0 =	sne.s32 s28, s12;
	[sflag:s20] =	ssyncadd.s32 $0xFFFFC000  }
.Ltmp2:
0xbd: {  	[bflag:$0x0] =	sbarrier.arrive $0xFFFF;
	(pc) =	sbr.rel @p0 .LBB2_1-.Ltmp2, $4  }
0xbe: {  	[hbm:s11], [sflag:s6] =	dma.local [spmem:s13], $0x2800  }
0xbf: {  	_ =	swait.ge [sflag:s14], $0x2800  }
0xc0: {  	[sflag:s14] =	ssyncset.done $0x0  }
0xc1: {  	[sflag:s14] =	ssyncadd.s32 $0xFFFFD800  }
0xc2: {  	_ =	sfence.sel $0x180000  }
0xc3: {  	[bflag:$0x0] =	sbarrier.arrive $0xFFFF  }
0xc4: {  	p0 =	sne.s32 s2, $0x0;
	_ =	strace $0x9000004D  }
0xc5: {  	s0 =	sadd.s32 @!p0 $0x100000, s0;
	[bflag:$0x2] =	sbarrier.arrive $0xFFFF  }
0xc6: {  	[sflag:s0] =	ssyncadd.tile.s32 @!p0 $0x1;
	_ =	shalt  }
.Lfunc_end2:
_tile_overlayer_lowered:
.L_overlay_start_2:
0xc7: {  	(tag) =	ssettag $0x2  }
0xc8: {  	s0 =	rddreg [dreg:$0x0];
	s2 =	stileid.u32  }
0xc9: {  	s1 =	rddreg [dreg:$0x1];
	p0 =	sne.s32 s2, $0x0  }
0xca: {  	s3 =	rddreg [dreg:$0x2];
	[bflag:$0x3] =	sbarrier.arrive $0xFFFF;
	s2 =	simm.s32 @!p0 $0x1C03  }
0xcb: {  	[timem:s3], [sflag:s2] =	dma.local @!p0 [hbm:s0], s1  }
0xcc: {  	s0 =	simm.s32 @!p0 $0x3  }
0xcd: {  	_ =	swait.ge @!p0 [sflag:s0], s1  }
0xce: {  	s1 =	ssub.s32 @!p0 $0x0, s1;
	[sflag:s0] =	ssyncset.done @!p0 $0x0  }
0xcf: {  	[sflag:s0] =	ssyncadd.s32 @!p0 s1  }
0xd0: {  	[bflag:$0x3] =	sbarrier.arrive $0xFFFF  }
0xd1: {  	_ =	shalt  }

// kernel: kernel.20.cloned.1.call-start
scs
__scs_entry_jumppad:
0x0: {  	(pc) =	sbr.rel $0x88, $3  }
0x1: {  	(tag) =	ssettag $0x0;
	lr =	simm.s32 $0x1  }
0x2: {  	[smem:$0x3F99] =	sst lr;
	_ =	strace $0xD0000000  }
0x3: {  	_ = 	snop  }
0x4: {  	_ = 	snop  }
0x5: {  	_ = 	snop  }
0x6: {  	_ = 	snop  }
0x7: {  	_ = 	snop  }
__scs_overlays_trampoline_lowered:
0x8: {  	[smem:$0x3FA8] =	sst s0  }
0x9: {  	[smem:$0x3FA9] =	sst s1  }
0xa: {  	[smem:$0x3FAA] =	sst s2  }
0xb: {  	[smem:$0x3FAB] =	sst s3  }
0xc: {  	[smem:$0x3FAC] =	sst s4  }
0xd: {  	[smem:$0x3FAD] =	sst s5  }
0xe: {  	[smem:$0x3FAE] =	sst s6  }
0xf: {  	[smem:$0x3FAF] =	sst s7  }
0x10: {  	[smem:$0x3FB0] =	sst s8  }
0x11: {  	[smem:$0x3FB1] =	sst s9;
	s0 =	simm.s32 @!p0 $0x0  }
0x12: {  	s1 =	sld [smem:$0x3F97];
	s0 =	simm.s32 @p0 $0x1  }
0x13: {  	[smem:$0x3FB2] =	sst s0;
	s0 =	simm.s32 @!p1 $0x0  }
0x14: {  	s2 =	sld [smem:$0x3F96];
	s0 =	simm.s32 @p1 $0x1  }
0x15: {  	[smem:$0x3FB3] =	sst s0;
	s0 =	simm.s32 @!p2 $0x0  }
0x16: {  	s3 =	sld [smem:$0x3FDB];
	s0 =	simm.s32 @p2 $0x1  }
0x17: {  	s4 =	simm.s32 $0x1BF5;
	[smem:$0x3FB5] =	sst s0  }
0x18: {  	s0 =	sld [smem:$0x3F98];
	_ =	swait.ge [sflag:s4], $0x0  }
0x19: {  	s7 =	sld [smem:$0x3F99]  }
0x1a: {  	s8 =	sadd.s32 $0xFFFFE003, lr  }
0x1b: {  	s9 =	sadd.s32 $0xFFFFFEF7, lr;
	s5 =	simm.s32 $0xFFFFFFFF;
	p2 =	slt.u32 s8, $0xFFFFF086  }
0x1c: {  	p1 =	slt.u32 s9, $0xF7A;
	s5 =	simm.s32 @!p2 $0x0  }
0x1d: {  	s5 =	simm.s32 @p1 $0x1;
	p0 =	seq.s32 s7, s2  }
0x1e: {  	s7 =	smul.u32 @!p0 $0xF7A, s2;
	p2 =	seq.s32 @!p0 s5, $0x0  }
0x1f: {  	s9 =	smul.u32 $0xF7A, s1;
	s8 =	simm.s32 @!p0 $0x1BF5;
	p2 =	por !p2, p0  }
0x20: {  	[sflag:s8] =	ssyncset.s32 @!p0 $0xFFFFF086;
	s6 =	sadd.s32 @!p0 s3, s7;
	s7 =	simm.s32 @!p0 $0x108  }
0x21: {  	s3 =	sadd.s32 s3, s9;
	s6 =	sadd.s32 @!p0 $0x88, s6;
	s7 =	simm.s32 @p2 $0x1082  }
0x22: {  	[simem:s7], [sflag:s8] =	dma.local @!p0 [hbm:s6], $0xF7A  }
0x23: {  	s9 =	sor.u32 $0xD0000000, s2;
	s6 =	simm.s32 $0x108;
	_ =	swait.ge @!p0 [sflag:s8], $0x0  }
0x24: {  	s3 =	sadd.s32 $0x88, s3;
	s6 =	simm.s32 @!p1 $0x1082;
	[sflag:s4] =	ssyncset.s32 $0xFFFFF086  }
0x25: {  	[simem:s6], [sflag:s4] =	dma.local [hbm:s3], $0xF7A  }
0x26: {  	[smem:$0x3F99] =	sst s1;
	(tag) =	ssettag s2;
	_ =	strace s9  }
0x27: {  	s1 =	sld [smem:$0x3FA9]  }
0x28: {  	s2 =	sld [smem:$0x3FAA]  }
0x29: {  	s4 =	sld [smem:$0x3FAC]  }
0x2a: {  	p0 =	seq.s32 s5, $0x0;
	s5 =	sld [smem:$0x3FAD]  }
0x2b: {  	s6 =	sld [smem:$0x3FAE]  }
0x2c: {  	s7 =	sld [smem:$0x3FAF]  }
0x2d: {  	s3 =	simm.s32 $0x108;
	s8 =	sld [smem:$0x3FB0]  }
0x2e: {  	s3 =	simm.s32 @!p0 $0x1082;
	s9 =	sld [smem:$0x3FB1]  }
0x2f: {  	lr =	sadd.s32 s0, s3;
	s0 =	sld [smem:$0x3FA8]  }
0x30: {  	s3 =	sld [smem:$0x3FAB]  }
0x31: {  	[smem:$0x3FB4] =	sst s10  }
0x32: {  	s10 =	sld [smem:$0x3FB2];
	_ =	sdelay $0x3  }
0x33: {  	p0 =	seq.s32 s10, $0x1;
	s10 =	sld [smem:$0x3FB4];
	_ =	sdelay $0x3  }
0x34: {  	[smem:$0x3FB4] =	sst s10  }
0x35: {  	s10 =	sld [smem:$0x3FB3];
	_ =	sdelay $0x3  }
0x36: {  	p1 =	seq.s32 s10, $0x1;
	s10 =	sld [smem:$0x3FB4];
	_ =	sdelay $0x3  }
0x37: {  	[smem:$0x3FB4] =	sst s10  }
0x38: {  	s10 =	sld [smem:$0x3FB5]  }
0x39: {  	_ = 	snop;
	(pc) =	sbr.ind lr, $3  }
0x3a: {  	_ = 	snop  }
0x3b: {  	_ = 	snop  }
0x3c: {  	p2 =	seq.s32 s10, $0x1;
	s10 =	sld [smem:$0x3FB4]  }
0x3d: {  	_ =	shalt  }
0x3e: {  	_ =	shalt  }
0x3f: {  	_ =	shalt  }
0x40: {  	_ =	shalt  }
0x41: {  	_ =	shalt  }
0x42: {  	_ =	shalt  }
0x43: {  	_ =	shalt  }
0x44: {  	_ =	shalt  }
0x45: {  	_ =	shalt  }
0x46: {  	_ =	shalt  }
0x47: {  	_ =	shalt  }
0x48: {  	_ =	shalt  }
0x49: {  	_ =	shalt  }
0x4a: {  	_ =	shalt  }
0x4b: {  	_ =	shalt  }
0x4c: {  	_ =	shalt  }
0x4d: {  	_ =	shalt  }
0x4e: {  	_ =	shalt  }
0x4f: {  	_ =	shalt  }
0x50: {  	_ =	shalt  }
0x51: {  	_ =	shalt  }
0x52: {  	_ =	shalt  }
0x53: {  	_ =	shalt  }
0x54: {  	_ =	shalt  }
0x55: {  	_ =	shalt  }
0x56: {  	_ =	shalt  }
0x57: {  	_ =	shalt  }
0x58: {  	_ =	shalt  }
0x59: {  	_ =	shalt  }
0x5a: {  	_ =	shalt  }
0x5b: {  	_ =	shalt  }
0x5c: {  	_ =	shalt  }
0x5d: {  	_ =	shalt  }
0x5e: {  	_ =	shalt  }
0x5f: {  	_ =	shalt  }
0x60: {  	_ =	shalt  }
0x61: {  	_ =	shalt  }
0x62: {  	_ =	shalt  }
0x63: {  	_ =	shalt  }
0x64: {  	_ =	shalt  }
0x65: {  	_ =	shalt  }
0x66: {  	_ =	shalt  }
0x67: {  	_ =	shalt  }
0x68: {  	_ =	shalt  }
0x69: {  	_ =	shalt  }
0x6a: {  	_ =	shalt  }
0x6b: {  	_ =	shalt  }
0x6c: {  	_ =	shalt  }
0x6d: {  	_ =	shalt  }
0x6e: {  	_ =	shalt  }
0x6f: {  	_ =	shalt  }
0x70: {  	_ =	shalt  }
0x71: {  	_ =	shalt  }
0x72: {  	_ =	shalt  }
0x73: {  	_ =	shalt  }
0x74: {  	_ =	shalt  }
0x75: {  	_ =	shalt  }
0x76: {  	_ =	shalt  }
0x77: {  	_ =	shalt  }
0x78: {  	_ =	shalt  }
0x79: {  	_ =	shalt  }
0x7a: {  	_ =	shalt  }
0x7b: {  	_ =	shalt  }
0x7c: {  	_ =	shalt  }
0x7d: {  	_ =	shalt  }
0x7e: {  	_ =	shalt  }
0x7f: {  	_ =	shalt  }
0x80: {  	_ =	shalt  }
0x81: {  	_ =	shalt  }
0x82: {  	_ =	shalt  }
0x83: {  	_ =	shalt  }
0x84: {  	_ =	shalt  }
0x85: {  	_ =	shalt  }
0x86: {  	_ =	shalt  }
0x87: {  	_ =	shalt  }
.Lfunc_end0:
.L_simem_size_0:
called_computation.3_lowered:
.L_overlay_start_0:
0x88: {  	s2 =	sld [smem:$0x3FD9]  }
0x89: {  	s3 =	sld [smem:$0x3FFE];
	_ =	sdelay $0x1  }
0x8a: {  	s1 =	srdreg.scid  }
0x8b: {  	s0 =	sand.u32 $0x1, s1  }
0x8c: {  	s17 =	sshll.u32 s0, $0xA;
	s2 =	sadd.s32 s3, s2  }
0x8d: {  	s2 =	sadd.s32 s2, s17  }
0x8e: {  	[smem:$0x3FC0] =	sst s2  }
0x8f: {  	_ = 	snop  }
0x90: {  	s2 =	sld [smem:$0x3FD0];
	(tm) =	ssettm $0x1  }
0x91: {  	s18 =	sld [smem:$0x3FFB];
	_ =	sdelay $0x3  }
0x92: {  	_ =	strace s18  }
0x93: {  	s3 =	sld [smem:$0x3FFC];
	_ =	sdelay $0x3  }
0x94: {  	_ =	strace s3  }
0x95: {  	s3 =	sld [smem:$0x3FFD];
	_ =	sdelay $0x3  }
0x96: {  	_ =	strace s3  }
0x97: {  	_ =	strace $0x8FFFFFFF  }
0x98: {  	s19 =	sld [smem:$0x3FDB];
	_ =	sdelay $0x1  }
0x99: {  	s4 =	simm.s32 $_scs_section_size  }
0x9a: {  	s5 =	simm.s32 $_size__tile_overlayer_lowered;
	s6 =	simm.s32 $_tile_overlayer_lowered  }
0x9b: {  	s22 =	simm.s32 $0x1BFF;
	s21 =	sshll.u32 s6, $0x1;
	s3 =	sadd.s32 s4, s19  }
0x9c: {  	s7 =	simm.s32 $0x0;
	s20 =	sshll.u32 s5, $0x1;
	s5 =	sadd.s32 s21, s3  }
0x9d: {  	[timem:s7], [sflag:s22] =	dma.local [hbm:s5], s20  }
0x9e: {  	_ =	swait.ge [sflag:s22], s20  }
0x9f: {  	s4 =	ssub.s32 $0x0, s20;
	[sflag:s22] =	ssyncset.done $0x0  }
0xa0: {  	[sflag:s22] =	ssyncadd.s32 s4;
	_ =	sdelay $0x1  }
0xa1: {  	s23 =	simm.s32 $0x1B8B  }
0xa2: {  	_ =	swait.ge [sflag:s23], $0x1  }
0xa3: {  	[sflag:s23] =	ssyncset.done $0x0  }
0xa4: {  	s25 =	simm.s32 $0x1B8E;
	s24 =	sld [smem:$0x3FFE];
	[sflag:s23] =	ssyncadd.s32 $0xFFFFFFFF  }
0xa5: {  	s26 =	simm.s32 $execute0_lowered;
	[smem:$0x3FD2] =	sst s25  }
0xa6: {  	s5 =	sshll.u32 s26, $0x1;
	_ =	strace $0x8000004F;
	[dreg:$0x1] =	wrdreg $0xFFFFFFFF  }
0xa7: {  	s28 =	simm.s32 $_size_execute0_lowered;
	s3 =	sadd.s32 s3, s5;
	[dreg:$0x0] =	wrdreg $0x0  }
0xa8: {  	s5 =	sshll.u32 s28, $0x1;
	[dreg:$0x2] =	wrdreg s3  }
0xa9: {  	[dreg:$0x3] =	wrdreg s5  }
0xaa: {  	[dreg:$0x4] =	wrdreg $0xC0  }
0xab: {  	_ =	task [dreg:s7], $0x5FFFF  }
0xac: {  	[dreg:$0x1] =	wrdreg $0xFFFFFFFF  }
0xad: {  	[dreg:$0x0] =	wrdreg $0x60  }
0xae: {  	[dreg:$0x2] =	wrdreg s24  }
0xaf: {  	[dreg:$0x3] =	wrdreg s2  }
0xb0: {  	[dreg:$0x4] =	wrdreg $0xA8000  }
0xb1: {  	[dreg:$0x5] =	wrdreg $0x9  }
0xb2: {  	_ =	task.clear_ibuf [dreg:s7], $0x6FFFF;
	_ =	strace $0x9000004F  }
0xb3: {  	s29 =	simm.s32 $0x9;
	_ =	strace $0x80000051  }
0xb4: {  	_ =	swait.ge [sflag:s29], $0x1  }
0xb5: {  	[sflag:s29] =	ssyncadd.s32 $0xFFFFFFFF  }
0xb6: {  	_ =	strace $0x90000051  }
0xb7: {  	_ =	sfence  }
0xb8: {  	s30 =	sld [smem:$0x0];
	_ =	sdelay $0x2  }
0xb9: {  	s31 =	sshll.u32 s1, $0xD;
	s1 =	sshrl.u32 s1, $0x2  }
0xba: {  	s3 =	sand.u32 $0x4000, s31;
	s1 =	sadd.s32 s1, s30  }
0xbb: {  	s0 =	sor.u32 s3, s0;
	s1 =	sshll.u32 s1, $0x11  }
0xbc: {  	s0 =	sor.u32 s1, s0  }
0xbd: {  	s0 =	sadd.s32 $0x8F2B, s0  }
0xbe: {  	[sflag:s0] =	ssyncadd.remote.s32 $0x1  }
0xbf: {  	_ =	sfence.sel $0xFFFF  }
0xc0: {  	[dreg:$0x0] =	wrdreg $0xFFFFFFFF;
	(pc) =	sbr.abs _section_cstart, $3  }
0xc1: {  	[dreg:$0x1] =	wrdreg $0xFFFFFFFF  }
0xc2: {  	_ =	task.clear_ibuf [dreg:s7], $0x2FFFF;
	_ =	strace $0x9FFFFFFF  }
0xc3: {  	(tm) =	ssettm $0x7FFFFFFF  }
tec
execute0_lowered:
.L_overlay_start_1:
0x0: {  	(tag) =	ssettag $0x1  }
0x1: {  	s6 =	rddreg [dreg:$0x0]  }
0x2: {  	s10 =	rddreg [dreg:$0x1]  }
0x3: {  	s1 =	rddreg [dreg:$0x2];
	s2 =	srdreg.scid  }
0x4: {  	s0 =	rddreg [dreg:$0x3];
	s3 =	simm.s32 $0x0;
	s15 =	simm.s32 $0x1400  }
0x5: {  	s16 =	simm.s32 $0x80;
	s17 =	simm.s32 $0x2800;
	s18 =	simm.s32 $0x6800  }
0x6: {  	s19 =	simm.s32 $0x1;
	s20 =	simm.s32 $0x2;
	s21 =	simm.s32 $0x2600  }
0x7: {  	s22 =	simm.s32 $0x1300;
	s5 =	sand.u32 $0x1, s2;
	s2 =	stileid.u32  }
0x8: {  	s28 =	simm.s32 $0x0;
	[smem:$0x7FF] =	sst s3;
	s7 =	smul.u32 $0x140000, s5  }
0x9: {  	s4 =	sadd.s32 $0xF600, s6;
	s9 =	sadd.s32 $0x2E00, s6;
	s8 =	smul.u32 $0x14000, s2  }
0xa: {  	_ =	strace $0x80000050;
	s23 =	sshll.u32 s2, $0x1;
	s11 =	ssub.s32 $0x2, s5  }
0xb: {  	s24 =	smul.u32 $0x50000, s2;
	s26 =	sshll.u32 s2, $0x6;
	s5 =	sor.u32 s5, s23  }
0xc: {  	s12 =	sshrl.u32 s11, $0x1;
	s23 =	simm.s32 $0x2680;
	s7 =	sadd.s32 s8, s7  }
0xd: {  	s13 =	smul.u32 $0x2800, s5;
	s5 =	sadd.s32 $0xCE00, s6;
	s12 =	ssub.s32 s11, s12  }
0xe: {  	s25 =	sshrl.u32 s24, $0x2;
	s24 =	simm.s32 $0x1380;
	s7 =	sshrl.u32 s7, $0x3  }
0xf: {  	s30 =	sadd.s32 s25, s1;
	s12 =	smax.u32 s12, $0x1;
	s25 =	simm.s32 $0x2700  }
0x10: {  	s14 =	sadd.s32 s7, s6;
	s29 =	sshrl.u32 s13, $0x3;
	s6 =	sor.u32 $0x1C03, s26  }
0x11: {  	s13 =	sshrl.u32 s30, $0x3;
	s26 =	simm.s32 $0x2780;
	s31 =	sadd.s32 $0x280, s29  }
0x12: {  	s7 =	sadd.s32 s9, s29;
	s8 =	sadd.s32 s10, s29;
	s11 =	sadd.s32 $0x37600, s14  }
0x13: {  	s14 =	simm.s32 $0x3;
	s9 =	sadd.s32 s9, s31;
	s10 =	sadd.s32 s10, s31  }
.LBB2_1:
0x14: {  	[spmem:s13], [sflag:s6] =	dma.local [hbm:s5], $0x2800  }
0x15: {  	_ =	swait.ge [sflag:s14], $0x2800  }
0x16: {  	[sflag:s14] =	ssyncset.done $0x0  }
0x17: {  	[sflag:s14] =	ssyncadd.s32 $0xFFFFD800  }
0x18: {  	[bflag:$0x0] =	sbarrier.arrive $0xFFFF  }
0x19: {  	[tilespmem:s3], [sflag:$0x3] =	stream.linear.gather [hbm4b:s7+s3], $0x1400, $0x38;
	[tilespmem:$0x1E800] =	vst v63  }
0x1a: {  	_ =	swait.ge [sflag:s14], $0x1400  }
0x1b: {  	[sflag:s14] =	ssyncset.done $0x0  }
0x1c: {  	[sflag:s14] =	ssyncadd.s32 $0xFFFFEC00  }
0x1d: {  	[tilespmem:s15], [sflag:$0x3] =	stream.linear.gather [hbm4b:s8+s3], $0x1400, $0x38;
	[tilespmem:$0x1E800] =	vst v63  }
0x1e: {  	_ =	swait.ge [sflag:s14], $0x1400  }
0x1f: {  	[sflag:s14] =	ssyncset.done $0x0  }
0x20: {  	[sflag:s14] =	ssyncadd.s32 $0xFFFFEC00  }
0x21: {  	[tilespmem:s17], [sflag:$0x1] =	stream.indirect.gather [hbm4b:s4+s16], $0x80, s3, s16, $0xb8;
	[tilespmem:$0x1E800] =	vst v63  }
0x22: {  	_ = 	snop  }
0x23: {  	[tilespmem:s18], [sflag:$0x2] =	stream.indirect.gather [hbm4b:s4+s16], $0x80, s16, s16, $0xb8;
	[tilespmem:$0x1E800] =	vst v63  }
0x24: {  	_ =	swait.ge [sflag:s19], $0x4000  }
0x25: {  	[sflag:s19] =	ssyncset.done $0x0  }
0x26: {  	s29 =	simm.s32 $0x1400;
	[sflag:s19] =	ssyncadd.s32 $0xFFFFC000  }
0x27: {  	[spmem:s1] =	stream.indirect.scatter.add.f32 [tilespmem:s17], [sflag:$0x3], $0x80, s29, s16, $0xb8;
	[tilespmem:$0x1E800] =	vst v63  }
0x28: {  	_ =	swait.ge [sflag:s14], $0x4000  }
0x29: {  	[sflag:s14] =	ssyncset.done $0x0  }
0x2a: {  	s29 =	simm.s32 $0x100;
	[sflag:s14] =	ssyncadd.s32 $0xFFFFC000  }
0x2b: {  	[tilespmem:s17], [sflag:$0x1] =	stream.indirect.gather [hbm4b:s4+s16], $0x80, s29, s16, $0xb8;
	[tilespmem:$0x1E800] =	vst v63  }
0x2c: {  	_ =	swait.ge [sflag:s20], $0x4000  }
0x2d: {  	[sflag:s20] =	ssyncset.done $0x0  }
0x2e: {  	s29 =	simm.s32 $0x1480;
	[sflag:s20] =	ssyncadd.s32 $0xFFFFC000  }
0x2f: {  	[spmem:s1] =	stream.indirect.scatter.add.f32 [tilespmem:s18], [sflag:$0x3], $0x80, s29, s16, $0xb8;
	[tilespmem:$0x1E800] =	vst v63  }
0x30: {  	_ =	swait.ge [sflag:s14], $0x4000  }
0x31: {  	[sflag:s14] =	ssyncset.done $0x0  }
0x32: {  	s30 =	simm.s32 $0x180;
	s29 =	simm.s32 $0x400;
	[sflag:s14] =	ssyncadd.s32 $0xFFFFC000  }
.LBB2_2:
0x33: {  	[tilespmem:s18], [sflag:$0x2] =	stream.indirect.gather [hbm4b:s4+s16], $0x80, s30, s16, $0xb8;
	[tilespmem:$0x1E800] =	vst v63  }
0x34: {  	s30 =	smov.u32 s29  }
0x35: {  	p0 =	sne.s32 s29, $0x4400;
	s29 =	sadd.s32 $0x400, s29;
	_ =	swait.ge [sflag:s19], $0x4000  }
0x36: {  	s30 =	sshra.s32 s30, $0x2;
	[sflag:s19] =	ssyncset.done $0x0  }
0x37: {  	s31 =	sadd.s32 $0x1400, s30;
	[sflag:s19] =	ssyncadd.s32 $0xFFFFC000  }
0x38: {  	[spmem:s1] =	stream.indirect.scatter.add.f32 [tilespmem:s17], [sflag:$0x3], $0x80, s31, s16, $0xb8;
	[tilespmem:$0x1E800] =	vst v63  }
0x39: {  	_ =	swait.ge [sflag:s14], $0x4000  }
0x3a: {  	[sflag:s14] =	ssyncset.done $0x0  }
0x3b: {  	s31 =	sadd.s32 $0x100, s30;
	[sflag:s14] =	ssyncadd.s32 $0xFFFFC000  }
0x3c: {  	[tilespmem:s17], [sflag:$0x1] =	stream.indirect.gather [hbm4b:s4+s16], $0x80, s31, s16, $0xb8;
	[tilespmem:$0x1E800] =	vst v63  }
0x3d: {  	_ =	swait.ge [sflag:s20], $0x4000  }
0x3e: {  	[sflag:s20] =	ssyncset.done $0x0  }
.Ltmp0:
0x3f: {  	s31 =	sadd.s32 $0x1480, s30;
	[sflag:s20] =	ssyncadd.s32 $0xFFFFC000;
	(pc) =	sbr.rel @p0 .LBB2_2-.Ltmp0, $4  }
0x40: {  	[spmem:s1] =	stream.indirect.scatter.add.f32 [tilespmem:s18], [sflag:$0x3], $0x80, s31, s16, $0xb8;
	[tilespmem:$0x1E800] =	vst v63  }
0x41: {  	_ =	swait.ge [sflag:s14], $0x4000  }
0x42: {  	[sflag:s14] =	ssyncset.done $0x0  }
0x43: {  	s30 =	sadd.s32 $0x180, s30;
	[sflag:s14] =	ssyncadd.s32 $0xFFFFC000  }
0x44: {  	[tilespmem:s18], [sflag:$0x2] =	stream.indirect.gather [hbm4b:s4+s16], $0x80, s30, s16, $0xb8;
	[tilespmem:$0x1E800] =	vst v63  }
0x45: {  	_ =	swait.ge [sflag:s19], $0x4000  }
0x46: {  	[sflag:s19] =	ssyncset.done $0x0  }
0x47: {  	[sflag:s19] =	ssyncadd.s32 $0xFFFFC000  }
0x48: {  	[spmem:s1] =	stream.indirect.scatter.add.f32 [tilespmem:s17], [sflag:$0x3], $0x80, s21, s16, $0xb8;
	[tilespmem:$0x1E800] =	vst v63  }
0x49: {  	_ =	swait.ge [sflag:s14], $0x4000  }
0x4a: {  	[sflag:s14] =	ssyncset.done $0x0  }
0x4b: {  	[sflag:s14] =	ssyncadd.s32 $0xFFFFC000  }
0x4c: {  	[tilespmem:s17], [sflag:$0x1] =	stream.indirect.gather [hbm4b:s4+s16], $0x80, s22, s16, $0xb8;
	[tilespmem:$0x1E800] =	vst v63  }
0x4d: {  	_ =	swait.ge [sflag:s20], $0x4000  }
0x4e: {  	[sflag:s20] =	ssyncset.done $0x0  }
0x4f: {  	[sflag:s20] =	ssyncadd.s32 $0xFFFFC000  }
0x50: {  	[spmem:s1] =	stream.indirect.scatter.add.f32 [tilespmem:s18], [sflag:$0x3], $0x80, s23, s16, $0xb8;
	[tilespmem:$0x1E800] =	vst v63  }
0x51: {  	_ =	swait.ge [sflag:s14], $0x4000  }
0x52: {  	[sflag:s14] =	ssyncset.done $0x0  }
0x53: {  	[sflag:s14] =	ssyncadd.s32 $0xFFFFC000  }
0x54: {  	[tilespmem:s18], [sflag:$0x2] =	stream.indirect.gather [hbm4b:s4+s16], $0x80, s24, s16, $0xb8;
	[tilespmem:$0x1E800] =	vst v63  }
0x55: {  	_ =	swait.ge [sflag:s19], $0x4000  }
0x56: {  	[sflag:s19] =	ssyncset.done $0x0  }
0x57: {  	[sflag:s19] =	ssyncadd.s32 $0xFFFFC000  }
0x58: {  	[spmem:s1] =	stream.indirect.scatter.add.f32 [tilespmem:s17], [sflag:$0x3], $0x80, s25, s16, $0xb8;
	[tilespmem:$0x1E800] =	vst v63  }
0x59: {  	_ =	swait.ge [sflag:s14], $0x4000  }
0x5a: {  	[sflag:s14] =	ssyncset.done $0x0  }
0x5b: {  	[sflag:s14] =	ssyncadd.s32 $0xFFFFC000  }
0x5c: {  	[tilespmem:s17], [sflag:$0x1] =	stream.indirect.gather [hbm4b:s4+s16], $0x80, s24, s16, $0xb8;
	[tilespmem:$0x1E800] =	vst v63  }
0x5d: {  	_ =	swait.ge [sflag:s20], $0x4000  }
0x5e: {  	[sflag:s20] =	ssyncset.done $0x0  }
0x5f: {  	[sflag:s20] =	ssyncadd.s32 $0xFFFFC000  }
0x60: {  	[spmem:s1] =	stream.indirect.scatter.add.f32 [tilespmem:s18], [sflag:$0x3], $0x80, s26, s16, $0xb8;
	[tilespmem:$0x1E800] =	vst v63  }
0x61: {  	_ =	swait.ge [sflag:s14], $0x4000  }
0x62: {  	[sflag:s14] =	ssyncset.done $0x0  }
0x63: {  	[sflag:s14] =	ssyncadd.s32 $0xFFFFC000  }
0x64: {  	[tilespmem:s18], [sflag:$0x2] =	stream.indirect.gather [hbm4b:s4+s16], $0x80, s24, s16, $0xb8;
	[tilespmem:$0x1E800] =	vst v63  }
0x65: {  	_ =	swait.ge [sflag:s19], $0x4000  }
0x66: {  	[sflag:s19] =	ssyncset.done $0x0  }
0x67: {  	[sflag:s19] =	ssyncadd.s32 $0xFFFFC000  }
0x68: {  	_ =	swait.ge [sflag:s20], $0x4000  }
0x69: {  	[sflag:s20] =	ssyncset.done $0x0  }
0x6a: {  	s29 =	simm.s32 $0x0;
	[sflag:s20] =	ssyncadd.s32 $0xFFFFC000  }
0x6b: {  	[tilespmem:s29], [sflag:$0x3] =	stream.linear.gather [hbm4b:s9+s29], $0x1400, $0x38;
	[tilespmem:$0x1E800] =	vst v63  }
0x6c: {  	_ =	swait.ge [sflag:s14], $0x1400  }
0x6d: {  	[sflag:s14] =	ssyncset.done $0x0  }
0x6e: {  	[sflag:s14] =	ssyncadd.s32 $0xFFFFEC00  }
0x6f: {  	[tilespmem:s15], [sflag:$0x3] =	stream.linear.gather [hbm4b:s10+s29], $0x1400, $0x38;
	[tilespmem:$0x1E800] =	vst v63  }
0x70: {  	_ =	swait.ge [sflag:s14], $0x1400  }
0x71: {  	[sflag:s14] =	ssyncset.done $0x0  }
0x72: {  	[sflag:s14] =	ssyncadd.s32 $0xFFFFEC00  }
0x73: {  	[tilespmem:s17], [sflag:$0x1] =	stream.indirect.gather [hbm4b:s4+s16], $0x80, s29, s16, $0xb8;
	[tilespmem:$0x1E800] =	vst v63  }
0x74: {  	_ = 	snop  }
0x75: {  	[tilespmem:s18], [sflag:$0x2] =	stream.indirect.gather [hbm4b:s4+s16], $0x80, s16, s16, $0xb8;
	[tilespmem:$0x1E800] =	vst v63  }
0x76: {  	_ =	swait.ge [sflag:s19], $0x4000  }
0x77: {  	[sflag:s19] =	ssyncset.done $0x0  }
0x78: {  	s29 =	simm.s32 $0x1400;
	[sflag:s19] =	ssyncadd.s32 $0xFFFFC000  }
0x79: {  	[spmem:s1] =	stream.indirect.scatter.add.f32 [tilespmem:s17], [sflag:$0x3], $0x80, s29, s16, $0xb8;
	[tilespmem:$0x1E800] =	vst v63  }
0x7a: {  	_ =	swait.ge [sflag:s14], $0x4000  }
0x7b: {  	[sflag:s14] =	ssyncset.done $0x0  }
0x7c: {  	s29 =	simm.s32 $0x100;
	[sflag:s14] =	ssyncadd.s32 $0xFFFFC000  }
0x7d: {  	[tilespmem:s17], [sflag:$0x1] =	stream.indirect.gather [hbm4b:s4+s16], $0x80, s29, s16, $0xb8;
	[tilespmem:$0x1E800] =	vst v63  }
0x7e: {  	_ =	swait.ge [sflag:s20], $0x4000  }
0x7f: {  	[sflag:s20] =	ssyncset.done $0x0  }
0x80: {  	s29 =	simm.s32 $0x1480;
	[sflag:s20] =	ssyncadd.s32 $0xFFFFC000  }
0x81: {  	[spmem:s1] =	stream.indirect.scatter.add.f32 [tilespmem:s18], [sflag:$0x3], $0x80, s29, s16, $0xb8;
	[tilespmem:$0x1E800] =	vst v63  }
0x82: {  	_ =	swait.ge [sflag:s14], $0x4000  }
0x83: {  	[sflag:s14] =	ssyncset.done $0x0  }
0x84: {  	s30 =	simm.s32 $0x180;
	s29 =	simm.s32 $0x400;
	[sflag:s14] =	ssyncadd.s32 $0xFFFFC000  }
.LBB2_4:
0x85: {  	[tilespmem:s18], [sflag:$0x2] =	stream.indirect.gather [hbm4b:s4+s16], $0x80, s30, s16, $0xb8;
	[tilespmem:$0x1E800] =	vst v63  }
0x86: {  	s30 =	smov.u32 s29  }
0x87: {  	p0 =	sne.s32 s29, $0x4400;
	s29 =	sadd.s32 $0x400, s29;
	_ =	swait.ge [sflag:s19], $0x4000  }
0x88: {  	s30 =	sshra.s32 s30, $0x2;
	[sflag:s19] =	ssyncset.done $0x0  }
0x89: {  	s31 =	sadd.s32 $0x1400, s30;
	[sflag:s19] =	ssyncadd.s32 $0xFFFFC000  }
0x8a: {  	[spmem:s1] =	stream.indirect.scatter.add.f32 [tilespmem:s17], [sflag:$0x3], $0x80, s31, s16, $0xb8;
	[tilespmem:$0x1E800] =	vst v63  }
0x8b: {  	_ =	swait.ge [sflag:s14], $0x4000  }
0x8c: {  	[sflag:s14] =	ssyncset.done $0x0  }
0x8d: {  	s31 =	sadd.s32 $0x100, s30;
	[sflag:s14] =	ssyncadd.s32 $0xFFFFC000  }
0x8e: {  	[tilespmem:s17], [sflag:$0x1] =	stream.indirect.gather [hbm4b:s4+s16], $0x80, s31, s16, $0xb8;
	[tilespmem:$0x1E800] =	vst v63  }
0x8f: {  	_ =	swait.ge [sflag:s20], $0x4000  }
0x90: {  	[sflag:s20] =	ssyncset.done $0x0  }
.Ltmp1:
0x91: {  	s31 =	sadd.s32 $0x1480, s30;
	[sflag:s20] =	ssyncadd.s32 $0xFFFFC000;
	(pc) =	sbr.rel @p0 .LBB2_4-.Ltmp1, $4  }
0x92: {  	[spmem:s1] =	stream.indirect.scatter.add.f32 [tilespmem:s18], [sflag:$0x3], $0x80, s31, s16, $0xb8;
	[tilespmem:$0x1E800] =	vst v63  }
0x93: {  	_ =	swait.ge [sflag:s14], $0x4000  }
0x94: {  	[sflag:s14] =	ssyncset.done $0x0  }
0x95: {  	s30 =	sadd.s32 $0x180, s30;
	[sflag:s14] =	ssyncadd.s32 $0xFFFFC000  }
0x96: {  	[tilespmem:s18], [sflag:$0x2] =	stream.indirect.gather [hbm4b:s4+s16], $0x80, s30, s16, $0xb8;
	[tilespmem:$0x1E800] =	vst v63  }
0x97: {  	_ =	swait.ge [sflag:s19], $0x4000  }
0x98: {  	[sflag:s19] =	ssyncset.done $0x0  }
0x99: {  	[sflag:s19] =	ssyncadd.s32 $0xFFFFC000  }
0x9a: {  	[spmem:s1] =	stream.indirect.scatter.add.f32 [tilespmem:s17], [sflag:$0x3], $0x80, s21, s16, $0xb8;
	[tilespmem:$0x1E800] =	vst v63  }
0x9b: {  	_ =	swait.ge [sflag:s14], $0x4000  }
0x9c: {  	[sflag:s14] =	ssyncset.done $0x0  }
0x9d: {  	[sflag:s14] =	ssyncadd.s32 $0xFFFFC000  }
0x9e: {  	[tilespmem:s17], [sflag:$0x1] =	stream.indirect.gather [hbm4b:s4+s16], $0x80, s22, s16, $0xb8;
	[tilespmem:$0x1E800] =	vst v63  }
0x9f: {  	_ =	swait.ge [sflag:s20], $0x4000  }
0xa0: {  	[sflag:s20] =	ssyncset.done $0x0  }
0xa1: {  	[sflag:s20] =	ssyncadd.s32 $0xFFFFC000  }
0xa2: {  	[spmem:s1] =	stream.indirect.scatter.add.f32 [tilespmem:s18], [sflag:$0x3], $0x80, s23, s16, $0xb8;
	[tilespmem:$0x1E800] =	vst v63  }
0xa3: {  	_ =	swait.ge [sflag:s14], $0x4000  }
0xa4: {  	[sflag:s14] =	ssyncset.done $0x0  }
0xa5: {  	[sflag:s14] =	ssyncadd.s32 $0xFFFFC000  }
0xa6: {  	[tilespmem:s18], [sflag:$0x2] =	stream.indirect.gather [hbm4b:s4+s16], $0x80, s24, s16, $0xb8;
	[tilespmem:$0x1E800] =	vst v63  }
0xa7: {  	_ =	swait.ge [sflag:s19], $0x4000  }
0xa8: {  	[sflag:s19] =	ssyncset.done $0x0  }
0xa9: {  	[sflag:s19] =	ssyncadd.s32 $0xFFFFC000  }
0xaa: {  	[spmem:s1] =	stream.indirect.scatter.add.f32 [tilespmem:s17], [sflag:$0x3], $0x80, s25, s16, $0xb8;
	[tilespmem:$0x1E800] =	vst v63  }
0xab: {  	_ =	swait.ge [sflag:s14], $0x4000  }
0xac: {  	[sflag:s14] =	ssyncset.done $0x0  }
0xad: {  	[sflag:s14] =	ssyncadd.s32 $0xFFFFC000  }
0xae: {  	[tilespmem:s17], [sflag:$0x1] =	stream.indirect.gather [hbm4b:s4+s16], $0x80, s24, s16, $0xb8;
	[tilespmem:$0x1E800] =	vst v63  }
0xaf: {  	_ =	swait.ge [sflag:s20], $0x4000  }
0xb0: {  	[sflag:s20] =	ssyncset.done $0x0  }
0xb1: {  	[sflag:s20] =	ssyncadd.s32 $0xFFFFC000  }
0xb2: {  	[spmem:s1] =	stream.indirect.scatter.add.f32 [tilespmem:s18], [sflag:$0x3], $0x80, s26, s16, $0xb8;
	[tilespmem:$0x1E800] =	vst v63  }
0xb3: {  	_ =	swait.ge [sflag:s14], $0x4000  }
0xb4: {  	[sflag:s14] =	ssyncset.done $0x0  }
0xb5: {  	[sflag:s14] =	ssyncadd.s32 $0xFFFFC000  }
0xb6: {  	[tilespmem:s18], [sflag:$0x2] =	stream.indirect.gather [hbm4b:s4+s16], $0x80, s24, s16, $0xb8;
	[tilespmem:$0x1E800] =	vst v63  }
0xb7: {  	_ =	swait.ge [sflag:s19], $0x4000  }
0xb8: {  	[sflag:s19] =	ssyncset.done $0x0  }
0xb9: {  	[sflag:s19] =	ssyncadd.s32 $0xFFFFC000  }
0xba: {  	_ =	swait.ge [sflag:s20], $0x4000  }
0xbb: {  	s28 =	sadd.s32 $0x1, s28;
	[sflag:s20] =	ssyncset.done $0x0  }
0xbc: {  	p0 =	sne.s32 s28, s12;
	[sflag:s20] =	ssyncadd.s32 $0xFFFFC000  }
.Ltmp2:
0xbd: {  	[bflag:$0x0] =	sbarrier.arrive $0xFFFF;
	(pc) =	sbr.rel @p0 .LBB2_1-.Ltmp2, $4  }
0xbe: {  	[hbm:s11], [sflag:s6] =	dma.local [spmem:s13], $0x2800  }
0xbf: {  	_ =	swait.ge [sflag:s14], $0x2800  }
0xc0: {  	[sflag:s14] =	ssyncset.done $0x0  }
0xc1: {  	[sflag:s14] =	ssyncadd.s32 $0xFFFFD800  }
0xc2: {  	_ =	sfence.sel $0x180000  }
0xc3: {  	[bflag:$0x0] =	sbarrier.arrive $0xFFFF  }
0xc4: {  	p0 =	sne.s32 s2, $0x0;
	_ =	strace $0x90000050  }
0xc5: {  	s0 =	sadd.s32 @!p0 $0x100000, s0;
	[bflag:$0x2] =	sbarrier.arrive $0xFFFF  }
0xc6: {  	[sflag:s0] =	ssyncadd.tile.s32 @!p0 $0x1;
	_ =	shalt  }
.Lfunc_end2:
_tile_overlayer_lowered:
.L_overlay_start_2:
0xc7: {  	(tag) =	ssettag $0x2  }
0xc8: {  	s0 =	rddreg [dreg:$0x0];
	s2 =	stileid.u32  }
0xc9: {  	s1 =	rddreg [dreg:$0x1];
	p0 =	sne.s32 s2, $0x0  }
0xca: {  	s3 =	rddreg [dreg:$0x2];
	[bflag:$0x3] =	sbarrier.arrive $0xFFFF;
	s2 =	simm.s32 @!p0 $0x1C03  }
0xcb: {  	[timem:s3], [sflag:s2] =	dma.local @!p0 [hbm:s0], s1  }
0xcc: {  	s0 =	simm.s32 @!p0 $0x3  }
0xcd: {  	_ =	swait.ge @!p0 [sflag:s0], s1  }
0xce: {  	s1 =	ssub.s32 @!p0 $0x0, s1;
	[sflag:s0] =	ssyncset.done @!p0 $0x0  }
0xcf: {  	[sflag:s0] =	ssyncadd.s32 @!p0 s1  }
0xd0: {  	[bflag:$0x3] =	sbarrier.arrive $0xFFFF  }
0xd1: {  	_ =	shalt  }

</sc_bundles>
